<compile_context>
chip_gen: v7x
topology: tpu7x:2x2x1
jax: 0.10.2.dev20260603
libtpu: 0.0.44.dev20260713+nightly
codegen_flags: <defaults>
</compile_context>

<pallas_src>
import functools

import jax
import jax.numpy as jnp
from jax import lax
from jax.experimental import pallas as pl
from jax.experimental.pallas import tpu as pltpu
from jax.experimental.pallas import tpu_sc as plsc

N = 10000
E = 160000
D_IN = 256
H = 512
L = 5

NSC = 2
NSUB = 16
NCHUNK = 4
CW = H // NCHUNK

NPAD = 10240
ROWS_PER_SUB = NPAD // NSUB

EDGE_BATCH = 128
EPB = 80
IB = 40
EPT = EPB * EDGE_BATCH
E_PAD = EPT * NSUB

_mesh = plsc.VectorSubcoreMesh(core_axis_name="c", subcore_axis_name="s")

CHUNKS_PER_SC = NCHUNK // NSC


@functools.partial(
    pl.kernel,
    out_type=jax.ShapeDtypeStruct((NCHUNK * NPAD, CW), jnp.float32),
    mesh=_mesh,
    scratch_types=[
        pltpu.VMEM((IB * EDGE_BATCH,), jnp.int32),
        pltpu.VMEM((IB * EDGE_BATCH,), jnp.int32),
        pltpu.VMEM((EDGE_BATCH, CW), jnp.float32),
        pltpu.VMEM((EDGE_BATCH, CW), jnp.float32),
        pltpu.VMEM_SHARED((NPAD, CW), jnp.float32),
        pltpu.SemaphoreType.DMA,
        pltpu.SemaphoreType.DMA,
    ],
)
def _segment_sum_sc(hv_hbm, gidx_hbm, dst_hbm, zeros_hbm, out_hbm,
                    gidx_v, dst_v, rows_a, rows_b, agg_sh, sem_a, sem_b):
    c = lax.axis_index("c")
    s = lax.axis_index("s")
    row0 = s * ROWS_PER_SUB

    @pl.loop(0, CHUNKS_PER_SC)
    def _chunk_pass(r):
        chunk = c * CHUNKS_PER_SC + r
        pltpu.sync_copy(zeros_hbm.at[pl.ds(row0, ROWS_PER_SUB)],
                        agg_sh.at[pl.ds(row0, ROWS_PER_SUB)])
        plsc.subcore_barrier()

        @pl.loop(0, EPB // IB)
        def _idx_block(blk):
            pltpu.sync_copy(
                gidx_hbm.at[pl.ds((chunk * NSUB + s) * EPT
                                  + blk * IB * EDGE_BATCH,
                                  IB * EDGE_BATCH)], gidx_v)
            pltpu.sync_copy(
                dst_hbm.at[pl.ds(s * EPT + blk * IB * EDGE_BATCH,
                                 IB * EDGE_BATCH)], dst_v)

            def _gather(j, buf, sem):
                pltpu.async_copy(
                    hv_hbm.at[gidx_v.at[pl.ds(j * EDGE_BATCH, EDGE_BATCH)]],
                    buf, sem)

            def _wait(buf, sem):
                pltpu.make_async_copy(hv_hbm.at[pl.ds(0, EDGE_BATCH)], buf,
                                      sem).wait()

            def _scatter(j, buf):
                pltpu.sync_copy(
                    buf,
                    agg_sh.at[dst_v.at[pl.ds(j * EDGE_BATCH, EDGE_BATCH)]],
                    add=True)

            _gather(0, rows_a, sem_a)

            @pl.loop(0, IB, step=2)
            def _edge_batch(j):
                _gather(j + 1, rows_b, sem_b)
                _wait(rows_a, sem_a)
                _scatter(j, rows_a)

                @pl.when(j + 2 < IB)
                def _():
                    _gather(j + 2, rows_a, sem_a)

                _wait(rows_b, sem_b)
                _scatter(j + 1, rows_b)

        plsc.subcore_barrier()
        pltpu.sync_copy(
            agg_sh.at[pl.ds(row0, ROWS_PER_SUB)],
            out_hbm.at[pl.ds(chunk * NPAD + row0, ROWS_PER_SUB)])


ROW_BLK = 2048


def _bdot(a, b):
    return jnp.dot(a.astype(jnp.bfloat16), b.astype(jnp.bfloat16),
                   preferred_element_type=jnp.float32)


def _enc_body(x_ref, w1_ref, b1_ref, w2_ref, b2_ref, o_ref):
    z = jnp.maximum(_bdot(x_ref[...], w1_ref[...]) + b1_ref[...], 0.0)
    o_ref[...] = (_bdot(z, w2_ref[...])
                  + b2_ref[...]).reshape(NCHUNK * ROW_BLK, CW)


def _encoder_tc(xp, w1, b1, w2, b2):
    grid = (NPAD // ROW_BLK,)
    return pl.pallas_call(
        _enc_body,
        grid=grid,
        in_specs=[
            pl.BlockSpec((ROW_BLK, D_IN), lambda i: (i, 0)),
            pl.BlockSpec((D_IN, H), lambda i: (0, 0)),
            pl.BlockSpec((1, H), lambda i: (0, 0)),
            pl.BlockSpec((H, H), lambda i: (0, 0)),
            pl.BlockSpec((1, H), lambda i: (0, 0)),
        ],
        out_specs=pl.BlockSpec((NCHUNK * ROW_BLK, CW), lambda i: (i, 0)),
        out_shape=jax.ShapeDtypeStruct((NCHUNK * NPAD, CW), jnp.float32),
    )(xp, w1, b1, w2, b2)


def _gin_body(h_ref, agg_ref, w1_ref, b1_ref, w2_ref, b2_ref, eps_ref, o_ref):
    eps1 = 1.0 + eps_ref[0, 0]
    h = h_ref[...].reshape(ROW_BLK, H)
    acc = _bdot(h, w1_ref[...]) * eps1
    for cc in range(NCHUNK):
        acc = acc + _bdot(agg_ref[cc], w1_ref[cc * CW:(cc + 1) * CW, :])
    z = jnp.maximum(acc + b1_ref[...], 0.0)
    out = jnp.maximum(_bdot(z, w2_ref[...]) + b2_ref[...], 0.0)
    o_ref[...] = out.reshape(o_ref.shape)


def _gin_tc(h, agg, w1, b1, w2, b2, eps11, chunked_out=True):
    grid = (NPAD // ROW_BLK,)
    if chunked_out:
        out_spec = pl.BlockSpec((NCHUNK * ROW_BLK, CW), lambda i: (i, 0))
        out_shape = jax.ShapeDtypeStruct((NCHUNK * NPAD, CW), jnp.float32)
    else:
        out_spec = pl.BlockSpec((ROW_BLK, H), lambda i: (i, 0))
        out_shape = jax.ShapeDtypeStruct((NPAD, H), jnp.float32)
    return pl.pallas_call(
        _gin_body,
        grid=grid,
        in_specs=[
            pl.BlockSpec((NCHUNK * ROW_BLK, CW), lambda i: (i, 0)),
            pl.BlockSpec((NCHUNK, ROW_BLK, CW), lambda i: (0, i, 0)),
            pl.BlockSpec((H, H), lambda i: (0, 0)),
            pl.BlockSpec((1, H), lambda i: (0, 0)),
            pl.BlockSpec((H, H), lambda i: (0, 0)),
            pl.BlockSpec((1, H), lambda i: (0, 0)),
            pl.BlockSpec((1, 1), lambda i: (0, 0)),
        ],
        out_specs=out_spec,
        out_shape=out_shape,
    )(h, agg, w1, b1, w2, b2, eps11)


def kernel(x, enc_W1, enc_b1, enc_W2, enc_b2, gin_eps, gin_W1, gin_b1,
           gin_W2, gin_b2, edge_index):
    src = edge_index[0]
    dst = edge_index[1]

    pad_iota = jnp.arange(E_PAD - E, dtype=jnp.int32)
    src_full = jnp.concatenate([src, pad_iota % N])
    dst_full = jnp.concatenate([dst, N + pad_iota % (NPAD - N)])
    gidx = ((src_full * NCHUNK)[None, :]
            + jnp.arange(NCHUNK, dtype=jnp.int32)[:, None])
    gidx = gidx.reshape(-1)
    dstp = dst_full
    zeros = jnp.zeros((NPAD, CW), jnp.float32)

    xp = jnp.pad(x, ((0, NPAD - N), (0, 0)))
    h = _encoder_tc(xp, enc_W1, enc_b1.reshape(1, H), enc_W2,
                    enc_b2.reshape(1, H))

    for l in range(L):
        agg = _segment_sum_sc(h, gidx, dstp, zeros)
        h = _gin_tc(h, agg.reshape(NCHUNK, NPAD, CW), gin_W1[l],
                    gin_b1[l].reshape(1, H), gin_W2[l],
                    gin_b2[l].reshape(1, H), gin_eps[l].reshape(1, 1),
                    chunked_out=(l < L - 1))
    return h[:N]

# --- scband reference (transcript-rebuilt; emitter-appended) ---
"""Pipeline reference for scband-pretrainable-gnn-17033840296607 (READ-ONLY COPY).

The authoritative reference and input builder live on the scoring server;
editing this copy changes nothing except your own understanding.
"""

import jax, jax.numpy as jnp
import numpy as np

N = 10000
E = 160000
D_IN = 256
H = 512
L = 5


def setup_inputs(seed: int = 0) -> dict:
    key = jax.random.key(seed)
    ks = jax.random.split(key, 12)
    x = jax.random.normal(ks[0], (N, D_IN), dtype=jnp.float32)
    edge_index = jax.random.randint(ks[1], (2, E), 0, N, dtype=jnp.int32)
    enc_W1 = jax.random.normal(ks[2], (D_IN, H), dtype=jnp.float32) * 0.02
    enc_b1 = jnp.zeros((H,), dtype=jnp.float32)
    enc_W2 = jax.random.normal(ks[3], (H, H), dtype=jnp.float32) * 0.02
    enc_b2 = jnp.zeros((H,), dtype=jnp.float32)
    gin_eps = jnp.zeros((L,), dtype=jnp.float32)
    gin_W1 = jax.random.normal(ks[4], (L, H, H), dtype=jnp.float32) * 0.02
    gin_b1 = jnp.zeros((L, H), dtype=jnp.float32)
    gin_W2 = jax.random.normal(ks[5], (L, H, H), dtype=jnp.float32) * 0.02
    gin_b2 = jnp.zeros((L, H), dtype=jnp.float32)
    return {
        "x": x,
        "enc_W1": enc_W1, "enc_b1": enc_b1,
        "enc_W2": enc_W2, "enc_b2": enc_b2,
        "gin_eps": gin_eps,
        "gin_W1": gin_W1, "gin_b1": gin_b1,
        "gin_W2": gin_W2, "gin_b2": gin_b2,
        "edge_index": edge_index,
    }


def reference(x, enc_W1, enc_b1, enc_W2, enc_b2, gin_eps, gin_W1, gin_b1, gin_W2, gin_b2, edge_index):
    # InputEncoder: 2-layer MLP mapping domain input dim -> GNN_HIDDEN_DIM
    h = jnp.maximum(x @ enc_W1 + enc_b1, 0.0)
    h = h @ enc_W2 + enc_b2
    src = edge_index[0]
    dst = edge_index[1]
    # GIN backbone: L layers of (1+eps)*h + sum_{j in N(i)} h_j, followed by 2-layer MLP
    for l in range(L):
        msgs = h[src]                                   # gather (SparseCore)
        agg = jax.ops.segment_sum(msgs, dst, num_segments=N)  # scatter-add
        z = (1.0 + gin_eps[l]) * h + agg
        z = jnp.maximum(z @ gin_W1[l] + gin_b1[l], 0.0)
        h = jnp.maximum(z @ gin_W2[l] + gin_b2[l], 0.0)
    return h

if __name__ == "__main__":
    import jax
    _d = setup_inputs()
    print(jax.jit(kernel)(*tuple(_d.values())))

</pallas_src>

<mosaic_0001>
#map = affine_map<(d0, d1) -> (0, 0)>
#map1 = affine_map<(d0, d1) -> (0)>
module attributes {stable_mosaic.version = 14 : i64} {
  func.func @_segment_sum_sc(%arg0: i32, %arg1: i32, %arg2: memref<40960x128xf32, #tpu.memory_space<hbm>>, %arg3: memref<655360xi32, #tpu.memory_space<hbm>>, %arg4: memref<163840xi32, #tpu.memory_space<hbm>>, %arg5: memref<10240x128xf32, #tpu.memory_space<hbm>>, %arg6: memref<40960x128xf32, #tpu.memory_space<hbm>>, %arg7: memref<5120xi32, #tpu.memory_space<vmem>>, %arg8: memref<5120xi32, #tpu.memory_space<vmem>>, %arg9: memref<128x128xf32, #tpu.memory_space<vmem>>, %arg10: memref<128x128xf32, #tpu.memory_space<vmem>>, %arg11: memref<10240x128xf32, #tpu.memory_space<vmem_shared>>, %arg12: memref<!tpu.dma_semaphore, #tpu.memory_space<semaphore_mem>>, %arg13: memref<!tpu.dma_semaphore, #tpu.memory_space<semaphore_mem>>) attributes {dimension_semantics = [#tpu.dimension_semantics<core_parallel>, #tpu.dimension_semantics<subcore_parallel>], iteration_bounds = array<i64: 2, 16>, scalar_prefetch = 0 : i64, scratch_operands = 7 : i64, tpu.core_type = #tpu.core_type<sc_vector_subcore>, window_params = [{transform_indices = #map}, {transform_indices = #map1}, {transform_indices = #map1}, {transform_indices = #map}, {transform_indices = #map}]} {
    %mul3A = arith.constant 640 : i32
    %mul3A_0 = arith.muli %arg1, %mul3A : i32
    %scan3A = arith.constant 0 : i32
    %scan3A_1 = arith.constant 2 : i32
    %scan3A_2 = arith.addi %scan3A, %scan3A_1 : i32
    %scan3A_3 = arith.constant 1 : i32
    scf.for %scan3A_5 = %scan3A to %scan3A_2 step %scan3A_3  : i32 {
      %mul3A_6 = arith.constant 1 : i32
      %mul3A_7 = arith.muli %scan3A_5, %mul3A_6 : i32
      %add3A = arith.constant 0 : i32
      %add3A_8 = arith.addi %add3A, %mul3A_7 : i32
      %mul3A_9 = arith.constant 2 : i32
      %mul3A_10 = arith.muli %arg0, %mul3A_9 : i32
      %add3A_11 = arith.addi %mul3A_10, %add3A_8 : i32
      "tpu.region"() ({
        %run_scoped3A = tpu.sem_alloc : memref<!tpu.dma_semaphore, #tpu.memory_space<semaphore_mem>>
        %dma_start3A = arith.constant 0 : i32
        %dma_start3A_21 = tpu.memref_slice %arg11[%mul3A_0, %dma_start3A] : memref<10240x128xf32, #tpu.memory_space<vmem_shared>> -> memref<640x128xf32, #tpu.memory_space<vmem_shared>>
        %dma_start3A_22 = arith.constant 0 : i32
        %dma_start3A_23 = tpu.memref_slice %arg5[%mul3A_0, %dma_start3A_22] : memref<10240x128xf32, #tpu.memory_space<hbm>> -> memref<640x128xf32, #tpu.memory_space<hbm>>
        tpu.enqueue_dma source(%dma_start3A_23 : memref<640x128xf32, #tpu.memory_space<hbm>>) target(%dma_start3A_21 : memref<640x128xf32, #tpu.memory_space<vmem_shared>>) target_semaphore(%run_scoped3A : memref<!tpu.dma_semaphore, #tpu.memory_space<semaphore_mem>>)
        %dma_wait3A = arith.constant 0 : i32
        %dma_wait3A_24 = tpu.memref_slice %arg11[%mul3A_0, %dma_wait3A] : memref<10240x128xf32, #tpu.memory_space<vmem_shared>> -> memref<640x128xf32, #tpu.memory_space<vmem_shared>>
        %dma_wait3A_25 = arith.constant 0 : i32
        %dma_wait3A_26 = tpu.memref_slice %arg5[%mul3A_0, %dma_wait3A_25] : memref<10240x128xf32, #tpu.memory_space<hbm>> -> memref<640x128xf32, #tpu.memory_space<hbm>>
        tpu.wait_dma2 semaphore(%run_scoped3A : memref<!tpu.dma_semaphore, #tpu.memory_space<semaphore_mem>>) src(%dma_wait3A_26 : memref<640x128xf32, #tpu.memory_space<hbm>>) dst(%dma_wait3A_24 : memref<640x128xf32, #tpu.memory_space<vmem_shared>>)
        tpu.yield
      }) : () -> ()
      %barrier3A = arith.constant 0 : index
      tpu.barrier barrier_id(%barrier3A)
      %scan3A_12 = arith.constant 0 : i32
      %scan3A_13 = arith.constant 2 : i32
      %scan3A_14 = arith.addi %scan3A_12, %scan3A_13 : i32
      %scan3A_15 = arith.constant 1 : i32
      scf.for %scan3A_21 = %scan3A_12 to %scan3A_14 step %scan3A_15  : i32 {
        %mul3A_22 = arith.constant 1 : i32
        %mul3A_23 = arith.muli %scan3A_21, %mul3A_22 : i32
        %add3A_24 = arith.constant 0 : i32
        %add3A_25 = arith.addi %add3A_24, %mul3A_23 : i32
        %mul3A_26 = arith.constant 16 : i32
        %mul3A_27 = arith.muli %add3A_11, %mul3A_26 : i32
        %add3A_28 = arith.addi %mul3A_27, %arg1 : i32
        %mul3A_29 = arith.constant 10240 : i32
        %mul3A_30 = arith.muli %add3A_28, %mul3A_29 : i32
        %mul3A_31 = arith.constant 40 : i32
        %mul3A_32 = arith.muli %add3A_25, %mul3A_31 : i32
        %mul3A_33 = arith.constant 128 : i32
        %mul3A_34 = arith.muli %mul3A_32, %mul3A_33 : i32
        %add3A_35 = arith.addi %mul3A_30, %mul3A_34 : i32
        "tpu.region"() ({
          %run_scoped3A = tpu.sem_alloc : memref<!tpu.dma_semaphore, #tpu.memory_space<semaphore_mem>>
          %dma_start3A_52 = tpu.memref_slice %arg3[%add3A_35] : memref<655360xi32, #tpu.memory_space<hbm>> -> memref<5120xi32, #tpu.memory_space<hbm>>
          %dma_start3A_53 = tpu.memref_slice %arg3[%add3A_35] : memref<655360xi32, #tpu.memory_space<hbm>> -> memref<5120xi32, #tpu.memory_space<hbm>>
          tpu.enqueue_dma source(%dma_start3A_53 : memref<5120xi32, #tpu.memory_space<hbm>>) target(%arg7 : memref<5120xi32, #tpu.memory_space<vmem>>) target_semaphore(%run_scoped3A : memref<!tpu.dma_semaphore, #tpu.memory_space<semaphore_mem>>)
          %dma_wait3A = tpu.memref_slice %arg3[%add3A_35] : memref<655360xi32, #tpu.memory_space<hbm>> -> memref<5120xi32, #tpu.memory_space<hbm>>
          %dma_wait3A_54 = tpu.memref_slice %arg3[%add3A_35] : memref<655360xi32, #tpu.memory_space<hbm>> -> memref<5120xi32, #tpu.memory_space<hbm>>
          tpu.wait_dma2 semaphore(%run_scoped3A : memref<!tpu.dma_semaphore, #tpu.memory_space<semaphore_mem>>) src(%dma_wait3A_54 : memref<5120xi32, #tpu.memory_space<hbm>>) dst(%arg7 : memref<5120xi32, #tpu.memory_space<vmem>>)
          tpu.yield
        }) : () -> ()
        %mul3A_36 = arith.constant 10240 : i32
        %mul3A_37 = arith.muli %arg1, %mul3A_36 : i32
        %mul3A_38 = arith.constant 40 : i32
        %mul3A_39 = arith.muli %add3A_25, %mul3A_38 : i32
        %mul3A_40 = arith.constant 128 : i32
        %mul3A_41 = arith.muli %mul3A_39, %mul3A_40 : i32
        %add3A_42 = arith.addi %mul3A_37, %mul3A_41 : i32
        "tpu.region"() ({
          %run_scoped3A = tpu.sem_alloc : memref<!tpu.dma_semaphore, #tpu.memory_space<semaphore_mem>>
          %dma_start3A_52 = tpu.memref_slice %arg4[%add3A_42] : memref<163840xi32, #tpu.memory_space<hbm>> -> memref<5120xi32, #tpu.memory_space<hbm>>
          %dma_start3A_53 = tpu.memref_slice %arg4[%add3A_42] : memref<163840xi32, #tpu.memory_space<hbm>> -> memref<5120xi32, #tpu.memory_space<hbm>>
          tpu.enqueue_dma source(%dma_start3A_53 : memref<5120xi32, #tpu.memory_space<hbm>>) target(%arg8 : memref<5120xi32, #tpu.memory_space<vmem>>) target_semaphore(%run_scoped3A : memref<!tpu.dma_semaphore, #tpu.memory_space<semaphore_mem>>)
          %dma_wait3A = tpu.memref_slice %arg4[%add3A_42] : memref<163840xi32, #tpu.memory_space<hbm>> -> memref<5120xi32, #tpu.memory_space<hbm>>
          %dma_wait3A_54 = tpu.memref_slice %arg4[%add3A_42] : memref<163840xi32, #tpu.memory_space<hbm>> -> memref<5120xi32, #tpu.memory_space<hbm>>
          tpu.wait_dma2 semaphore(%run_scoped3A : memref<!tpu.dma_semaphore, #tpu.memory_space<semaphore_mem>>) src(%dma_wait3A_54 : memref<5120xi32, #tpu.memory_space<hbm>>) dst(%arg8 : memref<5120xi32, #tpu.memory_space<vmem>>)
          tpu.yield
        }) : () -> ()
        %dma_start3A = arith.constant 0 : i32
        %dma_start3A_43 = tpu.memref_slice %arg7[%dma_start3A] : memref<5120xi32, #tpu.memory_space<vmem>> -> memref<128xi32, #tpu.memory_space<vmem>>
        %dma_start3A_44 = arith.constant 0 : i32
        %dma_start3A_45 = arith.constant 0 : i32
        %dma_start3A_46 = tpu.memref_slice %arg2[%dma_start3A_44, %dma_start3A_45] : memref<40960x128xf32, #tpu.memory_space<hbm>> -> memref<40960x128xf32, #tpu.memory_space<hbm>>
        tpu.enqueue_indirect_dma source(%dma_start3A_46 : memref<40960x128xf32, #tpu.memory_space<hbm>>) target(%arg9 : memref<128x128xf32, #tpu.memory_space<vmem>>) offsets(%dma_start3A_43 : memref<128xi32, #tpu.memory_space<vmem>>) semaphore(%arg12 : memref<!tpu.dma_semaphore, #tpu.memory_space<semaphore_mem>>)
        %scan3A_47 = arith.constant 0 : i32
        %scan3A_48 = arith.constant 20 : i32
        %scan3A_49 = arith.addi %scan3A_47, %scan3A_48 : i32
        %scan3A_50 = arith.constant 1 : i32
        scf.for %scan3A_52 = %scan3A_47 to %scan3A_49 step %scan3A_50  : i32 {
          %mul3A_53 = arith.constant 2 : i32
          %mul3A_54 = arith.muli %scan3A_52, %mul3A_53 : i32
          %add3A_55 = arith.constant 0 : i32
          %add3A_56 = arith.addi %add3A_55, %mul3A_54 : i32
          %add3A_57 = arith.constant 1 : i32
          %add3A_58 = arith.addi %add3A_56, %add3A_57 : i32
          %mul3A_59 = arith.constant 128 : i32
          %mul3A_60 = arith.muli %add3A_58, %mul3A_59 : i32
          %dma_start3A_61 = tpu.memref_slice %arg7[%mul3A_60] : memref<5120xi32, #tpu.memory_space<vmem>> -> memref<128xi32, #tpu.memory_space<vmem>>
          %dma_start3A_62 = arith.constant 0 : i32
          %dma_start3A_63 = arith.constant 0 : i32
          %dma_start3A_64 = tpu.memref_slice %arg2[%dma_start3A_62, %dma_start3A_63] : memref<40960x128xf32, #tpu.memory_space<hbm>> -> memref<40960x128xf32, #tpu.memory_space<hbm>>
          tpu.enqueue_indirect_dma source(%dma_start3A_64 : memref<40960x128xf32, #tpu.memory_space<hbm>>) target(%arg10 : memref<128x128xf32, #tpu.memory_space<vmem>>) offsets(%dma_start3A_61 : memref<128xi32, #tpu.memory_space<vmem>>) semaphore(%arg13 : memref<!tpu.dma_semaphore, #tpu.memory_space<semaphore_mem>>)
          %dma_wait3A = arith.constant 0 : i32
          %dma_wait3A_65 = arith.constant 0 : i32
          %dma_wait3A_66 = tpu.memref_slice %arg2[%dma_wait3A, %dma_wait3A_65] : memref<40960x128xf32, #tpu.memory_space<hbm>> -> memref<128x128xf32, #tpu.memory_space<hbm>>
          %dma_wait3A_67 = arith.constant 0 : i32
          %dma_wait3A_68 = arith.constant 0 : i32
          %dma_wait3A_69 = tpu.memref_slice %arg2[%dma_wait3A_67, %dma_wait3A_68] : memref<40960x128xf32, #tpu.memory_space<hbm>> -> memref<128x128xf32, #tpu.memory_space<hbm>>
          tpu.wait_dma2 semaphore(%arg12 : memref<!tpu.dma_semaphore, #tpu.memory_space<semaphore_mem>>) src(%dma_wait3A_69 : memref<128x128xf32, #tpu.memory_space<hbm>>) dst(%arg9 : memref<128x128xf32, #tpu.memory_space<vmem>>)
          %mul3A_70 = arith.constant 128 : i32
          %mul3A_71 = arith.muli %add3A_56, %mul3A_70 : i32
          "tpu.region"() ({
            %run_scoped3A = tpu.sem_alloc : memref<!tpu.dma_semaphore, #tpu.memory_space<semaphore_mem>>
            %dma_start3A_86 = tpu.memref_slice %arg8[%mul3A_71] : memref<5120xi32, #tpu.memory_space<vmem>> -> memref<128xi32, #tpu.memory_space<vmem>>
            %dma_start3A_87 = arith.constant 0 : i32
            %dma_start3A_88 = arith.constant 0 : i32
            %dma_start3A_89 = tpu.memref_slice %arg11[%dma_start3A_87, %dma_start3A_88] : memref<10240x128xf32, #tpu.memory_space<vmem_shared>> -> memref<10240x128xf32, #tpu.memory_space<vmem_shared>>
            tpu.enqueue_indirect_dma source(%arg9 : memref<128x128xf32, #tpu.memory_space<vmem>>) target(%dma_start3A_89 : memref<10240x128xf32, #tpu.memory_space<vmem_shared>>) offsets(%dma_start3A_86 : memref<128xi32, #tpu.memory_space<vmem>>) semaphore(%run_scoped3A : memref<!tpu.dma_semaphore, #tpu.memory_space<semaphore_mem>>) {add = true}
            %dma_wait3A_90 = tpu.memref_slice %arg8[%mul3A_71] : memref<5120xi32, #tpu.memory_space<vmem>> -> memref<128xi32, #tpu.memory_space<vmem>>
            %dma_wait3A_91 = arith.constant 0 : i32
            %dma_wait3A_92 = arith.constant 0 : i32
            %dma_wait3A_93 = tpu.memref_slice %arg11[%dma_wait3A_91, %dma_wait3A_92] : memref<10240x128xf32, #tpu.memory_space<vmem_shared>> -> memref<10240x128xf32, #tpu.memory_space<vmem_shared>>
            tpu.wait_indirect_dma semaphore(%run_scoped3A : memref<!tpu.dma_semaphore, #tpu.memory_space<semaphore_mem>>) src(%arg9 : memref<128x128xf32, #tpu.memory_space<vmem>>) dst(%dma_wait3A_93 : memref<10240x128xf32, #tpu.memory_space<vmem_shared>>)
            tpu.yield
          }) : () -> ()
          %add3A_72 = arith.constant 2 : i32
          %add3A_73 = arith.addi %add3A_56, %add3A_72 : i32
          %lt3A = arith.constant 40 : i32
          %lt3A_74 = arith.cmpi slt, %add3A_73, %lt3A : i32
          %convert_element_type3A = arith.extui %lt3A_74 : i1 to i32
          %cond3A = arith.constant 0 : i32
          %cond3A_75 = arith.cmpi ne, %convert_element_type3A, %cond3A : i32
          scf.if %cond3A_75 {
            %add3A_86 = arith.constant 2 : i32
            %add3A_87 = arith.addi %add3A_56, %add3A_86 : i32
            %mul3A_88 = arith.constant 128 : i32
            %mul3A_89 = arith.muli %add3A_87, %mul3A_88 : i32
            %dma_start3A_90 = tpu.memref_slice %arg7[%mul3A_89] : memref<5120xi32, #tpu.memory_space<vmem>> -> memref<128xi32, #tpu.memory_space<vmem>>
            %dma_start3A_91 = arith.constant 0 : i32
            %dma_start3A_92 = arith.constant 0 : i32
            %dma_start3A_93 = tpu.memref_slice %arg2[%dma_start3A_91, %dma_start3A_92] : memref<40960x128xf32, #tpu.memory_space<hbm>> -> memref<40960x128xf32, #tpu.memory_space<hbm>>
            tpu.enqueue_indirect_dma source(%dma_start3A_93 : memref<40960x128xf32, #tpu.memory_space<hbm>>) target(%arg9 : memref<128x128xf32, #tpu.memory_space<vmem>>) offsets(%dma_start3A_90 : memref<128xi32, #tpu.memory_space<vmem>>) semaphore(%arg12 : memref<!tpu.dma_semaphore, #tpu.memory_space<semaphore_mem>>)
          } else {
          }
          %dma_wait3A_76 = arith.constant 0 : i32
          %dma_wait3A_77 = arith.constant 0 : i32
          %dma_wait3A_78 = tpu.memref_slice %arg2[%dma_wait3A_76, %dma_wait3A_77] : memref<40960x128xf32, #tpu.memory_space<hbm>> -> memref<128x128xf32, #tpu.memory_space<hbm>>
          %dma_wait3A_79 = arith.constant 0 : i32
          %dma_wait3A_80 = arith.constant 0 : i32
          %dma_wait3A_81 = tpu.memref_slice %arg2[%dma_wait3A_79, %dma_wait3A_80] : memref<40960x128xf32, #tpu.memory_space<hbm>> -> memref<128x128xf32, #tpu.memory_space<hbm>>
          tpu.wait_dma2 semaphore(%arg13 : memref<!tpu.dma_semaphore, #tpu.memory_space<semaphore_mem>>) src(%dma_wait3A_81 : memref<128x128xf32, #tpu.memory_space<hbm>>) dst(%arg10 : memref<128x128xf32, #tpu.memory_space<vmem>>)
          %add3A_82 = arith.constant 1 : i32
          %add3A_83 = arith.addi %add3A_56, %add3A_82 : i32
          %mul3A_84 = arith.constant 128 : i32
          %mul3A_85 = arith.muli %add3A_83, %mul3A_84 : i32
          "tpu.region"() ({
            %run_scoped3A = tpu.sem_alloc : memref<!tpu.dma_semaphore, #tpu.memory_space<semaphore_mem>>
            %dma_start3A_86 = tpu.memref_slice %arg8[%mul3A_85] : memref<5120xi32, #tpu.memory_space<vmem>> -> memref<128xi32, #tpu.memory_space<vmem>>
            %dma_start3A_87 = arith.constant 0 : i32
            %dma_start3A_88 = arith.constant 0 : i32
            %dma_start3A_89 = tpu.memref_slice %arg11[%dma_start3A_87, %dma_start3A_88] : memref<10240x128xf32, #tpu.memory_space<vmem_shared>> -> memref<10240x128xf32, #tpu.memory_space<vmem_shared>>
            tpu.enqueue_indirect_dma source(%arg10 : memref<128x128xf32, #tpu.memory_space<vmem>>) target(%dma_start3A_89 : memref<10240x128xf32, #tpu.memory_space<vmem_shared>>) offsets(%dma_start3A_86 : memref<128xi32, #tpu.memory_space<vmem>>) semaphore(%run_scoped3A : memref<!tpu.dma_semaphore, #tpu.memory_space<semaphore_mem>>) {add = true}
            %dma_wait3A_90 = tpu.memref_slice %arg8[%mul3A_85] : memref<5120xi32, #tpu.memory_space<vmem>> -> memref<128xi32, #tpu.memory_space<vmem>>
            %dma_wait3A_91 = arith.constant 0 : i32
            %dma_wait3A_92 = arith.constant 0 : i32
            %dma_wait3A_93 = tpu.memref_slice %arg11[%dma_wait3A_91, %dma_wait3A_92] : memref<10240x128xf32, #tpu.memory_space<vmem_shared>> -> memref<10240x128xf32, #tpu.memory_space<vmem_shared>>
            tpu.wait_indirect_dma semaphore(%run_scoped3A : memref<!tpu.dma_semaphore, #tpu.memory_space<semaphore_mem>>) src(%arg10 : memref<128x128xf32, #tpu.memory_space<vmem>>) dst(%dma_wait3A_93 : memref<10240x128xf32, #tpu.memory_space<vmem_shared>>)
            tpu.yield
          }) : () -> ()
        }
        %scan3A_51 = arith.constant 20 : i32
      }
      %scan3A_16 = arith.constant 2 : i32
      %barrier3A_17 = arith.constant 0 : index
      tpu.barrier barrier_id(%barrier3A_17)
      %mul3A_18 = arith.constant 10240 : i32
      %mul3A_19 = arith.muli %add3A_11, %mul3A_18 : i32
      %add3A_20 = arith.addi %mul3A_19, %mul3A_0 : i32
      "tpu.region"() ({
        %run_scoped3A = tpu.sem_alloc : memref<!tpu.dma_semaphore, #tpu.memory_space<semaphore_mem>>
        %dma_start3A = arith.constant 0 : i32
        %dma_start3A_21 = tpu.memref_slice %arg6[%add3A_20, %dma_start3A] : memref<40960x128xf32, #tpu.memory_space<hbm>> -> memref<640x128xf32, #tpu.memory_space<hbm>>
        %dma_start3A_22 = arith.constant 0 : i32
        %dma_start3A_23 = tpu.memref_slice %arg11[%mul3A_0, %dma_start3A_22] : memref<10240x128xf32, #tpu.memory_space<vmem_shared>> -> memref<640x128xf32, #tpu.memory_space<vmem_shared>>
        tpu.enqueue_dma source(%dma_start3A_23 : memref<640x128xf32, #tpu.memory_space<vmem_shared>>) target(%dma_start3A_21 : memref<640x128xf32, #tpu.memory_space<hbm>>) target_semaphore(%run_scoped3A : memref<!tpu.dma_semaphore, #tpu.memory_space<semaphore_mem>>)
        %dma_wait3A = arith.constant 0 : i32
        %dma_wait3A_24 = tpu.memref_slice %arg6[%add3A_20, %dma_wait3A] : memref<40960x128xf32, #tpu.memory_space<hbm>> -> memref<640x128xf32, #tpu.memory_space<hbm>>
        %dma_wait3A_25 = arith.constant 0 : i32
        %dma_wait3A_26 = tpu.memref_slice %arg11[%mul3A_0, %dma_wait3A_25] : memref<10240x128xf32, #tpu.memory_space<vmem_shared>> -> memref<640x128xf32, #tpu.memory_space<vmem_shared>>
        tpu.wait_dma2 semaphore(%run_scoped3A : memref<!tpu.dma_semaphore, #tpu.memory_space<semaphore_mem>>) src(%dma_wait3A_26 : memref<640x128xf32, #tpu.memory_space<vmem_shared>>) dst(%dma_wait3A_24 : memref<640x128xf32, #tpu.memory_space<hbm>>)
        tpu.yield
      }) : () -> ()
    }
    %scan3A_4 = arith.constant 2 : i32
    return
  }
}

#map = affine_map<(d0, d1) -> (0, 0)>
#map1 = affine_map<(d0, d1) -> (0)>
module attributes {stable_mosaic.version = 14 : i64} {
  func.func @_segment_sum_sc(%arg0: i32, %arg1: i32, %arg2: memref<40960x128xf32, #tpu.memory_space<hbm>>, %arg3: memref<655360xi32, #tpu.memory_space<hbm>>, %arg4: memref<163840xi32, #tpu.memory_space<hbm>>, %arg5: memref<10240x128xf32, #tpu.memory_space<hbm>>, %arg6: memref<40960x128xf32, #tpu.memory_space<hbm>>, %arg7: memref<5120xi32, #tpu.memory_space<vmem>>, %arg8: memref<5120xi32, #tpu.memory_space<vmem>>, %arg9: memref<128x128xf32, #tpu.memory_space<vmem>>, %arg10: memref<128x128xf32, #tpu.memory_space<vmem>>, %arg11: memref<10240x128xf32, #tpu.memory_space<vmem_shared>>, %arg12: memref<!tpu.dma_semaphore, #tpu.memory_space<semaphore_mem>>, %arg13: memref<!tpu.dma_semaphore, #tpu.memory_space<semaphore_mem>>) attributes {dimension_semantics = [#tpu.dimension_semantics<core_parallel>, #tpu.dimension_semantics<subcore_parallel>], iteration_bounds = array<i64: 2, 16>, scalar_prefetch = 0 : i64, scratch_operands = 7 : i64, tpu.core_type = #tpu.core_type<sc_vector_subcore>, window_params = [{transform_indices = #map}, {transform_indices = #map1}, {transform_indices = #map1}, {transform_indices = #map}, {transform_indices = #map}]} {
    %mul3A = arith.constant 640 : i32
    %mul3A_0 = arith.muli %arg1, %mul3A : i32
    %scan3A = arith.constant 0 : i32
    %scan3A_1 = arith.constant 2 : i32
    %scan3A_2 = arith.addi %scan3A, %scan3A_1 : i32
    %scan3A_3 = arith.constant 1 : i32
    scf.for %scan3A_5 = %scan3A to %scan3A_2 step %scan3A_3  : i32 {
      %mul3A_6 = arith.constant 1 : i32
      %mul3A_7 = arith.muli %scan3A_5, %mul3A_6 : i32
      %add3A = arith.constant 0 : i32
      %add3A_8 = arith.addi %add3A, %mul3A_7 : i32
      %mul3A_9 = arith.constant 2 : i32
      %mul3A_10 = arith.muli %arg0, %mul3A_9 : i32
      %add3A_11 = arith.addi %mul3A_10, %add3A_8 : i32
      "tpu.region"() ({
        %run_scoped3A = tpu.sem_alloc : memref<!tpu.dma_semaphore, #tpu.memory_space<semaphore_mem>>
        %dma_start3A = arith.constant 0 : i32
        %dma_start3A_21 = tpu.memref_slice %arg11[%mul3A_0, %dma_start3A] : memref<10240x128xf32, #tpu.memory_space<vmem_shared>> -> memref<640x128xf32, #tpu.memory_space<vmem_shared>>
        %dma_start3A_22 = arith.constant 0 : i32
        %dma_start3A_23 = tpu.memref_slice %arg5[%mul3A_0, %dma_start3A_22] : memref<10240x128xf32, #tpu.memory_space<hbm>> -> memref<640x128xf32, #tpu.memory_space<hbm>>
        tpu.enqueue_dma source(%dma_start3A_23 : memref<640x128xf32, #tpu.memory_space<hbm>>) target(%dma_start3A_21 : memref<640x128xf32, #tpu.memory_space<vmem_shared>>) target_semaphore(%run_scoped3A : memref<!tpu.dma_semaphore, #tpu.memory_space<semaphore_mem>>)
        %dma_wait3A = arith.constant 0 : i32
        %dma_wait3A_24 = tpu.memref_slice %arg11[%mul3A_0, %dma_wait3A] : memref<10240x128xf32, #tpu.memory_space<vmem_shared>> -> memref<640x128xf32, #tpu.memory_space<vmem_shared>>
        %dma_wait3A_25 = arith.constant 0 : i32
        %dma_wait3A_26 = tpu.memref_slice %arg5[%mul3A_0, %dma_wait3A_25] : memref<10240x128xf32, #tpu.memory_space<hbm>> -> memref<640x128xf32, #tpu.memory_space<hbm>>
        tpu.wait_dma2 semaphore(%run_scoped3A : memref<!tpu.dma_semaphore, #tpu.memory_space<semaphore_mem>>) src(%dma_wait3A_26 : memref<640x128xf32, #tpu.memory_space<hbm>>) dst(%dma_wait3A_24 : memref<640x128xf32, #tpu.memory_space<vmem_shared>>)
        tpu.yield
      }) : () -> ()
      %barrier3A = arith.constant 0 : index
      tpu.barrier barrier_id(%barrier3A)
      %scan3A_12 = arith.constant 0 : i32
      %scan3A_13 = arith.constant 2 : i32
      %scan3A_14 = arith.addi %scan3A_12, %scan3A_13 : i32
      %scan3A_15 = arith.constant 1 : i32
      scf.for %scan3A_21 = %scan3A_12 to %scan3A_14 step %scan3A_15  : i32 {
        %mul3A_22 = arith.constant 1 : i32
        %mul3A_23 = arith.muli %scan3A_21, %mul3A_22 : i32
        %add3A_24 = arith.constant 0 : i32
        %add3A_25 = arith.addi %add3A_24, %mul3A_23 : i32
        %mul3A_26 = arith.constant 16 : i32
        %mul3A_27 = arith.muli %add3A_11, %mul3A_26 : i32
        %add3A_28 = arith.addi %mul3A_27, %arg1 : i32
        %mul3A_29 = arith.constant 10240 : i32
        %mul3A_30 = arith.muli %add3A_28, %mul3A_29 : i32
        %mul3A_31 = arith.constant 40 : i32
        %mul3A_32 = arith.muli %add3A_25, %mul3A_31 : i32
        %mul3A_33 = arith.constant 128 : i32
        %mul3A_34 = arith.muli %mul3A_32, %mul3A_33 : i32
        %add3A_35 = arith.addi %mul3A_30, %mul3A_34 : i32
        "tpu.region"() ({
          %run_scoped3A = tpu.sem_alloc : memref<!tpu.dma_semaphore, #tpu.memory_space<semaphore_mem>>
          %dma_start3A_52 = tpu.memref_slice %arg3[%add3A_35] : memref<655360xi32, #tpu.memory_space<hbm>> -> memref<5120xi32, #tpu.memory_space<hbm>>
          %dma_start3A_53 = tpu.memref_slice %arg3[%add3A_35] : memref<655360xi32, #tpu.memory_space<hbm>> -> memref<5120xi32, #tpu.memory_space<hbm>>
          tpu.enqueue_dma source(%dma_start3A_53 : memref<5120xi32, #tpu.memory_space<hbm>>) target(%arg7 : memref<5120xi32, #tpu.memory_space<vmem>>) target_semaphore(%run_scoped3A : memref<!tpu.dma_semaphore, #tpu.memory_space<semaphore_mem>>)
          %dma_wait3A = tpu.memref_slice %arg3[%add3A_35] : memref<655360xi32, #tpu.memory_space<hbm>> -> memref<5120xi32, #tpu.memory_space<hbm>>
          %dma_wait3A_54 = tpu.memref_slice %arg3[%add3A_35] : memref<655360xi32, #tpu.memory_space<hbm>> -> memref<5120xi32, #tpu.memory_space<hbm>>
          tpu.wait_dma2 semaphore(%run_scoped3A : memref<!tpu.dma_semaphore, #tpu.memory_space<semaphore_mem>>) src(%dma_wait3A_54 : memref<5120xi32, #tpu.memory_space<hbm>>) dst(%arg7 : memref<5120xi32, #tpu.memory_space<vmem>>)
          tpu.yield
        }) : () -> ()
        %mul3A_36 = arith.constant 10240 : i32
        %mul3A_37 = arith.muli %arg1, %mul3A_36 : i32
        %mul3A_38 = arith.constant 40 : i32
        %mul3A_39 = arith.muli %add3A_25, %mul3A_38 : i32
        %mul3A_40 = arith.constant 128 : i32
        %mul3A_41 = arith.muli %mul3A_39, %mul3A_40 : i32
        %add3A_42 = arith.addi %mul3A_37, %mul3A_41 : i32
        "tpu.region"() ({
          %run_scoped3A = tpu.sem_alloc : memref<!tpu.dma_semaphore, #tpu.memory_space<semaphore_mem>>
          %dma_start3A_52 = tpu.memref_slice %arg4[%add3A_42] : memref<163840xi32, #tpu.memory_space<hbm>> -> memref<5120xi32, #tpu.memory_space<hbm>>
          %dma_start3A_53 = tpu.memref_slice %arg4[%add3A_42] : memref<163840xi32, #tpu.memory_space<hbm>> -> memref<5120xi32, #tpu.memory_space<hbm>>
          tpu.enqueue_dma source(%dma_start3A_53 : memref<5120xi32, #tpu.memory_space<hbm>>) target(%arg8 : memref<5120xi32, #tpu.memory_space<vmem>>) target_semaphore(%run_scoped3A : memref<!tpu.dma_semaphore, #tpu.memory_space<semaphore_mem>>)
          %dma_wait3A = tpu.memref_slice %arg4[%add3A_42] : memref<163840xi32, #tpu.memory_space<hbm>> -> memref<5120xi32, #tpu.memory_space<hbm>>
          %dma_wait3A_54 = tpu.memref_slice %arg4[%add3A_42] : memref<163840xi32, #tpu.memory_space<hbm>> -> memref<5120xi32, #tpu.memory_space<hbm>>
          tpu.wait_dma2 semaphore(%run_scoped3A : memref<!tpu.dma_semaphore, #tpu.memory_space<semaphore_mem>>) src(%dma_wait3A_54 : memref<5120xi32, #tpu.memory_space<hbm>>) dst(%arg8 : memref<5120xi32, #tpu.memory_space<vmem>>)
          tpu.yield
        }) : () -> ()
        %dma_start3A = arith.constant 0 : i32
        %dma_start3A_43 = tpu.memref_slice %arg7[%dma_start3A] : memref<5120xi32, #tpu.memory_space<vmem>> -> memref<128xi32, #tpu.memory_space<vmem>>
        %dma_start3A_44 = arith.constant 0 : i32
        %dma_start3A_45 = arith.constant 0 : i32
        %dma_start3A_46 = tpu.memref_slice %arg2[%dma_start3A_44, %dma_start3A_45] : memref<40960x128xf32, #tpu.memory_space<hbm>> -> memref<40960x128xf32, #tpu.memory_space<hbm>>
        tpu.enqueue_indirect_dma source(%dma_start3A_46 : memref<40960x128xf32, #tpu.memory_space<hbm>>) target(%arg9 : memref<128x128xf32, #tpu.memory_space<vmem>>) offsets(%dma_start3A_43 : memref<128xi32, #tpu.memory_space<vmem>>) semaphore(%arg12 : memref<!tpu.dma_semaphore, #tpu.memory_space<semaphore_mem>>)
        %scan3A_47 = arith.constant 0 : i32
        %scan3A_48 = arith.constant 20 : i32
        %scan3A_49 = arith.addi %scan3A_47, %scan3A_48 : i32
        %scan3A_50 = arith.constant 1 : i32
        scf.for %scan3A_52 = %scan3A_47 to %scan3A_49 step %scan3A_50  : i32 {
          %mul3A_53 = arith.constant 2 : i32
          %mul3A_54 = arith.muli %scan3A_52, %mul3A_53 : i32
          %add3A_55 = arith.constant 0 : i32
          %add3A_56 = arith.addi %add3A_55, %mul3A_54 : i32
          %add3A_57 = arith.constant 1 : i32
          %add3A_58 = arith.addi %add3A_56, %add3A_57 : i32
          %mul3A_59 = arith.constant 128 : i32
          %mul3A_60 = arith.muli %add3A_58, %mul3A_59 : i32
          %dma_start3A_61 = tpu.memref_slice %arg7[%mul3A_60] : memref<5120xi32, #tpu.memory_space<vmem>> -> memref<128xi32, #tpu.memory_space<vmem>>
          %dma_start3A_62 = arith.constant 0 : i32
          %dma_start3A_63 = arith.constant 0 : i32
          %dma_start3A_64 = tpu.memref_slice %arg2[%dma_start3A_62, %dma_start3A_63] : memref<40960x128xf32, #tpu.memory_space<hbm>> -> memref<40960x128xf32, #tpu.memory_space<hbm>>
          tpu.enqueue_indirect_dma source(%dma_start3A_64 : memref<40960x128xf32, #tpu.memory_space<hbm>>) target(%arg10 : memref<128x128xf32, #tpu.memory_space<vmem>>) offsets(%dma_start3A_61 : memref<128xi32, #tpu.memory_space<vmem>>) semaphore(%arg13 : memref<!tpu.dma_semaphore, #tpu.memory_space<semaphore_mem>>)
          %dma_wait3A = arith.constant 0 : i32
          %dma_wait3A_65 = arith.constant 0 : i32
          %dma_wait3A_66 = tpu.memref_slice %arg2[%dma_wait3A, %dma_wait3A_65] : memref<40960x128xf32, #tpu.memory_space<hbm>> -> memref<128x128xf32, #tpu.memory_space<hbm>>
          %dma_wait3A_67 = arith.constant 0 : i32
          %dma_wait3A_68 = arith.constant 0 : i32
          %dma_wait3A_69 = tpu.memref_slice %arg2[%dma_wait3A_67, %dma_wait3A_68] : memref<40960x128xf32, #tpu.memory_space<hbm>> -> memref<128x128xf32, #tpu.memory_space<hbm>>
          tpu.wait_dma2 semaphore(%arg12 : memref<!tpu.dma_semaphore, #tpu.memory_space<semaphore_mem>>) src(%dma_wait3A_69 : memref<128x128xf32, #tpu.memory_space<hbm>>) dst(%arg9 : memref<128x128xf32, #tpu.memory_space<vmem>>)
          %mul3A_70 = arith.constant 128 : i32
          %mul3A_71 = arith.muli %add3A_56, %mul3A_70 : i32
          "tpu.region"() ({
            %run_scoped3A = tpu.sem_alloc : memref<!tpu.dma_semaphore, #tpu.memory_space<semaphore_mem>>
            %dma_start3A_86 = tpu.memref_slice %arg8[%mul3A_71] : memref<5120xi32, #tpu.memory_space<vmem>> -> memref<128xi32, #tpu.memory_space<vmem>>
            %dma_start3A_87 = arith.constant 0 : i32
            %dma_start3A_88 = arith.constant 0 : i32
            %dma_start3A_89 = tpu.memref_slice %arg11[%dma_start3A_87, %dma_start3A_88] : memref<10240x128xf32, #tpu.memory_space<vmem_shared>> -> memref<10240x128xf32, #tpu.memory_space<vmem_shared>>
            tpu.enqueue_indirect_dma source(%arg9 : memref<128x128xf32, #tpu.memory_space<vmem>>) target(%dma_start3A_89 : memref<10240x128xf32, #tpu.memory_space<vmem_shared>>) offsets(%dma_start3A_86 : memref<128xi32, #tpu.memory_space<vmem>>) semaphore(%run_scoped3A : memref<!tpu.dma_semaphore, #tpu.memory_space<semaphore_mem>>) {add = true}
            %dma_wait3A_90 = tpu.memref_slice %arg8[%mul3A_71] : memref<5120xi32, #tpu.memory_space<vmem>> -> memref<128xi32, #tpu.memory_space<vmem>>
            %dma_wait3A_91 = arith.constant 0 : i32
            %dma_wait3A_92 = arith.constant 0 : i32
            %dma_wait3A_93 = tpu.memref_slice %arg11[%dma_wait3A_91, %dma_wait3A_92] : memref<10240x128xf32, #tpu.memory_space<vmem_shared>> -> memref<10240x128xf32, #tpu.memory_space<vmem_shared>>
            tpu.wait_indirect_dma semaphore(%run_scoped3A : memref<!tpu.dma_semaphore, #tpu.memory_space<semaphore_mem>>) src(%arg9 : memref<128x128xf32, #tpu.memory_space<vmem>>) dst(%dma_wait3A_93 : memref<10240x128xf32, #tpu.memory_space<vmem_shared>>)
            tpu.yield
          }) : () -> ()
          %add3A_72 = arith.constant 2 : i32
          %add3A_73 = arith.addi %add3A_56, %add3A_72 : i32
          %lt3A = arith.constant 40 : i32
          %lt3A_74 = arith.cmpi slt, %add3A_73, %lt3A : i32
          %convert_element_type3A = arith.extui %lt3A_74 : i1 to i32
          %cond3A = arith.constant 0 : i32
          %cond3A_75 = arith.cmpi ne, %convert_element_type3A, %cond3A : i32
          scf.if %cond3A_75 {
            %add3A_86 = arith.constant 2 : i32
            %add3A_87 = arith.addi %add3A_56, %add3A_86 : i32
            %mul3A_88 = arith.constant 128 : i32
            %mul3A_89 = arith.muli %add3A_87, %mul3A_88 : i32
            %dma_start3A_90 = tpu.memref_slice %arg7[%mul3A_89] : memref<5120xi32, #tpu.memory_space<vmem>> -> memref<128xi32, #tpu.memory_space<vmem>>
            %dma_start3A_91 = arith.constant 0 : i32
            %dma_start3A_92 = arith.constant 0 : i32
            %dma_start3A_93 = tpu.memref_slice %arg2[%dma_start3A_91, %dma_start3A_92] : memref<40960x128xf32, #tpu.memory_space<hbm>> -> memref<40960x128xf32, #tpu.memory_space<hbm>>
            tpu.enqueue_indirect_dma source(%dma_start3A_93 : memref<40960x128xf32, #tpu.memory_space<hbm>>) target(%arg9 : memref<128x128xf32, #tpu.memory_space<vmem>>) offsets(%dma_start3A_90 : memref<128xi32, #tpu.memory_space<vmem>>) semaphore(%arg12 : memref<!tpu.dma_semaphore, #tpu.memory_space<semaphore_mem>>)
          } else {
          }
          %dma_wait3A_76 = arith.constant 0 : i32
          %dma_wait3A_77 = arith.constant 0 : i32
          %dma_wait3A_78 = tpu.memref_slice %arg2[%dma_wait3A_76, %dma_wait3A_77] : memref<40960x128xf32, #tpu.memory_space<hbm>> -> memref<128x128xf32, #tpu.memory_space<hbm>>
          %dma_wait3A_79 = arith.constant 0 : i32
          %dma_wait3A_80 = arith.constant 0 : i32
          %dma_wait3A_81 = tpu.memref_slice %arg2[%dma_wait3A_79, %dma_wait3A_80] : memref<40960x128xf32, #tpu.memory_space<hbm>> -> memref<128x128xf32, #tpu.memory_space<hbm>>
          tpu.wait_dma2 semaphore(%arg13 : memref<!tpu.dma_semaphore, #tpu.memory_space<semaphore_mem>>) src(%dma_wait3A_81 : memref<128x128xf32, #tpu.memory_space<hbm>>) dst(%arg10 : memref<128x128xf32, #tpu.memory_space<vmem>>)
          %add3A_82 = arith.constant 1 : i32
          %add3A_83 = arith.addi %add3A_56, %add3A_82 : i32
          %mul3A_84 = arith.constant 128 : i32
          %mul3A_85 = arith.muli %add3A_83, %mul3A_84 : i32
          "tpu.region"() ({
            %run_scoped3A = tpu.sem_alloc : memref<!tpu.dma_semaphore, #tpu.memory_space<semaphore_mem>>
            %dma_start3A_86 = tpu.memref_slice %arg8[%mul3A_85] : memref<5120xi32, #tpu.memory_space<vmem>> -> memref<128xi32, #tpu.memory_space<vmem>>
            %dma_start3A_87 = arith.constant 0 : i32
            %dma_start3A_88 = arith.constant 0 : i32
            %dma_start3A_89 = tpu.memref_slice %arg11[%dma_start3A_87, %dma_start3A_88] : memref<10240x128xf32, #tpu.memory_space<vmem_shared>> -> memref<10240x128xf32, #tpu.memory_space<vmem_shared>>
            tpu.enqueue_indirect_dma source(%arg10 : memref<128x128xf32, #tpu.memory_space<vmem>>) target(%dma_start3A_89 : memref<10240x128xf32, #tpu.memory_space<vmem_shared>>) offsets(%dma_start3A_86 : memref<128xi32, #tpu.memory_space<vmem>>) semaphore(%run_scoped3A : memref<!tpu.dma_semaphore, #tpu.memory_space<semaphore_mem>>) {add = true}
            %dma_wait3A_90 = tpu.memref_slice %arg8[%mul3A_85] : memref<5120xi32, #tpu.memory_space<vmem>> -> memref<128xi32, #tpu.memory_space<vmem>>
            %dma_wait3A_91 = arith.constant 0 : i32
            %dma_wait3A_92 = arith.constant 0 : i32
            %dma_wait3A_93 = tpu.memref_slice %arg11[%dma_wait3A_91, %dma_wait3A_92] : memref<10240x128xf32, #tpu.memory_space<vmem_shared>> -> memref<10240x128xf32, #tpu.memory_space<vmem_shared>>
            tpu.wait_indirect_dma semaphore(%run_scoped3A : memref<!tpu.dma_semaphore, #tpu.memory_space<semaphore_mem>>) src(%arg10 : memref<128x128xf32, #tpu.memory_space<vmem>>) dst(%dma_wait3A_93 : memref<10240x128xf32, #tpu.memory_space<vmem_shared>>)
            tpu.yield
          }) : () -> ()
        }
        %scan3A_51 = arith.constant 20 : i32
      }
      %scan3A_16 = arith.constant 2 : i32
      %barrier3A_17 = arith.constant 0 : index
      tpu.barrier barrier_id(%barrier3A_17)
      %mul3A_18 = arith.constant 10240 : i32
      %mul3A_19 = arith.muli %add3A_11, %mul3A_18 : i32
      %add3A_20 = arith.addi %mul3A_19, %mul3A_0 : i32
      "tpu.region"() ({
        %run_scoped3A = tpu.sem_alloc : memref<!tpu.dma_semaphore, #tpu.memory_space<semaphore_mem>>
        %dma_start3A = arith.constant 0 : i32
        %dma_start3A_21 = tpu.memref_slice %arg6[%add3A_20, %dma_start3A] : memref<40960x128xf32, #tpu.memory_space<hbm>> -> memref<640x128xf32, #tpu.memory_space<hbm>>
        %dma_start3A_22 = arith.constant 0 : i32
        %dma_start3A_23 = tpu.memref_slice %arg11[%mul3A_0, %dma_start3A_22] : memref<10240x128xf32, #tpu.memory_space<vmem_shared>> -> memref<640x128xf32, #tpu.memory_space<vmem_shared>>
        tpu.enqueue_dma source(%dma_start3A_23 : memref<640x128xf32, #tpu.memory_space<vmem_shared>>) target(%dma_start3A_21 : memref<640x128xf32, #tpu.memory_space<hbm>>) target_semaphore(%run_scoped3A : memref<!tpu.dma_semaphore, #tpu.memory_space<semaphore_mem>>)
        %dma_wait3A = arith.constant 0 : i32
        %dma_wait3A_24 = tpu.memref_slice %arg6[%add3A_20, %dma_wait3A] : memref<40960x128xf32, #tpu.memory_space<hbm>> -> memref<640x128xf32, #tpu.memory_space<hbm>>
        %dma_wait3A_25 = arith.constant 0 : i32
        %dma_wait3A_26 = tpu.memref_slice %arg11[%mul3A_0, %dma_wait3A_25] : memref<10240x128xf32, #tpu.memory_space<vmem_shared>> -> memref<640x128xf32, #tpu.memory_space<vmem_shared>>
        tpu.wait_dma2 semaphore(%run_scoped3A : memref<!tpu.dma_semaphore, #tpu.memory_space<semaphore_mem>>) src(%dma_wait3A_26 : memref<640x128xf32, #tpu.memory_space<vmem_shared>>) dst(%dma_wait3A_24 : memref<640x128xf32, #tpu.memory_space<hbm>>)
        tpu.yield
      }) : () -> ()
    }
    %scan3A_4 = arith.constant 2 : i32
    return
  }
}

#map = affine_map<(d0, d1) -> (0, 0)>
#map1 = affine_map<(d0, d1) -> (0)>
module attributes {stable_mosaic.version = 14 : i64} {
  func.func @_segment_sum_sc(%arg0: i32, %arg1: i32, %arg2: memref<40960x128xf32, #tpu.memory_space<hbm>>, %arg3: memref<655360xi32, #tpu.memory_space<hbm>>, %arg4: memref<163840xi32, #tpu.memory_space<hbm>>, %arg5: memref<10240x128xf32, #tpu.memory_space<hbm>>, %arg6: memref<40960x128xf32, #tpu.memory_space<hbm>>, %arg7: memref<5120xi32, #tpu.memory_space<vmem>>, %arg8: memref<5120xi32, #tpu.memory_space<vmem>>, %arg9: memref<128x128xf32, #tpu.memory_space<vmem>>, %arg10: memref<128x128xf32, #tpu.memory_space<vmem>>, %arg11: memref<10240x128xf32, #tpu.memory_space<vmem_shared>>, %arg12: memref<!tpu.dma_semaphore, #tpu.memory_space<semaphore_mem>>, %arg13: memref<!tpu.dma_semaphore, #tpu.memory_space<semaphore_mem>>) attributes {dimension_semantics = [#tpu.dimension_semantics<core_parallel>, #tpu.dimension_semantics<subcore_parallel>], iteration_bounds = array<i64: 2, 16>, scalar_prefetch = 0 : i64, scratch_operands = 7 : i64, tpu.core_type = #tpu.core_type<sc_vector_subcore>, window_params = [{transform_indices = #map}, {transform_indices = #map1}, {transform_indices = #map1}, {transform_indices = #map}, {transform_indices = #map}]} {
    %mul3A = arith.constant 640 : i32
    %mul3A_0 = arith.muli %arg1, %mul3A : i32
    %scan3A = arith.constant 0 : i32
    %scan3A_1 = arith.constant 2 : i32
    %scan3A_2 = arith.addi %scan3A, %scan3A_1 : i32
    %scan3A_3 = arith.constant 1 : i32
    scf.for %scan3A_5 = %scan3A to %scan3A_2 step %scan3A_3  : i32 {
      %mul3A_6 = arith.constant 1 : i32
      %mul3A_7 = arith.muli %scan3A_5, %mul3A_6 : i32
      %add3A = arith.constant 0 : i32
      %add3A_8 = arith.addi %add3A, %mul3A_7 : i32
      %mul3A_9 = arith.constant 2 : i32
      %mul3A_10 = arith.muli %arg0, %mul3A_9 : i32
      %add3A_11 = arith.addi %mul3A_10, %add3A_8 : i32
      "tpu.region"() ({
        %run_scoped3A = tpu.sem_alloc : memref<!tpu.dma_semaphore, #tpu.memory_space<semaphore_mem>>
        %dma_start3A = arith.constant 0 : i32
        %dma_start3A_21 = tpu.memref_slice %arg11[%mul3A_0, %dma_start3A] : memref<10240x128xf32, #tpu.memory_space<vmem_shared>> -> memref<640x128xf32, #tpu.memory_space<vmem_shared>>
        %dma_start3A_22 = arith.constant 0 : i32
        %dma_start3A_23 = tpu.memref_slice %arg5[%mul3A_0, %dma_start3A_22] : memref<10240x128xf32, #tpu.memory_space<hbm>> -> memref<640x128xf32, #tpu.memory_space<hbm>>
        tpu.enqueue_dma source(%dma_start3A_23 : memref<640x128xf32, #tpu.memory_space<hbm>>) target(%dma_start3A_21 : memref<640x128xf32, #tpu.memory_space<vmem_shared>>) target_semaphore(%run_scoped3A : memref<!tpu.dma_semaphore, #tpu.memory_space<semaphore_mem>>)
        %dma_wait3A = arith.constant 0 : i32
        %dma_wait3A_24 = tpu.memref_slice %arg11[%mul3A_0, %dma_wait3A] : memref<10240x128xf32, #tpu.memory_space<vmem_shared>> -> memref<640x128xf32, #tpu.memory_space<vmem_shared>>
        %dma_wait3A_25 = arith.constant 0 : i32
        %dma_wait3A_26 = tpu.memref_slice %arg5[%mul3A_0, %dma_wait3A_25] : memref<10240x128xf32, #tpu.memory_space<hbm>> -> memref<640x128xf32, #tpu.memory_space<hbm>>
        tpu.wait_dma2 semaphore(%run_scoped3A : memref<!tpu.dma_semaphore, #tpu.memory_space<semaphore_mem>>) src(%dma_wait3A_26 : memref<640x128xf32, #tpu.memory_space<hbm>>) dst(%dma_wait3A_24 : memref<640x128xf32, #tpu.memory_space<vmem_shared>>)
        tpu.yield
      }) : () -> ()
      %barrier3A = arith.constant 0 : index
      tpu.barrier barrier_id(%barrier3A)
      %scan3A_12 = arith.constant 0 : i32
      %scan3A_13 = arith.constant 2 : i32
      %scan3A_14 = arith.addi %scan3A_12, %scan3A_13 : i32
      %scan3A_15 = arith.constant 1 : i32
      scf.for %scan3A_21 = %scan3A_12 to %scan3A_14 step %scan3A_15  : i32 {
        %mul3A_22 = arith.constant 1 : i32
        %mul3A_23 = arith.muli %scan3A_21, %mul3A_22 : i32
        %add3A_24 = arith.constant 0 : i32
        %add3A_25 = arith.addi %add3A_24, %mul3A_23 : i32
        %mul3A_26 = arith.constant 16 : i32
        %mul3A_27 = arith.muli %add3A_11, %mul3A_26 : i32
        %add3A_28 = arith.addi %mul3A_27, %arg1 : i32
        %mul3A_29 = arith.constant 10240 : i32
        %mul3A_30 = arith.muli %add3A_28, %mul3A_29 : i32
        %mul3A_31 = arith.constant 40 : i32
        %mul3A_32 = arith.muli %add3A_25, %mul3A_31 : i32
        %mul3A_33 = arith.constant 128 : i32
        %mul3A_34 = arith.muli %mul3A_32, %mul3A_33 : i32
        %add3A_35 = arith.addi %mul3A_30, %mul3A_34 : i32
        "tpu.region"() ({
          %run_scoped3A = tpu.sem_alloc : memref<!tpu.dma_semaphore, #tpu.memory_space<semaphore_mem>>
          %dma_start3A_52 = tpu.memref_slice %arg3[%add3A_35] : memref<655360xi32, #tpu.memory_space<hbm>> -> memref<5120xi32, #tpu.memory_space<hbm>>
          %dma_start3A_53 = tpu.memref_slice %arg3[%add3A_35] : memref<655360xi32, #tpu.memory_space<hbm>> -> memref<5120xi32, #tpu.memory_space<hbm>>
          tpu.enqueue_dma source(%dma_start3A_53 : memref<5120xi32, #tpu.memory_space<hbm>>) target(%arg7 : memref<5120xi32, #tpu.memory_space<vmem>>) target_semaphore(%run_scoped3A : memref<!tpu.dma_semaphore, #tpu.memory_space<semaphore_mem>>)
          %dma_wait3A = tpu.memref_slice %arg3[%add3A_35] : memref<655360xi32, #tpu.memory_space<hbm>> -> memref<5120xi32, #tpu.memory_space<hbm>>
          %dma_wait3A_54 = tpu.memref_slice %arg3[%add3A_35] : memref<655360xi32, #tpu.memory_space<hbm>> -> memref<5120xi32, #tpu.memory_space<hbm>>
          tpu.wait_dma2 semaphore(%run_scoped3A : memref<!tpu.dma_semaphore, #tpu.memory_space<semaphore_mem>>) src(%dma_wait3A_54 : memref<5120xi32, #tpu.memory_space<hbm>>) dst(%arg7 : memref<5120xi32, #tpu.memory_space<vmem>>)
          tpu.yield
        }) : () -> ()
        %mul3A_36 = arith.constant 10240 : i32
        %mul3A_37 = arith.muli %arg1, %mul3A_36 : i32
        %mul3A_38 = arith.constant 40 : i32
        %mul3A_39 = arith.muli %add3A_25, %mul3A_38 : i32
        %mul3A_40 = arith.constant 128 : i32
        %mul3A_41 = arith.muli %mul3A_39, %mul3A_40 : i32
        %add3A_42 = arith.addi %mul3A_37, %mul3A_41 : i32
        "tpu.region"() ({
          %run_scoped3A = tpu.sem_alloc : memref<!tpu.dma_semaphore, #tpu.memory_space<semaphore_mem>>
          %dma_start3A_52 = tpu.memref_slice %arg4[%add3A_42] : memref<163840xi32, #tpu.memory_space<hbm>> -> memref<5120xi32, #tpu.memory_space<hbm>>
          %dma_start3A_53 = tpu.memref_slice %arg4[%add3A_42] : memref<163840xi32, #tpu.memory_space<hbm>> -> memref<5120xi32, #tpu.memory_space<hbm>>
          tpu.enqueue_dma source(%dma_start3A_53 : memref<5120xi32, #tpu.memory_space<hbm>>) target(%arg8 : memref<5120xi32, #tpu.memory_space<vmem>>) target_semaphore(%run_scoped3A : memref<!tpu.dma_semaphore, #tpu.memory_space<semaphore_mem>>)
          %dma_wait3A = tpu.memref_slice %arg4[%add3A_42] : memref<163840xi32, #tpu.memory_space<hbm>> -> memref<5120xi32, #tpu.memory_space<hbm>>
          %dma_wait3A_54 = tpu.memref_slice %arg4[%add3A_42] : memref<163840xi32, #tpu.memory_space<hbm>> -> memref<5120xi32, #tpu.memory_space<hbm>>
          tpu.wait_dma2 semaphore(%run_scoped3A : memref<!tpu.dma_semaphore, #tpu.memory_space<semaphore_mem>>) src(%dma_wait3A_54 : memref<5120xi32, #tpu.memory_space<hbm>>) dst(%arg8 : memref<5120xi32, #tpu.memory_space<vmem>>)
          tpu.yield
        }) : () -> ()
        %dma_start3A = arith.constant 0 : i32
        %dma_start3A_43 = tpu.memref_slice %arg7[%dma_start3A] : memref<5120xi32, #tpu.memory_space<vmem>> -> memref<128xi32, #tpu.memory_space<vmem>>
        %dma_start3A_44 = arith.constant 0 : i32
        %dma_start3A_45 = arith.constant 0 : i32
        %dma_start3A_46 = tpu.memref_slice %arg2[%dma_start3A_44, %dma_start3A_45] : memref<40960x128xf32, #tpu.memory_space<hbm>> -> memref<40960x128xf32, #tpu.memory_space<hbm>>
        tpu.enqueue_indirect_dma source(%dma_start3A_46 : memref<40960x128xf32, #tpu.memory_space<hbm>>) target(%arg9 : memref<128x128xf32, #tpu.memory_space<vmem>>) offsets(%dma_start3A_43 : memref<128xi32, #tpu.memory_space<vmem>>) semaphore(%arg12 : memref<!tpu.dma_semaphore, #tpu.memory_space<semaphore_mem>>)
        %scan3A_47 = arith.constant 0 : i32
        %scan3A_48 = arith.constant 20 : i32
        %scan3A_49 = arith.addi %scan3A_47, %scan3A_48 : i32
        %scan3A_50 = arith.constant 1 : i32
        scf.for %scan3A_52 = %scan3A_47 to %scan3A_49 step %scan3A_50  : i32 {
          %mul3A_53 = arith.constant 2 : i32
          %mul3A_54 = arith.muli %scan3A_52, %mul3A_53 : i32
          %add3A_55 = arith.constant 0 : i32
          %add3A_56 = arith.addi %add3A_55, %mul3A_54 : i32
          %add3A_57 = arith.constant 1 : i32
          %add3A_58 = arith.addi %add3A_56, %add3A_57 : i32
          %mul3A_59 = arith.constant 128 : i32
          %mul3A_60 = arith.muli %add3A_58, %mul3A_59 : i32
          %dma_start3A_61 = tpu.memref_slice %arg7[%mul3A_60] : memref<5120xi32, #tpu.memory_space<vmem>> -> memref<128xi32, #tpu.memory_space<vmem>>
          %dma_start3A_62 = arith.constant 0 : i32
          %dma_start3A_63 = arith.constant 0 : i32
          %dma_start3A_64 = tpu.memref_slice %arg2[%dma_start3A_62, %dma_start3A_63] : memref<40960x128xf32, #tpu.memory_space<hbm>> -> memref<40960x128xf32, #tpu.memory_space<hbm>>
          tpu.enqueue_indirect_dma source(%dma_start3A_64 : memref<40960x128xf32, #tpu.memory_space<hbm>>) target(%arg10 : memref<128x128xf32, #tpu.memory_space<vmem>>) offsets(%dma_start3A_61 : memref<128xi32, #tpu.memory_space<vmem>>) semaphore(%arg13 : memref<!tpu.dma_semaphore, #tpu.memory_space<semaphore_mem>>)
          %dma_wait3A = arith.constant 0 : i32
          %dma_wait3A_65 = arith.constant 0 : i32
          %dma_wait3A_66 = tpu.memref_slice %arg2[%dma_wait3A, %dma_wait3A_65] : memref<40960x128xf32, #tpu.memory_space<hbm>> -> memref<128x128xf32, #tpu.memory_space<hbm>>
          %dma_wait3A_67 = arith.constant 0 : i32
          %dma_wait3A_68 = arith.constant 0 : i32
          %dma_wait3A_69 = tpu.memref_slice %arg2[%dma_wait3A_67, %dma_wait3A_68] : memref<40960x128xf32, #tpu.memory_space<hbm>> -> memref<128x128xf32, #tpu.memory_space<hbm>>
          tpu.wait_dma2 semaphore(%arg12 : memref<!tpu.dma_semaphore, #tpu.memory_space<semaphore_mem>>) src(%dma_wait3A_69 : memref<128x128xf32, #tpu.memory_space<hbm>>) dst(%arg9 : memref<128x128xf32, #tpu.memory_space<vmem>>)
          %mul3A_70 = arith.constant 128 : i32
          %mul3A_71 = arith.muli %add3A_56, %mul3A_70 : i32
          "tpu.region"() ({
            %run_scoped3A = tpu.sem_alloc : memref<!tpu.dma_semaphore, #tpu.memory_space<semaphore_mem>>
            %dma_start3A_86 = tpu.memref_slice %arg8[%mul3A_71] : memref<5120xi32, #tpu.memory_space<vmem>> -> memref<128xi32, #tpu.memory_space<vmem>>
            %dma_start3A_87 = arith.constant 0 : i32
            %dma_start3A_88 = arith.constant 0 : i32
            %dma_start3A_89 = tpu.memref_slice %arg11[%dma_start3A_87, %dma_start3A_88] : memref<10240x128xf32, #tpu.memory_space<vmem_shared>> -> memref<10240x128xf32, #tpu.memory_space<vmem_shared>>
            tpu.enqueue_indirect_dma source(%arg9 : memref<128x128xf32, #tpu.memory_space<vmem>>) target(%dma_start3A_89 : memref<10240x128xf32, #tpu.memory_space<vmem_shared>>) offsets(%dma_start3A_86 : memref<128xi32, #tpu.memory_space<vmem>>) semaphore(%run_scoped3A : memref<!tpu.dma_semaphore, #tpu.memory_space<semaphore_mem>>) {add = true}
            %dma_wait3A_90 = tpu.memref_slice %arg8[%mul3A_71] : memref<5120xi32, #tpu.memory_space<vmem>> -> memref<128xi32, #tpu.memory_space<vmem>>
            %dma_wait3A_91 = arith.constant 0 : i32
            %dma_wait3A_92 = arith.constant 0 : i32
            %dma_wait3A_93 = tpu.memref_slice %arg11[%dma_wait3A_91, %dma_wait3A_92] : memref<10240x128xf32, #tpu.memory_space<vmem_shared>> -> memref<10240x128xf32, #tpu.memory_space<vmem_shared>>
            tpu.wait_indirect_dma semaphore(%run_scoped3A : memref<!tpu.dma_semaphore, #tpu.memory_space<semaphore_mem>>) src(%arg9 : memref<128x128xf32, #tpu.memory_space<vmem>>) dst(%dma_wait3A_93 : memref<10240x128xf32, #tpu.memory_space<vmem_shared>>)
            tpu.yield
          }) : () -> ()
          %add3A_72 = arith.constant 2 : i32
          %add3A_73 = arith.addi %add3A_56, %add3A_72 : i32
          %lt3A = arith.constant 40 : i32
          %lt3A_74 = arith.cmpi slt, %add3A_73, %lt3A : i32
          %convert_element_type3A = arith.extui %lt3A_74 : i1 to i32
          %cond3A = arith.constant 0 : i32
          %cond3A_75 = arith.cmpi ne, %convert_element_type3A, %cond3A : i32
          scf.if %cond3A_75 {
            %add3A_86 = arith.constant 2 : i32
            %add3A_87 = arith.addi %add3A_56, %add3A_86 : i32
            %mul3A_88 = arith.constant 128 : i32
            %mul3A_89 = arith.muli %add3A_87, %mul3A_88 : i32
            %dma_start3A_90 = tpu.memref_slice %arg7[%mul3A_89] : memref<5120xi32, #tpu.memory_space<vmem>> -> memref<128xi32, #tpu.memory_space<vmem>>
            %dma_start3A_91 = arith.constant 0 : i32
            %dma_start3A_92 = arith.constant 0 : i32
            %dma_start3A_93 = tpu.memref_slice %arg2[%dma_start3A_91, %dma_start3A_92] : memref<40960x128xf32, #tpu.memory_space<hbm>> -> memref<40960x128xf32, #tpu.memory_space<hbm>>
            tpu.enqueue_indirect_dma source(%dma_start3A_93 : memref<40960x128xf32, #tpu.memory_space<hbm>>) target(%arg9 : memref<128x128xf32, #tpu.memory_space<vmem>>) offsets(%dma_start3A_90 : memref<128xi32, #tpu.memory_space<vmem>>) semaphore(%arg12 : memref<!tpu.dma_semaphore, #tpu.memory_space<semaphore_mem>>)
          } else {
          }
          %dma_wait3A_76 = arith.constant 0 : i32
          %dma_wait3A_77 = arith.constant 0 : i32
          %dma_wait3A_78 = tpu.memref_slice %arg2[%dma_wait3A_76, %dma_wait3A_77] : memref<40960x128xf32, #tpu.memory_space<hbm>> -> memref<128x128xf32, #tpu.memory_space<hbm>>
          %dma_wait3A_79 = arith.constant 0 : i32
          %dma_wait3A_80 = arith.constant 0 : i32
          %dma_wait3A_81 = tpu.memref_slice %arg2[%dma_wait3A_79, %dma_wait3A_80] : memref<40960x128xf32, #tpu.memory_space<hbm>> -> memref<128x128xf32, #tpu.memory_space<hbm>>
          tpu.wait_dma2 semaphore(%arg13 : memref<!tpu.dma_semaphore, #tpu.memory_space<semaphore_mem>>) src(%dma_wait3A_81 : memref<128x128xf32, #tpu.memory_space<hbm>>) dst(%arg10 : memref<128x128xf32, #tpu.memory_space<vmem>>)
          %add3A_82 = arith.constant 1 : i32
          %add3A_83 = arith.addi %add3A_56, %add3A_82 : i32
          %mul3A_84 = arith.constant 128 : i32
          %mul3A_85 = arith.muli %add3A_83, %mul3A_84 : i32
          "tpu.region"() ({
            %run_scoped3A = tpu.sem_alloc : memref<!tpu.dma_semaphore, #tpu.memory_space<semaphore_mem>>
            %dma_start3A_86 = tpu.memref_slice %arg8[%mul3A_85] : memref<5120xi32, #tpu.memory_space<vmem>> -> memref<128xi32, #tpu.memory_space<vmem>>
            %dma_start3A_87 = arith.constant 0 : i32
            %dma_start3A_88 = arith.constant 0 : i32
            %dma_start3A_89 = tpu.memref_slice %arg11[%dma_start3A_87, %dma_start3A_88] : memref<10240x128xf32, #tpu.memory_space<vmem_shared>> -> memref<10240x128xf32, #tpu.memory_space<vmem_shared>>
            tpu.enqueue_indirect_dma source(%arg10 : memref<128x128xf32, #tpu.memory_space<vmem>>) target(%dma_start3A_89 : memref<10240x128xf32, #tpu.memory_space<vmem_shared>>) offsets(%dma_start3A_86 : memref<128xi32, #tpu.memory_space<vmem>>) semaphore(%run_scoped3A : memref<!tpu.dma_semaphore, #tpu.memory_space<semaphore_mem>>) {add = true}
            %dma_wait3A_90 = tpu.memref_slice %arg8[%mul3A_85] : memref<5120xi32, #tpu.memory_space<vmem>> -> memref<128xi32, #tpu.memory_space<vmem>>
            %dma_wait3A_91 = arith.constant 0 : i32
            %dma_wait3A_92 = arith.constant 0 : i32
            %dma_wait3A_93 = tpu.memref_slice %arg11[%dma_wait3A_91, %dma_wait3A_92] : memref<10240x128xf32, #tpu.memory_space<vmem_shared>> -> memref<10240x128xf32, #tpu.memory_space<vmem_shared>>
            tpu.wait_indirect_dma semaphore(%run_scoped3A : memref<!tpu.dma_semaphore, #tpu.memory_space<semaphore_mem>>) src(%arg10 : memref<128x128xf32, #tpu.memory_space<vmem>>) dst(%dma_wait3A_93 : memref<10240x128xf32, #tpu.memory_space<vmem_shared>>)
            tpu.yield
          }) : () -> ()
        }
        %scan3A_51 = arith.constant 20 : i32
      }
      %scan3A_16 = arith.constant 2 : i32
      %barrier3A_17 = arith.constant 0 : index
      tpu.barrier barrier_id(%barrier3A_17)
      %mul3A_18 = arith.constant 10240 : i32
      %mul3A_19 = arith.muli %add3A_11, %mul3A_18 : i32
      %add3A_20 = arith.addi %mul3A_19, %mul3A_0 : i32
      "tpu.region"() ({
        %run_scoped3A = tpu.sem_alloc : memref<!tpu.dma_semaphore, #tpu.memory_space<semaphore_mem>>
        %dma_start3A = arith.constant 0 : i32
        %dma_start3A_21 = tpu.memref_slice %arg6[%add3A_20, %dma_start3A] : memref<40960x128xf32, #tpu.memory_space<hbm>> -> memref<640x128xf32, #tpu.memory_space<hbm>>
        %dma_start3A_22 = arith.constant 0 : i32
        %dma_start3A_23 = tpu.memref_slice %arg11[%mul3A_0, %dma_start3A_22] : memref<10240x128xf32, #tpu.memory_space<vmem_shared>> -> memref<640x128xf32, #tpu.memory_space<vmem_shared>>
        tpu.enqueue_dma source(%dma_start3A_23 : memref<640x128xf32, #tpu.memory_space<vmem_shared>>) target(%dma_start3A_21 : memref<640x128xf32, #tpu.memory_space<hbm>>) target_semaphore(%run_scoped3A : memref<!tpu.dma_semaphore, #tpu.memory_space<semaphore_mem>>)
        %dma_wait3A = arith.constant 0 : i32
        %dma_wait3A_24 = tpu.memref_slice %arg6[%add3A_20, %dma_wait3A] : memref<40960x128xf32, #tpu.memory_space<hbm>> -> memref<640x128xf32, #tpu.memory_space<hbm>>
        %dma_wait3A_25 = arith.constant 0 : i32
        %dma_wait3A_26 = tpu.memref_slice %arg11[%mul3A_0, %dma_wait3A_25] : memref<10240x128xf32, #tpu.memory_space<vmem_shared>> -> memref<640x128xf32, #tpu.memory_space<vmem_shared>>
        tpu.wait_dma2 semaphore(%run_scoped3A : memref<!tpu.dma_semaphore, #tpu.memory_space<semaphore_mem>>) src(%dma_wait3A_26 : memref<640x128xf32, #tpu.memory_space<vmem_shared>>) dst(%dma_wait3A_24 : memref<640x128xf32, #tpu.memory_space<hbm>>)
        tpu.yield
      }) : () -> ()
    }
    %scan3A_4 = arith.constant 2 : i32
    return
  }
}

#map = affine_map<(d0, d1) -> (0, 0)>
#map1 = affine_map<(d0, d1) -> (0)>
module attributes {stable_mosaic.version = 14 : i64} {
  func.func @_segment_sum_sc(%arg0: i32, %arg1: i32, %arg2: memref<40960x128xf32, #tpu.memory_space<hbm>>, %arg3: memref<655360xi32, #tpu.memory_space<hbm>>, %arg4: memref<163840xi32, #tpu.memory_space<hbm>>, %arg5: memref<10240x128xf32, #tpu.memory_space<hbm>>, %arg6: memref<40960x128xf32, #tpu.memory_space<hbm>>, %arg7: memref<5120xi32, #tpu.memory_space<vmem>>, %arg8: memref<5120xi32, #tpu.memory_space<vmem>>, %arg9: memref<128x128xf32, #tpu.memory_space<vmem>>, %arg10: memref<128x128xf32, #tpu.memory_space<vmem>>, %arg11: memref<10240x128xf32, #tpu.memory_space<vmem_shared>>, %arg12: memref<!tpu.dma_semaphore, #tpu.memory_space<semaphore_mem>>, %arg13: memref<!tpu.dma_semaphore, #tpu.memory_space<semaphore_mem>>) attributes {dimension_semantics = [#tpu.dimension_semantics<core_parallel>, #tpu.dimension_semantics<subcore_parallel>], iteration_bounds = array<i64: 2, 16>, scalar_prefetch = 0 : i64, scratch_operands = 7 : i64, tpu.core_type = #tpu.core_type<sc_vector_subcore>, window_params = [{transform_indices = #map}, {transform_indices = #map1}, {transform_indices = #map1}, {transform_indices = #map}, {transform_indices = #map}]} {
    %mul3A = arith.constant 640 : i32
    %mul3A_0 = arith.muli %arg1, %mul3A : i32
    %scan3A = arith.constant 0 : i32
    %scan3A_1 = arith.constant 2 : i32
    %scan3A_2 = arith.addi %scan3A, %scan3A_1 : i32
    %scan3A_3 = arith.constant 1 : i32
    scf.for %scan3A_5 = %scan3A to %scan3A_2 step %scan3A_3  : i32 {
      %mul3A_6 = arith.constant 1 : i32
      %mul3A_7 = arith.muli %scan3A_5, %mul3A_6 : i32
      %add3A = arith.constant 0 : i32
      %add3A_8 = arith.addi %add3A, %mul3A_7 : i32
      %mul3A_9 = arith.constant 2 : i32
      %mul3A_10 = arith.muli %arg0, %mul3A_9 : i32
      %add3A_11 = arith.addi %mul3A_10, %add3A_8 : i32
      "tpu.region"() ({
        %run_scoped3A = tpu.sem_alloc : memref<!tpu.dma_semaphore, #tpu.memory_space<semaphore_mem>>
        %dma_start3A = arith.constant 0 : i32
        %dma_start3A_21 = tpu.memref_slice %arg11[%mul3A_0, %dma_start3A] : memref<10240x128xf32, #tpu.memory_space<vmem_shared>> -> memref<640x128xf32, #tpu.memory_space<vmem_shared>>
        %dma_start3A_22 = arith.constant 0 : i32
        %dma_start3A_23 = tpu.memref_slice %arg5[%mul3A_0, %dma_start3A_22] : memref<10240x128xf32, #tpu.memory_space<hbm>> -> memref<640x128xf32, #tpu.memory_space<hbm>>
        tpu.enqueue_dma source(%dma_start3A_23 : memref<640x128xf32, #tpu.memory_space<hbm>>) target(%dma_start3A_21 : memref<640x128xf32, #tpu.memory_space<vmem_shared>>) target_semaphore(%run_scoped3A : memref<!tpu.dma_semaphore, #tpu.memory_space<semaphore_mem>>)
        %dma_wait3A = arith.constant 0 : i32
        %dma_wait3A_24 = tpu.memref_slice %arg11[%mul3A_0, %dma_wait3A] : memref<10240x128xf32, #tpu.memory_space<vmem_shared>> -> memref<640x128xf32, #tpu.memory_space<vmem_shared>>
        %dma_wait3A_25 = arith.constant 0 : i32
        %dma_wait3A_26 = tpu.memref_slice %arg5[%mul3A_0, %dma_wait3A_25] : memref<10240x128xf32, #tpu.memory_space<hbm>> -> memref<640x128xf32, #tpu.memory_space<hbm>>
        tpu.wait_dma2 semaphore(%run_scoped3A : memref<!tpu.dma_semaphore, #tpu.memory_space<semaphore_mem>>) src(%dma_wait3A_26 : memref<640x128xf32, #tpu.memory_space<hbm>>) dst(%dma_wait3A_24 : memref<640x128xf32, #tpu.memory_space<vmem_shared>>)
        tpu.yield
      }) : () -> ()
      %barrier3A = arith.constant 0 : index
      tpu.barrier barrier_id(%barrier3A)
      %scan3A_12 = arith.constant 0 : i32
      %scan3A_13 = arith.constant 2 : i32
      %scan3A_14 = arith.addi %scan3A_12, %scan3A_13 : i32
      %scan3A_15 = arith.constant 1 : i32
      scf.for %scan3A_21 = %scan3A_12 to %scan3A_14 step %scan3A_15  : i32 {
        %mul3A_22 = arith.constant 1 : i32
        %mul3A_23 = arith.muli %scan3A_21, %mul3A_22 : i32
        %add3A_24 = arith.constant 0 : i32
        %add3A_25 = arith.addi %add3A_24, %mul3A_23 : i32
        %mul3A_26 = arith.constant 16 : i32
        %mul3A_27 = arith.muli %add3A_11, %mul3A_26 : i32
        %add3A_28 = arith.addi %mul3A_27, %arg1 : i32
        %mul3A_29 = arith.constant 10240 : i32
        %mul3A_30 = arith.muli %add3A_28, %mul3A_29 : i32
        %mul3A_31 = arith.constant 40 : i32
        %mul3A_32 = arith.muli %add3A_25, %mul3A_31 : i32
        %mul3A_33 = arith.constant 128 : i32
        %mul3A_34 = arith.muli %mul3A_32, %mul3A_33 : i32
        %add3A_35 = arith.addi %mul3A_30, %mul3A_34 : i32
        "tpu.region"() ({
          %run_scoped3A = tpu.sem_alloc : memref<!tpu.dma_semaphore, #tpu.memory_space<semaphore_mem>>
          %dma_start3A_52 = tpu.memref_slice %arg3[%add3A_35] : memref<655360xi32, #tpu.memory_space<hbm>> -> memref<5120xi32, #tpu.memory_space<hbm>>
          %dma_start3A_53 = tpu.memref_slice %arg3[%add3A_35] : memref<655360xi32, #tpu.memory_space<hbm>> -> memref<5120xi32, #tpu.memory_space<hbm>>
          tpu.enqueue_dma source(%dma_start3A_53 : memref<5120xi32, #tpu.memory_space<hbm>>) target(%arg7 : memref<5120xi32, #tpu.memory_space<vmem>>) target_semaphore(%run_scoped3A : memref<!tpu.dma_semaphore, #tpu.memory_space<semaphore_mem>>)
          %dma_wait3A = tpu.memref_slice %arg3[%add3A_35] : memref<655360xi32, #tpu.memory_space<hbm>> -> memref<5120xi32, #tpu.memory_space<hbm>>
          %dma_wait3A_54 = tpu.memref_slice %arg3[%add3A_35] : memref<655360xi32, #tpu.memory_space<hbm>> -> memref<5120xi32, #tpu.memory_space<hbm>>
          tpu.wait_dma2 semaphore(%run_scoped3A : memref<!tpu.dma_semaphore, #tpu.memory_space<semaphore_mem>>) src(%dma_wait3A_54 : memref<5120xi32, #tpu.memory_space<hbm>>) dst(%arg7 : memref<5120xi32, #tpu.memory_space<vmem>>)
          tpu.yield
        }) : () -> ()
        %mul3A_36 = arith.constant 10240 : i32
        %mul3A_37 = arith.muli %arg1, %mul3A_36 : i32
        %mul3A_38 = arith.constant 40 : i32
        %mul3A_39 = arith.muli %add3A_25, %mul3A_38 : i32
        %mul3A_40 = arith.constant 128 : i32
        %mul3A_41 = arith.muli %mul3A_39, %mul3A_40 : i32
        %add3A_42 = arith.addi %mul3A_37, %mul3A_41 : i32
        "tpu.region"() ({
          %run_scoped3A = tpu.sem_alloc : memref<!tpu.dma_semaphore, #tpu.memory_space<semaphore_mem>>
          %dma_start3A_52 = tpu.memref_slice %arg4[%add3A_42] : memref<163840xi32, #tpu.memory_space<hbm>> -> memref<5120xi32, #tpu.memory_space<hbm>>
          %dma_start3A_53 = tpu.memref_slice %arg4[%add3A_42] : memref<163840xi32, #tpu.memory_space<hbm>> -> memref<5120xi32, #tpu.memory_space<hbm>>
          tpu.enqueue_dma source(%dma_start3A_53 : memref<5120xi32, #tpu.memory_space<hbm>>) target(%arg8 : memref<5120xi32, #tpu.memory_space<vmem>>) target_semaphore(%run_scoped3A : memref<!tpu.dma_semaphore, #tpu.memory_space<semaphore_mem>>)
          %dma_wait3A = tpu.memref_slice %arg4[%add3A_42] : memref<163840xi32, #tpu.memory_space<hbm>> -> memref<5120xi32, #tpu.memory_space<hbm>>
          %dma_wait3A_54 = tpu.memref_slice %arg4[%add3A_42] : memref<163840xi32, #tpu.memory_space<hbm>> -> memref<5120xi32, #tpu.memory_space<hbm>>
          tpu.wait_dma2 semaphore(%run_scoped3A : memref<!tpu.dma_semaphore, #tpu.memory_space<semaphore_mem>>) src(%dma_wait3A_54 : memref<5120xi32, #tpu.memory_space<hbm>>) dst(%arg8 : memref<5120xi32, #tpu.memory_space<vmem>>)
          tpu.yield
        }) : () -> ()
        %dma_start3A = arith.constant 0 : i32
        %dma_start3A_43 = tpu.memref_slice %arg7[%dma_start3A] : memref<5120xi32, #tpu.memory_space<vmem>> -> memref<128xi32, #tpu.memory_space<vmem>>
        %dma_start3A_44 = arith.constant 0 : i32
        %dma_start3A_45 = arith.constant 0 : i32
        %dma_start3A_46 = tpu.memref_slice %arg2[%dma_start3A_44, %dma_start3A_45] : memref<40960x128xf32, #tpu.memory_space<hbm>> -> memref<40960x128xf32, #tpu.memory_space<hbm>>
        tpu.enqueue_indirect_dma source(%dma_start3A_46 : memref<40960x128xf32, #tpu.memory_space<hbm>>) target(%arg9 : memref<128x128xf32, #tpu.memory_space<vmem>>) offsets(%dma_start3A_43 : memref<128xi32, #tpu.memory_space<vmem>>) semaphore(%arg12 : memref<!tpu.dma_semaphore, #tpu.memory_space<semaphore_mem>>)
        %scan3A_47 = arith.constant 0 : i32
        %scan3A_48 = arith.constant 20 : i32
        %scan3A_49 = arith.addi %scan3A_47, %scan3A_48 : i32
        %scan3A_50 = arith.constant 1 : i32
        scf.for %scan3A_52 = %scan3A_47 to %scan3A_49 step %scan3A_50  : i32 {
          %mul3A_53 = arith.constant 2 : i32
          %mul3A_54 = arith.muli %scan3A_52, %mul3A_53 : i32
          %add3A_55 = arith.constant 0 : i32
          %add3A_56 = arith.addi %add3A_55, %mul3A_54 : i32
          %add3A_57 = arith.constant 1 : i32
          %add3A_58 = arith.addi %add3A_56, %add3A_57 : i32
          %mul3A_59 = arith.constant 128 : i32
          %mul3A_60 = arith.muli %add3A_58, %mul3A_59 : i32
          %dma_start3A_61 = tpu.memref_slice %arg7[%mul3A_60] : memref<5120xi32, #tpu.memory_space<vmem>> -> memref<128xi32, #tpu.memory_space<vmem>>
          %dma_start3A_62 = arith.constant 0 : i32
          %dma_start3A_63 = arith.constant 0 : i32
          %dma_start3A_64 = tpu.memref_slice %arg2[%dma_start3A_62, %dma_start3A_63] : memref<40960x128xf32, #tpu.memory_space<hbm>> -> memref<40960x128xf32, #tpu.memory_space<hbm>>
          tpu.enqueue_indirect_dma source(%dma_start3A_64 : memref<40960x128xf32, #tpu.memory_space<hbm>>) target(%arg10 : memref<128x128xf32, #tpu.memory_space<vmem>>) offsets(%dma_start3A_61 : memref<128xi32, #tpu.memory_space<vmem>>) semaphore(%arg13 : memref<!tpu.dma_semaphore, #tpu.memory_space<semaphore_mem>>)
          %dma_wait3A = arith.constant 0 : i32
          %dma_wait3A_65 = arith.constant 0 : i32
          %dma_wait3A_66 = tpu.memref_slice %arg2[%dma_wait3A, %dma_wait3A_65] : memref<40960x128xf32, #tpu.memory_space<hbm>> -> memref<128x128xf32, #tpu.memory_space<hbm>>
          %dma_wait3A_67 = arith.constant 0 : i32
          %dma_wait3A_68 = arith.constant 0 : i32
          %dma_wait3A_69 = tpu.memref_slice %arg2[%dma_wait3A_67, %dma_wait3A_68] : memref<40960x128xf32, #tpu.memory_space<hbm>> -> memref<128x128xf32, #tpu.memory_space<hbm>>
          tpu.wait_dma2 semaphore(%arg12 : memref<!tpu.dma_semaphore, #tpu.memory_space<semaphore_mem>>) src(%dma_wait3A_69 : memref<128x128xf32, #tpu.memory_space<hbm>>) dst(%arg9 : memref<128x128xf32, #tpu.memory_space<vmem>>)
          %mul3A_70 = arith.constant 128 : i32
          %mul3A_71 = arith.muli %add3A_56, %mul3A_70 : i32
          "tpu.region"() ({
            %run_scoped3A = tpu.sem_alloc : memref<!tpu.dma_semaphore, #tpu.memory_space<semaphore_mem>>
            %dma_start3A_86 = tpu.memref_slice %arg8[%mul3A_71] : memref<5120xi32, #tpu.memory_space<vmem>> -> memref<128xi32, #tpu.memory_space<vmem>>
            %dma_start3A_87 = arith.constant 0 : i32
            %dma_start3A_88 = arith.constant 0 : i32
            %dma_start3A_89 = tpu.memref_slice %arg11[%dma_start3A_87, %dma_start3A_88] : memref<10240x128xf32, #tpu.memory_space<vmem_shared>> -> memref<10240x128xf32, #tpu.memory_space<vmem_shared>>
            tpu.enqueue_indirect_dma source(%arg9 : memref<128x128xf32, #tpu.memory_space<vmem>>) target(%dma_start3A_89 : memref<10240x128xf32, #tpu.memory_space<vmem_shared>>) offsets(%dma_start3A_86 : memref<128xi32, #tpu.memory_space<vmem>>) semaphore(%run_scoped3A : memref<!tpu.dma_semaphore, #tpu.memory_space<semaphore_mem>>) {add = true}
            %dma_wait3A_90 = tpu.memref_slice %arg8[%mul3A_71] : memref<5120xi32, #tpu.memory_space<vmem>> -> memref<128xi32, #tpu.memory_space<vmem>>
            %dma_wait3A_91 = arith.constant 0 : i32
            %dma_wait3A_92 = arith.constant 0 : i32
            %dma_wait3A_93 = tpu.memref_slice %arg11[%dma_wait3A_91, %dma_wait3A_92] : memref<10240x128xf32, #tpu.memory_space<vmem_shared>> -> memref<10240x128xf32, #tpu.memory_space<vmem_shared>>
            tpu.wait_indirect_dma semaphore(%run_scoped3A : memref<!tpu.dma_semaphore, #tpu.memory_space<semaphore_mem>>) src(%arg9 : memref<128x128xf32, #tpu.memory_space<vmem>>) dst(%dma_wait3A_93 : memref<10240x128xf32, #tpu.memory_space<vmem_shared>>)
            tpu.yield
          }) : () -> ()
          %add3A_72 = arith.constant 2 : i32
          %add3A_73 = arith.addi %add3A_56, %add3A_72 : i32
          %lt3A = arith.constant 40 : i32
          %lt3A_74 = arith.cmpi slt, %add3A_73, %lt3A : i32
          %convert_element_type3A = arith.extui %lt3A_74 : i1 to i32
          %cond3A = arith.constant 0 : i32
          %cond3A_75 = arith.cmpi ne, %convert_element_type3A, %cond3A : i32
          scf.if %cond3A_75 {
            %add3A_86 = arith.constant 2 : i32
            %add3A_87 = arith.addi %add3A_56, %add3A_86 : i32
            %mul3A_88 = arith.constant 128 : i32
            %mul3A_89 = arith.muli %add3A_87, %mul3A_88 : i32
            %dma_start3A_90 = tpu.memref_slice %arg7[%mul3A_89] : memref<5120xi32, #tpu.memory_space<vmem>> -> memref<128xi32, #tpu.memory_space<vmem>>
            %dma_start3A_91 = arith.constant 0 : i32
            %dma_start3A_92 = arith.constant 0 : i32
            %dma_start3A_93 = tpu.memref_slice %arg2[%dma_start3A_91, %dma_start3A_92] : memref<40960x128xf32, #tpu.memory_space<hbm>> -> memref<40960x128xf32, #tpu.memory_space<hbm>>
            tpu.enqueue_indirect_dma source(%dma_start3A_93 : memref<40960x128xf32, #tpu.memory_space<hbm>>) target(%arg9 : memref<128x128xf32, #tpu.memory_space<vmem>>) offsets(%dma_start3A_90 : memref<128xi32, #tpu.memory_space<vmem>>) semaphore(%arg12 : memref<!tpu.dma_semaphore, #tpu.memory_space<semaphore_mem>>)
          } else {
          }
          %dma_wait3A_76 = arith.constant 0 : i32
          %dma_wait3A_77 = arith.constant 0 : i32
          %dma_wait3A_78 = tpu.memref_slice %arg2[%dma_wait3A_76, %dma_wait3A_77] : memref<40960x128xf32, #tpu.memory_space<hbm>> -> memref<128x128xf32, #tpu.memory_space<hbm>>
          %dma_wait3A_79 = arith.constant 0 : i32
          %dma_wait3A_80 = arith.constant 0 : i32
          %dma_wait3A_81 = tpu.memref_slice %arg2[%dma_wait3A_79, %dma_wait3A_80] : memref<40960x128xf32, #tpu.memory_space<hbm>> -> memref<128x128xf32, #tpu.memory_space<hbm>>
          tpu.wait_dma2 semaphore(%arg13 : memref<!tpu.dma_semaphore, #tpu.memory_space<semaphore_mem>>) src(%dma_wait3A_81 : memref<128x128xf32, #tpu.memory_space<hbm>>) dst(%arg10 : memref<128x128xf32, #tpu.memory_space<vmem>>)
          %add3A_82 = arith.constant 1 : i32
          %add3A_83 = arith.addi %add3A_56, %add3A_82 : i32
          %mul3A_84 = arith.constant 128 : i32
          %mul3A_85 = arith.muli %add3A_83, %mul3A_84 : i32
          "tpu.region"() ({
            %run_scoped3A = tpu.sem_alloc : memref<!tpu.dma_semaphore, #tpu.memory_space<semaphore_mem>>
            %dma_start3A_86 = tpu.memref_slice %arg8[%mul3A_85] : memref<5120xi32, #tpu.memory_space<vmem>> -> memref<128xi32, #tpu.memory_space<vmem>>
            %dma_start3A_87 = arith.constant 0 : i32
            %dma_start3A_88 = arith.constant 0 : i32
            %dma_start3A_89 = tpu.memref_slice %arg11[%dma_start3A_87, %dma_start3A_88] : memref<10240x128xf32, #tpu.memory_space<vmem_shared>> -> memref<10240x128xf32, #tpu.memory_space<vmem_shared>>
            tpu.enqueue_indirect_dma source(%arg10 : memref<128x128xf32, #tpu.memory_space<vmem>>) target(%dma_start3A_89 : memref<10240x128xf32, #tpu.memory_space<vmem_shared>>) offsets(%dma_start3A_86 : memref<128xi32, #tpu.memory_space<vmem>>) semaphore(%run_scoped3A : memref<!tpu.dma_semaphore, #tpu.memory_space<semaphore_mem>>) {add = true}
            %dma_wait3A_90 = tpu.memref_slice %arg8[%mul3A_85] : memref<5120xi32, #tpu.memory_space<vmem>> -> memref<128xi32, #tpu.memory_space<vmem>>
            %dma_wait3A_91 = arith.constant 0 : i32
            %dma_wait3A_92 = arith.constant 0 : i32
            %dma_wait3A_93 = tpu.memref_slice %arg11[%dma_wait3A_91, %dma_wait3A_92] : memref<10240x128xf32, #tpu.memory_space<vmem_shared>> -> memref<10240x128xf32, #tpu.memory_space<vmem_shared>>
            tpu.wait_indirect_dma semaphore(%run_scoped3A : memref<!tpu.dma_semaphore, #tpu.memory_space<semaphore_mem>>) src(%arg10 : memref<128x128xf32, #tpu.memory_space<vmem>>) dst(%dma_wait3A_93 : memref<10240x128xf32, #tpu.memory_space<vmem_shared>>)
            tpu.yield
          }) : () -> ()
        }
        %scan3A_51 = arith.constant 20 : i32
      }
      %scan3A_16 = arith.constant 2 : i32
      %barrier3A_17 = arith.constant 0 : index
      tpu.barrier barrier_id(%barrier3A_17)
      %mul3A_18 = arith.constant 10240 : i32
      %mul3A_19 = arith.muli %add3A_11, %mul3A_18 : i32
      %add3A_20 = arith.addi %mul3A_19, %mul3A_0 : i32
      "tpu.region"() ({
        %run_scoped3A = tpu.sem_alloc : memref<!tpu.dma_semaphore, #tpu.memory_space<semaphore_mem>>
        %dma_start3A = arith.constant 0 : i32
        %dma_start3A_21 = tpu.memref_slice %arg6[%add3A_20, %dma_start3A] : memref<40960x128xf32, #tpu.memory_space<hbm>> -> memref<640x128xf32, #tpu.memory_space<hbm>>
        %dma_start3A_22 = arith.constant 0 : i32
        %dma_start3A_23 = tpu.memref_slice %arg11[%mul3A_0, %dma_start3A_22] : memref<10240x128xf32, #tpu.memory_space<vmem_shared>> -> memref<640x128xf32, #tpu.memory_space<vmem_shared>>
        tpu.enqueue_dma source(%dma_start3A_23 : memref<640x128xf32, #tpu.memory_space<vmem_shared>>) target(%dma_start3A_21 : memref<640x128xf32, #tpu.memory_space<hbm>>) target_semaphore(%run_scoped3A : memref<!tpu.dma_semaphore, #tpu.memory_space<semaphore_mem>>)
        %dma_wait3A = arith.constant 0 : i32
        %dma_wait3A_24 = tpu.memref_slice %arg6[%add3A_20, %dma_wait3A] : memref<40960x128xf32, #tpu.memory_space<hbm>> -> memref<640x128xf32, #tpu.memory_space<hbm>>
        %dma_wait3A_25 = arith.constant 0 : i32
        %dma_wait3A_26 = tpu.memref_slice %arg11[%mul3A_0, %dma_wait3A_25] : memref<10240x128xf32, #tpu.memory_space<vmem_shared>> -> memref<640x128xf32, #tpu.memory_space<vmem_shared>>
        tpu.wait_dma2 semaphore(%run_scoped3A : memref<!tpu.dma_semaphore, #tpu.memory_space<semaphore_mem>>) src(%dma_wait3A_26 : memref<640x128xf32, #tpu.memory_space<vmem_shared>>) dst(%dma_wait3A_24 : memref<640x128xf32, #tpu.memory_space<hbm>>)
        tpu.yield
      }) : () -> ()
    }
    %scan3A_4 = arith.constant 2 : i32
    return
  }
}

#map = affine_map<(d0, d1) -> (0, 0)>
#map1 = affine_map<(d0, d1) -> (0)>
module attributes {stable_mosaic.version = 14 : i64} {
  func.func @_segment_sum_sc(%arg0: i32, %arg1: i32, %arg2: memref<40960x128xf32, #tpu.memory_space<hbm>>, %arg3: memref<655360xi32, #tpu.memory_space<hbm>>, %arg4: memref<163840xi32, #tpu.memory_space<hbm>>, %arg5: memref<10240x128xf32, #tpu.memory_space<hbm>>, %arg6: memref<40960x128xf32, #tpu.memory_space<hbm>>, %arg7: memref<5120xi32, #tpu.memory_space<vmem>>, %arg8: memref<5120xi32, #tpu.memory_space<vmem>>, %arg9: memref<128x128xf32, #tpu.memory_space<vmem>>, %arg10: memref<128x128xf32, #tpu.memory_space<vmem>>, %arg11: memref<10240x128xf32, #tpu.memory_space<vmem_shared>>, %arg12: memref<!tpu.dma_semaphore, #tpu.memory_space<semaphore_mem>>, %arg13: memref<!tpu.dma_semaphore, #tpu.memory_space<semaphore_mem>>) attributes {dimension_semantics = [#tpu.dimension_semantics<core_parallel>, #tpu.dimension_semantics<subcore_parallel>], iteration_bounds = array<i64: 2, 16>, scalar_prefetch = 0 : i64, scratch_operands = 7 : i64, tpu.core_type = #tpu.core_type<sc_vector_subcore>, window_params = [{transform_indices = #map}, {transform_indices = #map1}, {transform_indices = #map1}, {transform_indices = #map}, {transform_indices = #map}]} {
    %mul3A = arith.constant 640 : i32
    %mul3A_0 = arith.muli %arg1, %mul3A : i32
    %scan3A = arith.constant 0 : i32
    %scan3A_1 = arith.constant 2 : i32
    %scan3A_2 = arith.addi %scan3A, %scan3A_1 : i32
    %scan3A_3 = arith.constant 1 : i32
    scf.for %scan3A_5 = %scan3A to %scan3A_2 step %scan3A_3  : i32 {
      %mul3A_6 = arith.constant 1 : i32
      %mul3A_7 = arith.muli %scan3A_5, %mul3A_6 : i32
      %add3A = arith.constant 0 : i32
      %add3A_8 = arith.addi %add3A, %mul3A_7 : i32
      %mul3A_9 = arith.constant 2 : i32
      %mul3A_10 = arith.muli %arg0, %mul3A_9 : i32
      %add3A_11 = arith.addi %mul3A_10, %add3A_8 : i32
      "tpu.region"() ({
        %run_scoped3A = tpu.sem_alloc : memref<!tpu.dma_semaphore, #tpu.memory_space<semaphore_mem>>
        %dma_start3A = arith.constant 0 : i32
        %dma_start3A_21 = tpu.memref_slice %arg11[%mul3A_0, %dma_start3A] : memref<10240x128xf32, #tpu.memory_space<vmem_shared>> -> memref<640x128xf32, #tpu.memory_space<vmem_shared>>
        %dma_start3A_22 = arith.constant 0 : i32
        %dma_start3A_23 = tpu.memref_slice %arg5[%mul3A_0, %dma_start3A_22] : memref<10240x128xf32, #tpu.memory_space<hbm>> -> memref<640x128xf32, #tpu.memory_space<hbm>>
        tpu.enqueue_dma source(%dma_start3A_23 : memref<640x128xf32, #tpu.memory_space<hbm>>) target(%dma_start3A_21 : memref<640x128xf32, #tpu.memory_space<vmem_shared>>) target_semaphore(%run_scoped3A : memref<!tpu.dma_semaphore, #tpu.memory_space<semaphore_mem>>)
        %dma_wait3A = arith.constant 0 : i32
        %dma_wait3A_24 = tpu.memref_slice %arg11[%mul3A_0, %dma_wait3A] : memref<10240x128xf32, #tpu.memory_space<vmem_shared>> -> memref<640x128xf32, #tpu.memory_space<vmem_shared>>
        %dma_wait3A_25 = arith.constant 0 : i32
        %dma_wait3A_26 = tpu.memref_slice %arg5[%mul3A_0, %dma_wait3A_25] : memref<10240x128xf32, #tpu.memory_space<hbm>> -> memref<640x128xf32, #tpu.memory_space<hbm>>
        tpu.wait_dma2 semaphore(%run_scoped3A : memref<!tpu.dma_semaphore, #tpu.memory_space<semaphore_mem>>) src(%dma_wait3A_26 : memref<640x128xf32, #tpu.memory_space<hbm>>) dst(%dma_wait3A_24 : memref<640x128xf32, #tpu.memory_space<vmem_shared>>)
        tpu.yield
      }) : () -> ()
      %barrier3A = arith.constant 0 : index
      tpu.barrier barrier_id(%barrier3A)
      %scan3A_12 = arith.constant 0 : i32
      %scan3A_13 = arith.constant 2 : i32
      %scan3A_14 = arith.addi %scan3A_12, %scan3A_13 : i32
      %scan3A_15 = arith.constant 1 : i32
      scf.for %scan3A_21 = %scan3A_12 to %scan3A_14 step %scan3A_15  : i32 {
        %mul3A_22 = arith.constant 1 : i32
        %mul3A_23 = arith.muli %scan3A_21, %mul3A_22 : i32
        %add3A_24 = arith.constant 0 : i32
        %add3A_25 = arith.addi %add3A_24, %mul3A_23 : i32
        %mul3A_26 = arith.constant 16 : i32
        %mul3A_27 = arith.muli %add3A_11, %mul3A_26 : i32
        %add3A_28 = arith.addi %mul3A_27, %arg1 : i32
        %mul3A_29 = arith.constant 10240 : i32
        %mul3A_30 = arith.muli %add3A_28, %mul3A_29 : i32
        %mul3A_31 = arith.constant 40 : i32
        %mul3A_32 = arith.muli %add3A_25, %mul3A_31 : i32
        %mul3A_33 = arith.constant 128 : i32
        %mul3A_34 = arith.muli %mul3A_32, %mul3A_33 : i32
        %add3A_35 = arith.addi %mul3A_30, %mul3A_34 : i32
        "tpu.region"() ({
          %run_scoped3A = tpu.sem_alloc : memref<!tpu.dma_semaphore, #tpu.memory_space<semaphore_mem>>
          %dma_start3A_52 = tpu.memref_slice %arg3[%add3A_35] : memref<655360xi32, #tpu.memory_space<hbm>> -> memref<5120xi32, #tpu.memory_space<hbm>>
          %dma_start3A_53 = tpu.memref_slice %arg3[%add3A_35] : memref<655360xi32, #tpu.memory_space<hbm>> -> memref<5120xi32, #tpu.memory_space<hbm>>
          tpu.enqueue_dma source(%dma_start3A_53 : memref<5120xi32, #tpu.memory_space<hbm>>) target(%arg7 : memref<5120xi32, #tpu.memory_space<vmem>>) target_semaphore(%run_scoped3A : memref<!tpu.dma_semaphore, #tpu.memory_space<semaphore_mem>>)
          %dma_wait3A = tpu.memref_slice %arg3[%add3A_35] : memref<655360xi32, #tpu.memory_space<hbm>> -> memref<5120xi32, #tpu.memory_space<hbm>>
          %dma_wait3A_54 = tpu.memref_slice %arg3[%add3A_35] : memref<655360xi32, #tpu.memory_space<hbm>> -> memref<5120xi32, #tpu.memory_space<hbm>>
          tpu.wait_dma2 semaphore(%run_scoped3A : memref<!tpu.dma_semaphore, #tpu.memory_space<semaphore_mem>>) src(%dma_wait3A_54 : memref<5120xi32, #tpu.memory_space<hbm>>) dst(%arg7 : memref<5120xi32, #tpu.memory_space<vmem>>)
          tpu.yield
        }) : () -> ()
        %mul3A_36 = arith.constant 10240 : i32
        %mul3A_37 = arith.muli %arg1, %mul3A_36 : i32
        %mul3A_38 = arith.constant 40 : i32
        %mul3A_39 = arith.muli %add3A_25, %mul3A_38 : i32
        %mul3A_40 = arith.constant 128 : i32
        %mul3A_41 = arith.muli %mul3A_39, %mul3A_40 : i32
        %add3A_42 = arith.addi %mul3A_37, %mul3A_41 : i32
        "tpu.region"() ({
          %run_scoped3A = tpu.sem_alloc : memref<!tpu.dma_semaphore, #tpu.memory_space<semaphore_mem>>
          %dma_start3A_52 = tpu.memref_slice %arg4[%add3A_42] : memref<163840xi32, #tpu.memory_space<hbm>> -> memref<5120xi32, #tpu.memory_space<hbm>>
          %dma_start3A_53 = tpu.memref_slice %arg4[%add3A_42] : memref<163840xi32, #tpu.memory_space<hbm>> -> memref<5120xi32, #tpu.memory_space<hbm>>
          tpu.enqueue_dma source(%dma_start3A_53 : memref<5120xi32, #tpu.memory_space<hbm>>) target(%arg8 : memref<5120xi32, #tpu.memory_space<vmem>>) target_semaphore(%run_scoped3A : memref<!tpu.dma_semaphore, #tpu.memory_space<semaphore_mem>>)
          %dma_wait3A = tpu.memref_slice %arg4[%add3A_42] : memref<163840xi32, #tpu.memory_space<hbm>> -> memref<5120xi32, #tpu.memory_space<hbm>>
          %dma_wait3A_54 = tpu.memref_slice %arg4[%add3A_42] : memref<163840xi32, #tpu.memory_space<hbm>> -> memref<5120xi32, #tpu.memory_space<hbm>>
          tpu.wait_dma2 semaphore(%run_scoped3A : memref<!tpu.dma_semaphore, #tpu.memory_space<semaphore_mem>>) src(%dma_wait3A_54 : memref<5120xi32, #tpu.memory_space<hbm>>) dst(%arg8 : memref<5120xi32, #tpu.memory_space<vmem>>)
          tpu.yield
        }) : () -> ()
        %dma_start3A = arith.constant 0 : i32
        %dma_start3A_43 = tpu.memref_slice %arg7[%dma_start3A] : memref<5120xi32, #tpu.memory_space<vmem>> -> memref<128xi32, #tpu.memory_space<vmem>>
        %dma_start3A_44 = arith.constant 0 : i32
        %dma_start3A_45 = arith.constant 0 : i32
        %dma_start3A_46 = tpu.memref_slice %arg2[%dma_start3A_44, %dma_start3A_45] : memref<40960x128xf32, #tpu.memory_space<hbm>> -> memref<40960x128xf32, #tpu.memory_space<hbm>>
        tpu.enqueue_indirect_dma source(%dma_start3A_46 : memref<40960x128xf32, #tpu.memory_space<hbm>>) target(%arg9 : memref<128x128xf32, #tpu.memory_space<vmem>>) offsets(%dma_start3A_43 : memref<128xi32, #tpu.memory_space<vmem>>) semaphore(%arg12 : memref<!tpu.dma_semaphore, #tpu.memory_space<semaphore_mem>>)
        %scan3A_47 = arith.constant 0 : i32
        %scan3A_48 = arith.constant 20 : i32
        %scan3A_49 = arith.addi %scan3A_47, %scan3A_48 : i32
        %scan3A_50 = arith.constant 1 : i32
        scf.for %scan3A_52 = %scan3A_47 to %scan3A_49 step %scan3A_50  : i32 {
          %mul3A_53 = arith.constant 2 : i32
          %mul3A_54 = arith.muli %scan3A_52, %mul3A_53 : i32
          %add3A_55 = arith.constant 0 : i32
          %add3A_56 = arith.addi %add3A_55, %mul3A_54 : i32
          %add3A_57 = arith.constant 1 : i32
          %add3A_58 = arith.addi %add3A_56, %add3A_57 : i32
          %mul3A_59 = arith.constant 128 : i32
          %mul3A_60 = arith.muli %add3A_58, %mul3A_59 : i32
          %dma_start3A_61 = tpu.memref_slice %arg7[%mul3A_60] : memref<5120xi32, #tpu.memory_space<vmem>> -> memref<128xi32, #tpu.memory_space<vmem>>
          %dma_start3A_62 = arith.constant 0 : i32
          %dma_start3A_63 = arith.constant 0 : i32
          %dma_start3A_64 = tpu.memref_slice %arg2[%dma_start3A_62, %dma_start3A_63] : memref<40960x128xf32, #tpu.memory_space<hbm>> -> memref<40960x128xf32, #tpu.memory_space<hbm>>
          tpu.enqueue_indirect_dma source(%dma_start3A_64 : memref<40960x128xf32, #tpu.memory_space<hbm>>) target(%arg10 : memref<128x128xf32, #tpu.memory_space<vmem>>) offsets(%dma_start3A_61 : memref<128xi32, #tpu.memory_space<vmem>>) semaphore(%arg13 : memref<!tpu.dma_semaphore, #tpu.memory_space<semaphore_mem>>)
          %dma_wait3A = arith.constant 0 : i32
          %dma_wait3A_65 = arith.constant 0 : i32
          %dma_wait3A_66 = tpu.memref_slice %arg2[%dma_wait3A, %dma_wait3A_65] : memref<40960x128xf32, #tpu.memory_space<hbm>> -> memref<128x128xf32, #tpu.memory_space<hbm>>
          %dma_wait3A_67 = arith.constant 0 : i32
          %dma_wait3A_68 = arith.constant 0 : i32
          %dma_wait3A_69 = tpu.memref_slice %arg2[%dma_wait3A_67, %dma_wait3A_68] : memref<40960x128xf32, #tpu.memory_space<hbm>> -> memref<128x128xf32, #tpu.memory_space<hbm>>
          tpu.wait_dma2 semaphore(%arg12 : memref<!tpu.dma_semaphore, #tpu.memory_space<semaphore_mem>>) src(%dma_wait3A_69 : memref<128x128xf32, #tpu.memory_space<hbm>>) dst(%arg9 : memref<128x128xf32, #tpu.memory_space<vmem>>)
          %mul3A_70 = arith.constant 128 : i32
          %mul3A_71 = arith.muli %add3A_56, %mul3A_70 : i32
          "tpu.region"() ({
            %run_scoped3A = tpu.sem_alloc : memref<!tpu.dma_semaphore, #tpu.memory_space<semaphore_mem>>
            %dma_start3A_86 = tpu.memref_slice %arg8[%mul3A_71] : memref<5120xi32, #tpu.memory_space<vmem>> -> memref<128xi32, #tpu.memory_space<vmem>>
            %dma_start3A_87 = arith.constant 0 : i32
            %dma_start3A_88 = arith.constant 0 : i32
            %dma_start3A_89 = tpu.memref_slice %arg11[%dma_start3A_87, %dma_start3A_88] : memref<10240x128xf32, #tpu.memory_space<vmem_shared>> -> memref<10240x128xf32, #tpu.memory_space<vmem_shared>>
            tpu.enqueue_indirect_dma source(%arg9 : memref<128x128xf32, #tpu.memory_space<vmem>>) target(%dma_start3A_89 : memref<10240x128xf32, #tpu.memory_space<vmem_shared>>) offsets(%dma_start3A_86 : memref<128xi32, #tpu.memory_space<vmem>>) semaphore(%run_scoped3A : memref<!tpu.dma_semaphore, #tpu.memory_space<semaphore_mem>>) {add = true}
            %dma_wait3A_90 = tpu.memref_slice %arg8[%mul3A_71] : memref<5120xi32, #tpu.memory_space<vmem>> -> memref<128xi32, #tpu.memory_space<vmem>>
            %dma_wait3A_91 = arith.constant 0 : i32
            %dma_wait3A_92 = arith.constant 0 : i32
            %dma_wait3A_93 = tpu.memref_slice %arg11[%dma_wait3A_91, %dma_wait3A_92] : memref<10240x128xf32, #tpu.memory_space<vmem_shared>> -> memref<10240x128xf32, #tpu.memory_space<vmem_shared>>
            tpu.wait_indirect_dma semaphore(%run_scoped3A : memref<!tpu.dma_semaphore, #tpu.memory_space<semaphore_mem>>) src(%arg9 : memref<128x128xf32, #tpu.memory_space<vmem>>) dst(%dma_wait3A_93 : memref<10240x128xf32, #tpu.memory_space<vmem_shared>>)
            tpu.yield
          }) : () -> ()
          %add3A_72 = arith.constant 2 : i32
          %add3A_73 = arith.addi %add3A_56, %add3A_72 : i32
          %lt3A = arith.constant 40 : i32
          %lt3A_74 = arith.cmpi slt, %add3A_73, %lt3A : i32
          %convert_element_type3A = arith.extui %lt3A_74 : i1 to i32
          %cond3A = arith.constant 0 : i32
          %cond3A_75 = arith.cmpi ne, %convert_element_type3A, %cond3A : i32
          scf.if %cond3A_75 {
            %add3A_86 = arith.constant 2 : i32
            %add3A_87 = arith.addi %add3A_56, %add3A_86 : i32
            %mul3A_88 = arith.constant 128 : i32
            %mul3A_89 = arith.muli %add3A_87, %mul3A_88 : i32
            %dma_start3A_90 = tpu.memref_slice %arg7[%mul3A_89] : memref<5120xi32, #tpu.memory_space<vmem>> -> memref<128xi32, #tpu.memory_space<vmem>>
            %dma_start3A_91 = arith.constant 0 : i32
            %dma_start3A_92 = arith.constant 0 : i32
            %dma_start3A_93 = tpu.memref_slice %arg2[%dma_start3A_91, %dma_start3A_92] : memref<40960x128xf32, #tpu.memory_space<hbm>> -> memref<40960x128xf32, #tpu.memory_space<hbm>>
            tpu.enqueue_indirect_dma source(%dma_start3A_93 : memref<40960x128xf32, #tpu.memory_space<hbm>>) target(%arg9 : memref<128x128xf32, #tpu.memory_space<vmem>>) offsets(%dma_start3A_90 : memref<128xi32, #tpu.memory_space<vmem>>) semaphore(%arg12 : memref<!tpu.dma_semaphore, #tpu.memory_space<semaphore_mem>>)
          } else {
          }
          %dma_wait3A_76 = arith.constant 0 : i32
          %dma_wait3A_77 = arith.constant 0 : i32
          %dma_wait3A_78 = tpu.memref_slice %arg2[%dma_wait3A_76, %dma_wait3A_77] : memref<40960x128xf32, #tpu.memory_space<hbm>> -> memref<128x128xf32, #tpu.memory_space<hbm>>
          %dma_wait3A_79 = arith.constant 0 : i32
          %dma_wait3A_80 = arith.constant 0 : i32
          %dma_wait3A_81 = tpu.memref_slice %arg2[%dma_wait3A_79, %dma_wait3A_80] : memref<40960x128xf32, #tpu.memory_space<hbm>> -> memref<128x128xf32, #tpu.memory_space<hbm>>
          tpu.wait_dma2 semaphore(%arg13 : memref<!tpu.dma_semaphore, #tpu.memory_space<semaphore_mem>>) src(%dma_wait3A_81 : memref<128x128xf32, #tpu.memory_space<hbm>>) dst(%arg10 : memref<128x128xf32, #tpu.memory_space<vmem>>)
          %add3A_82 = arith.constant 1 : i32
          %add3A_83 = arith.addi %add3A_56, %add3A_82 : i32
          %mul3A_84 = arith.constant 128 : i32
          %mul3A_85 = arith.muli %add3A_83, %mul3A_84 : i32
          "tpu.region"() ({
            %run_scoped3A = tpu.sem_alloc : memref<!tpu.dma_semaphore, #tpu.memory_space<semaphore_mem>>
            %dma_start3A_86 = tpu.memref_slice %arg8[%mul3A_85] : memref<5120xi32, #tpu.memory_space<vmem>> -> memref<128xi32, #tpu.memory_space<vmem>>
            %dma_start3A_87 = arith.constant 0 : i32
            %dma_start3A_88 = arith.constant 0 : i32
            %dma_start3A_89 = tpu.memref_slice %arg11[%dma_start3A_87, %dma_start3A_88] : memref<10240x128xf32, #tpu.memory_space<vmem_shared>> -> memref<10240x128xf32, #tpu.memory_space<vmem_shared>>
            tpu.enqueue_indirect_dma source(%arg10 : memref<128x128xf32, #tpu.memory_space<vmem>>) target(%dma_start3A_89 : memref<10240x128xf32, #tpu.memory_space<vmem_shared>>) offsets(%dma_start3A_86 : memref<128xi32, #tpu.memory_space<vmem>>) semaphore(%run_scoped3A : memref<!tpu.dma_semaphore, #tpu.memory_space<semaphore_mem>>) {add = true}
            %dma_wait3A_90 = tpu.memref_slice %arg8[%mul3A_85] : memref<5120xi32, #tpu.memory_space<vmem>> -> memref<128xi32, #tpu.memory_space<vmem>>
            %dma_wait3A_91 = arith.constant 0 : i32
            %dma_wait3A_92 = arith.constant 0 : i32
            %dma_wait3A_93 = tpu.memref_slice %arg11[%dma_wait3A_91, %dma_wait3A_92] : memref<10240x128xf32, #tpu.memory_space<vmem_shared>> -> memref<10240x128xf32, #tpu.memory_space<vmem_shared>>
            tpu.wait_indirect_dma semaphore(%run_scoped3A : memref<!tpu.dma_semaphore, #tpu.memory_space<semaphore_mem>>) src(%arg10 : memref<128x128xf32, #tpu.memory_space<vmem>>) dst(%dma_wait3A_93 : memref<10240x128xf32, #tpu.memory_space<vmem_shared>>)
            tpu.yield
          }) : () -> ()
        }
        %scan3A_51 = arith.constant 20 : i32
      }
      %scan3A_16 = arith.constant 2 : i32
      %barrier3A_17 = arith.constant 0 : index
      tpu.barrier barrier_id(%barrier3A_17)
      %mul3A_18 = arith.constant 10240 : i32
      %mul3A_19 = arith.muli %add3A_11, %mul3A_18 : i32
      %add3A_20 = arith.addi %mul3A_19, %mul3A_0 : i32
      "tpu.region"() ({
        %run_scoped3A = tpu.sem_alloc : memref<!tpu.dma_semaphore, #tpu.memory_space<semaphore_mem>>
        %dma_start3A = arith.constant 0 : i32
        %dma_start3A_21 = tpu.memref_slice %arg6[%add3A_20, %dma_start3A] : memref<40960x128xf32, #tpu.memory_space<hbm>> -> memref<640x128xf32, #tpu.memory_space<hbm>>
        %dma_start3A_22 = arith.constant 0 : i32
        %dma_start3A_23 = tpu.memref_slice %arg11[%mul3A_0, %dma_start3A_22] : memref<10240x128xf32, #tpu.memory_space<vmem_shared>> -> memref<640x128xf32, #tpu.memory_space<vmem_shared>>
        tpu.enqueue_dma source(%dma_start3A_23 : memref<640x128xf32, #tpu.memory_space<vmem_shared>>) target(%dma_start3A_21 : memref<640x128xf32, #tpu.memory_space<hbm>>) target_semaphore(%run_scoped3A : memref<!tpu.dma_semaphore, #tpu.memory_space<semaphore_mem>>)
        %dma_wait3A = arith.constant 0 : i32
        %dma_wait3A_24 = tpu.memref_slice %arg6[%add3A_20, %dma_wait3A] : memref<40960x128xf32, #tpu.memory_space<hbm>> -> memref<640x128xf32, #tpu.memory_space<hbm>>
        %dma_wait3A_25 = arith.constant 0 : i32
        %dma_wait3A_26 = tpu.memref_slice %arg11[%mul3A_0, %dma_wait3A_25] : memref<10240x128xf32, #tpu.memory_space<vmem_shared>> -> memref<640x128xf32, #tpu.memory_space<vmem_shared>>
        tpu.wait_dma2 semaphore(%run_scoped3A : memref<!tpu.dma_semaphore, #tpu.memory_space<semaphore_mem>>) src(%dma_wait3A_26 : memref<640x128xf32, #tpu.memory_space<vmem_shared>>) dst(%dma_wait3A_24 : memref<640x128xf32, #tpu.memory_space<hbm>>)
        tpu.yield
      }) : () -> ()
    }
    %scan3A_4 = arith.constant 2 : i32
    return
  }
}

module attributes {stable_mosaic.version = 14 : i64} {
  func.func @_enc_body(%arg0: i32, %arg1: memref<2048x256xf32, #tpu.memory_space<vmem>>, %arg2: memref<256x512xf32, #tpu.memory_space<vmem>>, %arg3: memref<1x512xf32, #tpu.memory_space<vmem>>, %arg4: memref<512x512xf32, #tpu.memory_space<vmem>>, %arg5: memref<1x512xf32, #tpu.memory_space<vmem>>, %arg6: memref<8192x128xf32, #tpu.memory_space<vmem>>) attributes {dimension_semantics = [#tpu.dimension_semantics<arbitrary>], iteration_bounds = array<i64: 5>, scalar_prefetch = 0 : i64, scratch_operands = 0 : i64, tpu.core_type = #tpu.core_type<tc>, window_params = [{transform_indices = @transform_0, window_bounds = array<i64: 2048, 256>}, {pipeline_mode = #tpu.pipeline_mode<synchronous>, transform_indices = @transform_1, window_bounds = array<i64: 256, 512>}, {pipeline_mode = #tpu.pipeline_mode<synchronous>, transform_indices = @transform_2, window_bounds = array<i64: 1, 512>}, {pipeline_mode = #tpu.pipeline_mode<synchronous>, transform_indices = @transform_3, window_bounds = array<i64: 512, 512>}, {pipeline_mode = #tpu.pipeline_mode<synchronous>, transform_indices = @transform_4, window_bounds = array<i64: 1, 512>}, {transform_indices = @transform_5, window_bounds = array<i64: 8192, 128>}]} {
    %get3A = arith.constant 0 : index
    %get3A_0 = arith.constant 0 : index
    %get3A_1 = vector.load %arg1[%get3A, %get3A_0] : memref<2048x256xf32, #tpu.memory_space<vmem>>, vector<2048x256xf32>
    %get3A_2 = arith.constant 0 : index
    %get3A_3 = arith.constant 0 : index
    %get3A_4 = vector.load %arg2[%get3A_2, %get3A_3] : memref<256x512xf32, #tpu.memory_space<vmem>>, vector<256x512xf32>
    %convert_element_type3A = arith.truncf %get3A_1 : vector<2048x256xf32> to vector<2048x256xbf16>
    %convert_element_type3A_5 = arith.truncf %get3A_4 : vector<256x512xf32> to vector<256x512xbf16>
    %dot_general3A = arith.constant dense<0.000000e+00> : vector<2048x512xf32>
    %dot_general3A_6 = tpu.matmul %convert_element_type3A, %convert_element_type3A_5, %dot_general3A {dimension_numbers = #tpu.dot_dimension_numbers<[1], [0], [0], [1], [0, 0, 1, 1], [], []>, transpose_lhs_hint = false} : vector<2048x256xbf16>, vector<256x512xbf16>, vector<2048x512xf32> -> vector<2048x512xf32>
    %get3A_7 = arith.constant 0 : index
    %get3A_8 = arith.constant 0 : index
    %get3A_9 = vector.load %arg3[%get3A_7, %get3A_8] : memref<1x512xf32, #tpu.memory_space<vmem>>, vector<1x512xf32>
    %add3A = vector.broadcast %get3A_9 : vector<1x512xf32> to vector<2048x512xf32>
    %add3A_10 = arith.addf %dot_general3A_6, %add3A : vector<2048x512xf32>
    %max3A = arith.constant 0.000000e+00 : f32
    %max3A_11 = vector.broadcast %max3A : f32 to vector<2048x512xf32>
    %max3A_12 = arith.maximumf %add3A_10, %max3A_11 : vector<2048x512xf32>
    %get3A_13 = arith.constant 0 : index
    %get3A_14 = arith.constant 0 : index
    %get3A_15 = vector.load %arg4[%get3A_13, %get3A_14] : memref<512x512xf32, #tpu.memory_space<vmem>>, vector<512x512xf32>
    %convert_element_type3A_16 = arith.truncf %max3A_12 : vector<2048x512xf32> to vector<2048x512xbf16>
    %convert_element_type3A_17 = arith.truncf %get3A_15 : vector<512x512xf32> to vector<512x512xbf16>
    %dot_general3A_18 = arith.constant dense<0.000000e+00> : vector<2048x512xf32>
    %dot_general3A_19 = tpu.matmul %convert_element_type3A_16, %convert_element_type3A_17, %dot_general3A_18 {dimension_numbers = #tpu.dot_dimension_numbers<[1], [0], [0], [1], [0, 0, 1, 1], [], []>, transpose_lhs_hint = false} : vector<2048x512xbf16>, vector<512x512xbf16>, vector<2048x512xf32> -> vector<2048x512xf32>
    %get3A_20 = arith.constant 0 : index
    %get3A_21 = arith.constant 0 : index
    %get3A_22 = vector.load %arg5[%get3A_20, %get3A_21] : memref<1x512xf32, #tpu.memory_space<vmem>>, vector<1x512xf32>
    %add3A_23 = vector.broadcast %get3A_22 : vector<1x512xf32> to vector<2048x512xf32>
    %add3A_24 = arith.addf %dot_general3A_19, %add3A_23 : vector<2048x512xf32>
    %reshape3A = vector.shape_cast %add3A_24 : vector<2048x512xf32> to vector<8192x128xf32>
    %swap3A = arith.constant 0 : index
    %swap3A_25 = arith.constant 0 : index
    %swap3A_26 = vector.load %arg6[%swap3A, %swap3A_25] : memref<8192x128xf32, #tpu.memory_space<vmem>>, vector<8192x128xf32>
    tpu.vector_store %arg6[%swap3A, %swap3A_25], %reshape3A {strides = array<i32>} : memref<8192x128xf32, #tpu.memory_space<vmem>>, vector<8192x128xf32>,
    return
  }
  func.func @transform_0(%arg0: i32) -> (i32, i32) {
    %c0_i32 = arith.constant 0 : i32
    %c0_i32_0 = arith.constant 0 : i32
    return %arg0, %c0_i32 : i32, i32
  }
  func.func @transform_1(%arg0: i32) -> (i32, i32) {
    %c0_i32 = arith.constant 0 : i32
    %c0_i32_0 = arith.constant 0 : i32
    %c0_i32_1 = arith.constant 0 : i32
    return %c0_i32, %c0_i32_0 : i32, i32
  }
  func.func @transform_2(%arg0: i32) -> (i32, i32) {
    %c0_i32 = arith.constant 0 : i32
    %c0_i32_0 = arith.constant 0 : i32
    %c0_i32_1 = arith.constant 0 : i32
    return %c0_i32, %c0_i32_0 : i32, i32
  }
  func.func @transform_3(%arg0: i32) -> (i32, i32) {
    %c0_i32 = arith.constant 0 : i32
    %c0_i32_0 = arith.constant 0 : i32
    %c0_i32_1 = arith.constant 0 : i32
    return %c0_i32, %c0_i32_0 : i32, i32
  }
  func.func @transform_4(%arg0: i32) -> (i32, i32) {
    %c0_i32 = arith.constant 0 : i32
    %c0_i32_0 = arith.constant 0 : i32
    %c0_i32_1 = arith.constant 0 : i32
    return %c0_i32, %c0_i32_0 : i32, i32
  }
  func.func @transform_5(%arg0: i32) -> (i32, i32) {
    %c0_i32 = arith.constant 0 : i32
    %c0_i32_0 = arith.constant 0 : i32
    return %arg0, %c0_i32 : i32, i32
  }
}

module attributes {stable_mosaic.version = 14 : i64} {
  func.func @_gin_body(%arg0: i32, %arg1: memref<8192x128xf32, #tpu.memory_space<vmem>>, %arg2: memref<4x2048x128xf32, #tpu.memory_space<vmem>>, %arg3: memref<512x512xf32, #tpu.memory_space<vmem>>, %arg4: memref<1x512xf32, #tpu.memory_space<vmem>>, %arg5: memref<512x512xf32, #tpu.memory_space<vmem>>, %arg6: memref<1x512xf32, #tpu.memory_space<vmem>>, %arg7: memref<1x1xf32, #tpu.memory_space<vmem>>, %arg8: memref<8192x128xf32, #tpu.memory_space<vmem>>) attributes {dimension_semantics = [#tpu.dimension_semantics<arbitrary>], iteration_bounds = array<i64: 5>, scalar_prefetch = 0 : i64, scratch_operands = 0 : i64, tpu.core_type = #tpu.core_type<tc>, window_params = [{transform_indices = @transform_0, window_bounds = array<i64: 8192, 128>}, {transform_indices = @transform_1, window_bounds = array<i64: 4, 2048, 128>}, {pipeline_mode = #tpu.pipeline_mode<synchronous>, transform_indices = @transform_2, window_bounds = array<i64: 512, 512>}, {pipeline_mode = #tpu.pipeline_mode<synchronous>, transform_indices = @transform_3, window_bounds = array<i64: 1, 512>}, {pipeline_mode = #tpu.pipeline_mode<synchronous>, transform_indices = @transform_4, window_bounds = array<i64: 512, 512>}, {pipeline_mode = #tpu.pipeline_mode<synchronous>, transform_indices = @transform_5, window_bounds = array<i64: 1, 512>}, {pipeline_mode = #tpu.pipeline_mode<synchronous>, transform_indices = @transform_6, window_bounds = array<i64: 1, 1>}, {transform_indices = @transform_7, window_bounds = array<i64: 8192, 128>}]} {
    %get3A = arith.constant 0 : index
    %get3A_0 = arith.constant 0 : index
    %get3A_1 = vector.load %arg7[%get3A, %get3A_0] : memref<1x1xf32, #tpu.memory_space<vmem>>, vector<1x1xf32>
    %get3A_2 = vector.extract %get3A_1[0, 0] : f32 from vector<1x1xf32>
    %add3A = arith.constant 1.000000e+00 : f32
    %add3A_3 = arith.addf %add3A, %get3A_2 : f32
    %get3A_4 = arith.constant 0 : index
    %get3A_5 = arith.constant 0 : index
    %get3A_6 = vector.load %arg1[%get3A_4, %get3A_5] : memref<8192x128xf32, #tpu.memory_space<vmem>>, vector<8192x128xf32>
    %reshape3A = vector.shape_cast %get3A_6 : vector<8192x128xf32> to vector<2048x512xf32>
    %get3A_7 = arith.constant 0 : index
    %get3A_8 = arith.constant 0 : index
    %get3A_9 = vector.load %arg3[%get3A_7, %get3A_8] : memref<512x512xf32, #tpu.memory_space<vmem>>, vector<512x512xf32>
    %convert_element_type3A = arith.truncf %reshape3A : vector<2048x512xf32> to vector<2048x512xbf16>
    %convert_element_type3A_10 = arith.truncf %get3A_9 : vector<512x512xf32> to vector<512x512xbf16>
    %dot_general3A = arith.constant dense<0.000000e+00> : vector<2048x512xf32>
    %dot_general3A_11 = tpu.matmul %convert_element_type3A, %convert_element_type3A_10, %dot_general3A {dimension_numbers = #tpu.dot_dimension_numbers<[1], [0], [0], [1], [0, 0, 1, 1], [], []>, transpose_lhs_hint = false} : vector<2048x512xbf16>, vector<512x512xbf16>, vector<2048x512xf32> -> vector<2048x512xf32>
    %mul3A = vector.broadcast %add3A_3 : f32 to vector<2048x512xf32>
    %mul3A_12 = arith.mulf %dot_general3A_11, %mul3A : vector<2048x512xf32>
    %get3A_13 = arith.constant 0 : index
    %get3A_14 = arith.constant 0 : index
    %get3A_15 = arith.constant 0 : index
    %get3A_16 = vector.load %arg2[%get3A_13, %get3A_14, %get3A_15] : memref<4x2048x128xf32, #tpu.memory_space<vmem>>, vector<1x2048x128xf32>
    %get3A_17 = vector.shape_cast %get3A_16 : vector<1x2048x128xf32> to vector<2048x128xf32>
    %get3A_18 = arith.constant 0 : index
    %get3A_19 = arith.constant 0 : index
    %get3A_20 = vector.load %arg3[%get3A_18, %get3A_19] : memref<512x512xf32, #tpu.memory_space<vmem>>, vector<128x512xf32>
    %convert_element_type3A_21 = arith.truncf %get3A_17 : vector<2048x128xf32> to vector<2048x128xbf16>
    %convert_element_type3A_22 = arith.truncf %get3A_20 : vector<128x512xf32> to vector<128x512xbf16>
    %dot_general3A_23 = arith.constant dense<0.000000e+00> : vector<2048x512xf32>
    %dot_general3A_24 = tpu.matmul %convert_element_type3A_21, %convert_element_type3A_22, %dot_general3A_23 {dimension_numbers = #tpu.dot_dimension_numbers<[1], [0], [0], [1], [0, 0, 1, 1], [], []>, transpose_lhs_hint = false} : vector<2048x128xbf16>, vector<128x512xbf16>, vector<2048x512xf32> -> vector<2048x512xf32>
    %add3A_25 = arith.addf %mul3A_12, %dot_general3A_24 : vector<2048x512xf32>
    %get3A_26 = arith.constant 1 : index
    %get3A_27 = arith.constant 0 : index
    %get3A_28 = arith.constant 0 : index
    %get3A_29 = vector.load %arg2[%get3A_26, %get3A_27, %get3A_28] : memref<4x2048x128xf32, #tpu.memory_space<vmem>>, vector<1x2048x128xf32>
    %get3A_30 = vector.shape_cast %get3A_29 : vector<1x2048x128xf32> to vector<2048x128xf32>
    %get3A_31 = arith.constant 128 : index
    %get3A_32 = arith.constant 0 : index
    %get3A_33 = vector.load %arg3[%get3A_31, %get3A_32] : memref<512x512xf32, #tpu.memory_space<vmem>>, vector<128x512xf32>
    %convert_element_type3A_34 = arith.truncf %get3A_30 : vector<2048x128xf32> to vector<2048x128xbf16>
    %convert_element_type3A_35 = arith.truncf %get3A_33 : vector<128x512xf32> to vector<128x512xbf16>
    %dot_general3A_36 = arith.constant dense<0.000000e+00> : vector<2048x512xf32>
    %dot_general3A_37 = tpu.matmul %convert_element_type3A_34, %convert_element_type3A_35, %dot_general3A_36 {dimension_numbers = #tpu.dot_dimension_numbers<[1], [0], [0], [1], [0, 0, 1, 1], [], []>, transpose_lhs_hint = false} : vector<2048x128xbf16>, vector<128x512xbf16>, vector<2048x512xf32> -> vector<2048x512xf32>
    %add3A_38 = arith.addf %add3A_25, %dot_general3A_37 : vector<2048x512xf32>
    %get3A_39 = arith.constant 2 : index
    %get3A_40 = arith.constant 0 : index
    %get3A_41 = arith.constant 0 : index
    %get3A_42 = vector.load %arg2[%get3A_39, %get3A_40, %get3A_41] : memref<4x2048x128xf32, #tpu.memory_space<vmem>>, vector<1x2048x128xf32>
    %get3A_43 = vector.shape_cast %get3A_42 : vector<1x2048x128xf32> to vector<2048x128xf32>
    %get3A_44 = arith.constant 256 : index
    %get3A_45 = arith.constant 0 : index
    %get3A_46 = vector.load %arg3[%get3A_44, %get3A_45] : memref<512x512xf32, #tpu.memory_space<vmem>>, vector<128x512xf32>
    %convert_element_type3A_47 = arith.truncf %get3A_43 : vector<2048x128xf32> to vector<2048x128xbf16>
    %convert_element_type3A_48 = arith.truncf %get3A_46 : vector<128x512xf32> to vector<128x512xbf16>
    %dot_general3A_49 = arith.constant dense<0.000000e+00> : vector<2048x512xf32>
    %dot_general3A_50 = tpu.matmul %convert_element_type3A_47, %convert_element_type3A_48, %dot_general3A_49 {dimension_numbers = #tpu.dot_dimension_numbers<[1], [0], [0], [1], [0, 0, 1, 1], [], []>, transpose_lhs_hint = false} : vector<2048x128xbf16>, vector<128x512xbf16>, vector<2048x512xf32> -> vector<2048x512xf32>
    %add3A_51 = arith.addf %add3A_38, %dot_general3A_50 : vector<2048x512xf32>
    %get3A_52 = arith.constant 3 : index
    %get3A_53 = arith.constant 0 : index
    %get3A_54 = arith.constant 0 : index
    %get3A_55 = vector.load %arg2[%get3A_52, %get3A_53, %get3A_54] : memref<4x2048x128xf32, #tpu.memory_space<vmem>>, vector<1x2048x128xf32>
    %get3A_56 = vector.shape_cast %get3A_55 : vector<1x2048x128xf32> to vector<2048x128xf32>
    %get3A_57 = arith.constant 384 : index
    %get3A_58 = arith.constant 0 : index
    %get3A_59 = vector.load %arg3[%get3A_57, %get3A_58] : memref<512x512xf32, #tpu.memory_space<vmem>>, vector<128x512xf32>
    %convert_element_type3A_60 = arith.truncf %get3A_56 : vector<2048x128xf32> to vector<2048x128xbf16>
    %convert_element_type3A_61 = arith.truncf %get3A_59 : vector<128x512xf32> to vector<128x512xbf16>
    %dot_general3A_62 = arith.constant dense<0.000000e+00> : vector<2048x512xf32>
    %dot_general3A_63 = tpu.matmul %convert_element_type3A_60, %convert_element_type3A_61, %dot_general3A_62 {dimension_numbers = #tpu.dot_dimension_numbers<[1], [0], [0], [1], [0, 0, 1, 1], [], []>, transpose_lhs_hint = false} : vector<2048x128xbf16>, vector<128x512xbf16>, vector<2048x512xf32> -> vector<2048x512xf32>
    %add3A_64 = arith.addf %add3A_51, %dot_general3A_63 : vector<2048x512xf32>
    %get3A_65 = arith.constant 0 : index
    %get3A_66 = arith.constant 0 : index
    %get3A_67 = vector.load %arg4[%get3A_65, %get3A_66] : memref<1x512xf32, #tpu.memory_space<vmem>>, vector<1x512xf32>
    %add3A_68 = vector.broadcast %get3A_67 : vector<1x512xf32> to vector<2048x512xf32>
    %add3A_69 = arith.addf %add3A_64, %add3A_68 : vector<2048x512xf32>
    %max3A = arith.constant 0.000000e+00 : f32
    %max3A_70 = vector.broadcast %max3A : f32 to vector<2048x512xf32>
    %max3A_71 = arith.maximumf %add3A_69, %max3A_70 : vector<2048x512xf32>
    %get3A_72 = arith.constant 0 : index
    %get3A_73 = arith.constant 0 : index
    %get3A_74 = vector.load %arg5[%get3A_72, %get3A_73] : memref<512x512xf32, #tpu.memory_space<vmem>>, vector<512x512xf32>
    %convert_element_type3A_75 = arith.truncf %max3A_71 : vector<2048x512xf32> to vector<2048x512xbf16>
    %convert_element_type3A_76 = arith.truncf %get3A_74 : vector<512x512xf32> to vector<512x512xbf16>
    %dot_general3A_77 = arith.constant dense<0.000000e+00> : vector<2048x512xf32>
    %dot_general3A_78 = tpu.matmul %convert_element_type3A_75, %convert_element_type3A_76, %dot_general3A_77 {dimension_numbers = #tpu.dot_dimension_numbers<[1], [0], [0], [1], [0, 0, 1, 1], [], []>, transpose_lhs_hint = false} : vector<2048x512xbf16>, vector<512x512xbf16>, vector<2048x512xf32> -> vector<2048x512xf32>
    %get3A_79 = arith.constant 0 : index
    %get3A_80 = arith.constant 0 : index
    %get3A_81 = vector.load %arg6[%get3A_79, %get3A_80] : memref<1x512xf32, #tpu.memory_space<vmem>>, vector<1x512xf32>
    %add3A_82 = vector.broadcast %get3A_81 : vector<1x512xf32> to vector<2048x512xf32>
    %add3A_83 = arith.addf %dot_general3A_78, %add3A_82 : vector<2048x512xf32>
    %max3A_84 = arith.constant 0.000000e+00 : f32
    %max3A_85 = vector.broadcast %max3A_84 : f32 to vector<2048x512xf32>
    %max3A_86 = arith.maximumf %add3A_83, %max3A_85 : vector<2048x512xf32>
    %reshape3A_87 = vector.shape_cast %max3A_86 : vector<2048x512xf32> to vector<8192x128xf32>
    %swap3A = arith.constant 0 : index
    %swap3A_88 = arith.constant 0 : index
    %swap3A_89 = vector.load %arg8[%swap3A, %swap3A_88] : memref<8192x128xf32, #tpu.memory_space<vmem>>, vector<8192x128xf32>
    tpu.vector_store %arg8[%swap3A, %swap3A_88], %reshape3A_87 {strides = array<i32>} : memref<8192x128xf32, #tpu.memory_space<vmem>>, vector<8192x128xf32>,
    return
  }
  func.func @transform_0(%arg0: i32) -> (i32, i32) {
    %c0_i32 = arith.constant 0 : i32
    %c0_i32_0 = arith.constant 0 : i32
    return %arg0, %c0_i32 : i32, i32
  }
  func.func @transform_1(%arg0: i32) -> (i32, i32, i32) {
    %c0_i32 = arith.constant 0 : i32
    %c0_i32_0 = arith.constant 0 : i32
    %c0_i32_1 = arith.constant 0 : i32
    return %c0_i32, %arg0, %c0_i32_0 : i32, i32, i32
  }
  func.func @transform_2(%arg0: i32) -> (i32, i32) {
    %c0_i32 = arith.constant 0 : i32
    %c0_i32_0 = arith.constant 0 : i32
    %c0_i32_1 = arith.constant 0 : i32
    return %c0_i32, %c0_i32_0 : i32, i32
  }
  func.func @transform_3(%arg0: i32) -> (i32, i32) {
    %c0_i32 = arith.constant 0 : i32
    %c0_i32_0 = arith.constant 0 : i32
    %c0_i32_1 = arith.constant 0 : i32
    return %c0_i32, %c0_i32_0 : i32, i32
  }
  func.func @transform_4(%arg0: i32) -> (i32, i32) {
    %c0_i32 = arith.constant 0 : i32
    %c0_i32_0 = arith.constant 0 : i32
    %c0_i32_1 = arith.constant 0 : i32
    return %c0_i32, %c0_i32_0 : i32, i32
  }
  func.func @transform_5(%arg0: i32) -> (i32, i32) {
    %c0_i32 = arith.constant 0 : i32
    %c0_i32_0 = arith.constant 0 : i32
    %c0_i32_1 = arith.constant 0 : i32
    return %c0_i32, %c0_i32_0 : i32, i32
  }
  func.func @transform_6(%arg0: i32) -> (i32, i32) {
    %c0_i32 = arith.constant 0 : i32
    %c0_i32_0 = arith.constant 0 : i32
    %c0_i32_1 = arith.constant 0 : i32
    return %c0_i32, %c0_i32_0 : i32, i32
  }
  func.func @transform_7(%arg0: i32) -> (i32, i32) {
    %c0_i32 = arith.constant 0 : i32
    %c0_i32_0 = arith.constant 0 : i32
    return %arg0, %c0_i32 : i32, i32
  }
}

module attributes {stable_mosaic.version = 14 : i64} {
  func.func @_gin_body(%arg0: i32, %arg1: memref<8192x128xf32, #tpu.memory_space<vmem>>, %arg2: memref<4x2048x128xf32, #tpu.memory_space<vmem>>, %arg3: memref<512x512xf32, #tpu.memory_space<vmem>>, %arg4: memref<1x512xf32, #tpu.memory_space<vmem>>, %arg5: memref<512x512xf32, #tpu.memory_space<vmem>>, %arg6: memref<1x512xf32, #tpu.memory_space<vmem>>, %arg7: memref<1x1xf32, #tpu.memory_space<vmem>>, %arg8: memref<2048x512xf32, #tpu.memory_space<vmem>>) attributes {dimension_semantics = [#tpu.dimension_semantics<arbitrary>], iteration_bounds = array<i64: 5>, scalar_prefetch = 0 : i64, scratch_operands = 0 : i64, tpu.core_type = #tpu.core_type<tc>, window_params = [{transform_indices = @transform_0, window_bounds = array<i64: 8192, 128>}, {transform_indices = @transform_1, window_bounds = array<i64: 4, 2048, 128>}, {pipeline_mode = #tpu.pipeline_mode<synchronous>, transform_indices = @transform_2, window_bounds = array<i64: 512, 512>}, {pipeline_mode = #tpu.pipeline_mode<synchronous>, transform_indices = @transform_3, window_bounds = array<i64: 1, 512>}, {pipeline_mode = #tpu.pipeline_mode<synchronous>, transform_indices = @transform_4, window_bounds = array<i64: 512, 512>}, {pipeline_mode = #tpu.pipeline_mode<synchronous>, transform_indices = @transform_5, window_bounds = array<i64: 1, 512>}, {pipeline_mode = #tpu.pipeline_mode<synchronous>, transform_indices = @transform_6, window_bounds = array<i64: 1, 1>}, {transform_indices = @transform_7, window_bounds = array<i64: 2048, 512>}]} {
    %get3A = arith.constant 0 : index
    %get3A_0 = arith.constant 0 : index
    %get3A_1 = vector.load %arg7[%get3A, %get3A_0] : memref<1x1xf32, #tpu.memory_space<vmem>>, vector<1x1xf32>
    %get3A_2 = vector.extract %get3A_1[0, 0] : f32 from vector<1x1xf32>
    %add3A = arith.constant 1.000000e+00 : f32
    %add3A_3 = arith.addf %add3A, %get3A_2 : f32
    %get3A_4 = arith.constant 0 : index
    %get3A_5 = arith.constant 0 : index
    %get3A_6 = vector.load %arg1[%get3A_4, %get3A_5] : memref<8192x128xf32, #tpu.memory_space<vmem>>, vector<8192x128xf32>
    %reshape3A = vector.shape_cast %get3A_6 : vector<8192x128xf32> to vector<2048x512xf32>
    %get3A_7 = arith.constant 0 : index
    %get3A_8 = arith.constant 0 : index
    %get3A_9 = vector.load %arg3[%get3A_7, %get3A_8] : memref<512x512xf32, #tpu.memory_space<vmem>>, vector<512x512xf32>
    %convert_element_type3A = arith.truncf %reshape3A : vector<2048x512xf32> to vector<2048x512xbf16>
    %convert_element_type3A_10 = arith.truncf %get3A_9 : vector<512x512xf32> to vector<512x512xbf16>
    %dot_general3A = arith.constant dense<0.000000e+00> : vector<2048x512xf32>
    %dot_general3A_11 = tpu.matmul %convert_element_type3A, %convert_element_type3A_10, %dot_general3A {dimension_numbers = #tpu.dot_dimension_numbers<[1], [0], [0], [1], [0, 0, 1, 1], [], []>, transpose_lhs_hint = false} : vector<2048x512xbf16>, vector<512x512xbf16>, vector<2048x512xf32> -> vector<2048x512xf32>
    %mul3A = vector.broadcast %add3A_3 : f32 to vector<2048x512xf32>
    %mul3A_12 = arith.mulf %dot_general3A_11, %mul3A : vector<2048x512xf32>
    %get3A_13 = arith.constant 0 : index
    %get3A_14 = arith.constant 0 : index
    %get3A_15 = arith.constant 0 : index
    %get3A_16 = vector.load %arg2[%get3A_13, %get3A_14, %get3A_15] : memref<4x2048x128xf32, #tpu.memory_space<vmem>>, vector<1x2048x128xf32>
    %get3A_17 = vector.shape_cast %get3A_16 : vector<1x2048x128xf32> to vector<2048x128xf32>
    %get3A_18 = arith.constant 0 : index
    %get3A_19 = arith.constant 0 : index
    %get3A_20 = vector.load %arg3[%get3A_18, %get3A_19] : memref<512x512xf32, #tpu.memory_space<vmem>>, vector<128x512xf32>
    %convert_element_type3A_21 = arith.truncf %get3A_17 : vector<2048x128xf32> to vector<2048x128xbf16>
    %convert_element_type3A_22 = arith.truncf %get3A_20 : vector<128x512xf32> to vector<128x512xbf16>
    %dot_general3A_23 = arith.constant dense<0.000000e+00> : vector<2048x512xf32>
    %dot_general3A_24 = tpu.matmul %convert_element_type3A_21, %convert_element_type3A_22, %dot_general3A_23 {dimension_numbers = #tpu.dot_dimension_numbers<[1], [0], [0], [1], [0, 0, 1, 1], [], []>, transpose_lhs_hint = false} : vector<2048x128xbf16>, vector<128x512xbf16>, vector<2048x512xf32> -> vector<2048x512xf32>
    %add3A_25 = arith.addf %mul3A_12, %dot_general3A_24 : vector<2048x512xf32>
    %get3A_26 = arith.constant 1 : index
    %get3A_27 = arith.constant 0 : index
    %get3A_28 = arith.constant 0 : index
    %get3A_29 = vector.load %arg2[%get3A_26, %get3A_27, %get3A_28] : memref<4x2048x128xf32, #tpu.memory_space<vmem>>, vector<1x2048x128xf32>
    %get3A_30 = vector.shape_cast %get3A_29 : vector<1x2048x128xf32> to vector<2048x128xf32>
    %get3A_31 = arith.constant 128 : index
    %get3A_32 = arith.constant 0 : index
    %get3A_33 = vector.load %arg3[%get3A_31, %get3A_32] : memref<512x512xf32, #tpu.memory_space<vmem>>, vector<128x512xf32>
    %convert_element_type3A_34 = arith.truncf %get3A_30 : vector<2048x128xf32> to vector<2048x128xbf16>
    %convert_element_type3A_35 = arith.truncf %get3A_33 : vector<128x512xf32> to vector<128x512xbf16>
    %dot_general3A_36 = arith.constant dense<0.000000e+00> : vector<2048x512xf32>
    %dot_general3A_37 = tpu.matmul %convert_element_type3A_34, %convert_element_type3A_35, %dot_general3A_36 {dimension_numbers = #tpu.dot_dimension_numbers<[1], [0], [0], [1], [0, 0, 1, 1], [], []>, transpose_lhs_hint = false} : vector<2048x128xbf16>, vector<128x512xbf16>, vector<2048x512xf32> -> vector<2048x512xf32>
    %add3A_38 = arith.addf %add3A_25, %dot_general3A_37 : vector<2048x512xf32>
    %get3A_39 = arith.constant 2 : index
    %get3A_40 = arith.constant 0 : index
    %get3A_41 = arith.constant 0 : index
    %get3A_42 = vector.load %arg2[%get3A_39, %get3A_40, %get3A_41] : memref<4x2048x128xf32, #tpu.memory_space<vmem>>, vector<1x2048x128xf32>
    %get3A_43 = vector.shape_cast %get3A_42 : vector<1x2048x128xf32> to vector<2048x128xf32>
    %get3A_44 = arith.constant 256 : index
    %get3A_45 = arith.constant 0 : index
    %get3A_46 = vector.load %arg3[%get3A_44, %get3A_45] : memref<512x512xf32, #tpu.memory_space<vmem>>, vector<128x512xf32>
    %convert_element_type3A_47 = arith.truncf %get3A_43 : vector<2048x128xf32> to vector<2048x128xbf16>
    %convert_element_type3A_48 = arith.truncf %get3A_46 : vector<128x512xf32> to vector<128x512xbf16>
    %dot_general3A_49 = arith.constant dense<0.000000e+00> : vector<2048x512xf32>
    %dot_general3A_50 = tpu.matmul %convert_element_type3A_47, %convert_element_type3A_48, %dot_general3A_49 {dimension_numbers = #tpu.dot_dimension_numbers<[1], [0], [0], [1], [0, 0, 1, 1], [], []>, transpose_lhs_hint = false} : vector<2048x128xbf16>, vector<128x512xbf16>, vector<2048x512xf32> -> vector<2048x512xf32>
    %add3A_51 = arith.addf %add3A_38, %dot_general3A_50 : vector<2048x512xf32>
    %get3A_52 = arith.constant 3 : index
    %get3A_53 = arith.constant 0 : index
    %get3A_54 = arith.constant 0 : index
    %get3A_55 = vector.load %arg2[%get3A_52, %get3A_53, %get3A_54] : memref<4x2048x128xf32, #tpu.memory_space<vmem>>, vector<1x2048x128xf32>
    %get3A_56 = vector.shape_cast %get3A_55 : vector<1x2048x128xf32> to vector<2048x128xf32>
    %get3A_57 = arith.constant 384 : index
    %get3A_58 = arith.constant 0 : index
    %get3A_59 = vector.load %arg3[%get3A_57, %get3A_58] : memref<512x512xf32, #tpu.memory_space<vmem>>, vector<128x512xf32>
    %convert_element_type3A_60 = arith.truncf %get3A_56 : vector<2048x128xf32> to vector<2048x128xbf16>
    %convert_element_type3A_61 = arith.truncf %get3A_59 : vector<128x512xf32> to vector<128x512xbf16>
    %dot_general3A_62 = arith.constant dense<0.000000e+00> : vector<2048x512xf32>
    %dot_general3A_63 = tpu.matmul %convert_element_type3A_60, %convert_element_type3A_61, %dot_general3A_62 {dimension_numbers = #tpu.dot_dimension_numbers<[1], [0], [0], [1], [0, 0, 1, 1], [], []>, transpose_lhs_hint = false} : vector<2048x128xbf16>, vector<128x512xbf16>, vector<2048x512xf32> -> vector<2048x512xf32>
    %add3A_64 = arith.addf %add3A_51, %dot_general3A_63 : vector<2048x512xf32>
    %get3A_65 = arith.constant 0 : index
    %get3A_66 = arith.constant 0 : index
    %get3A_67 = vector.load %arg4[%get3A_65, %get3A_66] : memref<1x512xf32, #tpu.memory_space<vmem>>, vector<1x512xf32>
    %add3A_68 = vector.broadcast %get3A_67 : vector<1x512xf32> to vector<2048x512xf32>
    %add3A_69 = arith.addf %add3A_64, %add3A_68 : vector<2048x512xf32>
    %max3A = arith.constant 0.000000e+00 : f32
    %max3A_70 = vector.broadcast %max3A : f32 to vector<2048x512xf32>
    %max3A_71 = arith.maximumf %add3A_69, %max3A_70 : vector<2048x512xf32>
    %get3A_72 = arith.constant 0 : index
    %get3A_73 = arith.constant 0 : index
    %get3A_74 = vector.load %arg5[%get3A_72, %get3A_73] : memref<512x512xf32, #tpu.memory_space<vmem>>, vector<512x512xf32>
    %convert_element_type3A_75 = arith.truncf %max3A_71 : vector<2048x512xf32> to vector<2048x512xbf16>
    %convert_element_type3A_76 = arith.truncf %get3A_74 : vector<512x512xf32> to vector<512x512xbf16>
    %dot_general3A_77 = arith.constant dense<0.000000e+00> : vector<2048x512xf32>
    %dot_general3A_78 = tpu.matmul %convert_element_type3A_75, %convert_element_type3A_76, %dot_general3A_77 {dimension_numbers = #tpu.dot_dimension_numbers<[1], [0], [0], [1], [0, 0, 1, 1], [], []>, transpose_lhs_hint = false} : vector<2048x512xbf16>, vector<512x512xbf16>, vector<2048x512xf32> -> vector<2048x512xf32>
    %get3A_79 = arith.constant 0 : index
    %get3A_80 = arith.constant 0 : index
    %get3A_81 = vector.load %arg6[%get3A_79, %get3A_80] : memref<1x512xf32, #tpu.memory_space<vmem>>, vector<1x512xf32>
    %add3A_82 = vector.broadcast %get3A_81 : vector<1x512xf32> to vector<2048x512xf32>
    %add3A_83 = arith.addf %dot_general3A_78, %add3A_82 : vector<2048x512xf32>
    %max3A_84 = arith.constant 0.000000e+00 : f32
    %max3A_85 = vector.broadcast %max3A_84 : f32 to vector<2048x512xf32>
    %max3A_86 = arith.maximumf %add3A_83, %max3A_85 : vector<2048x512xf32>
    %swap3A = arith.constant 0 : index
    %swap3A_87 = arith.constant 0 : index
    %swap3A_88 = vector.load %arg8[%swap3A, %swap3A_87] : memref<2048x512xf32, #tpu.memory_space<vmem>>, vector<2048x512xf32>
    tpu.vector_store %arg8[%swap3A, %swap3A_87], %max3A_86 {strides = array<i32>} : memref<2048x512xf32, #tpu.memory_space<vmem>>, vector<2048x512xf32>,
    return
  }
  func.func @transform_0(%arg0: i32) -> (i32, i32) {
    %c0_i32 = arith.constant 0 : i32
    %c0_i32_0 = arith.constant 0 : i32
    return %arg0, %c0_i32 : i32, i32
  }
  func.func @transform_1(%arg0: i32) -> (i32, i32, i32) {
    %c0_i32 = arith.constant 0 : i32
    %c0_i32_0 = arith.constant 0 : i32
    %c0_i32_1 = arith.constant 0 : i32
    return %c0_i32, %arg0, %c0_i32_0 : i32, i32, i32
  }
  func.func @transform_2(%arg0: i32) -> (i32, i32) {
    %c0_i32 = arith.constant 0 : i32
    %c0_i32_0 = arith.constant 0 : i32
    %c0_i32_1 = arith.constant 0 : i32
    return %c0_i32, %c0_i32_0 : i32, i32
  }
  func.func @transform_3(%arg0: i32) -> (i32, i32) {
    %c0_i32 = arith.constant 0 : i32
    %c0_i32_0 = arith.constant 0 : i32
    %c0_i32_1 = arith.constant 0 : i32
    return %c0_i32, %c0_i32_0 : i32, i32
  }
  func.func @transform_4(%arg0: i32) -> (i32, i32) {
    %c0_i32 = arith.constant 0 : i32
    %c0_i32_0 = arith.constant 0 : i32
    %c0_i32_1 = arith.constant 0 : i32
    return %c0_i32, %c0_i32_0 : i32, i32
  }
  func.func @transform_5(%arg0: i32) -> (i32, i32) {
    %c0_i32 = arith.constant 0 : i32
    %c0_i32_0 = arith.constant 0 : i32
    %c0_i32_1 = arith.constant 0 : i32
    return %c0_i32, %c0_i32_0 : i32, i32
  }
  func.func @transform_6(%arg0: i32) -> (i32, i32) {
    %c0_i32 = arith.constant 0 : i32
    %c0_i32_0 = arith.constant 0 : i32
    %c0_i32_1 = arith.constant 0 : i32
    return %c0_i32, %c0_i32_0 : i32, i32
  }
  func.func @transform_7(%arg0: i32) -> (i32, i32) {
    %c0_i32 = arith.constant 0 : i32
    %c0_i32_0 = arith.constant 0 : i32
    return %arg0, %c0_i32 : i32, i32
  }
}

</mosaic_0001>

<sc_bundles>
// kernel: kernel.13.cloned.1.call-start
scs
__scs_entry_jumppad:
0x0: {  	(pc) =	sbr.rel $0x88, $3  }
0x1: {  	(tag) =	ssettag $0x0;
	lr =	simm.s32 $0x1  }
0x2: {  	[smem:$0x3F96] =	sst lr;
	_ =	strace $0xD0000000  }
0x3: {  	_ = 	snop  }
0x4: {  	_ = 	snop  }
0x5: {  	_ = 	snop  }
0x6: {  	_ = 	snop  }
0x7: {  	_ = 	snop  }
__scs_overlays_trampoline_lowered:
0x8: {  	[smem:$0x3FA5] =	sst s0  }
0x9: {  	[smem:$0x3FA6] =	sst s1  }
0xa: {  	[smem:$0x3FA7] =	sst s2  }
0xb: {  	[smem:$0x3FA8] =	sst s3  }
0xc: {  	[smem:$0x3FA9] =	sst s4  }
0xd: {  	[smem:$0x3FAA] =	sst s5  }
0xe: {  	[smem:$0x3FAB] =	sst s6  }
0xf: {  	[smem:$0x3FAC] =	sst s7  }
0x10: {  	[smem:$0x3FAD] =	sst s8  }
0x11: {  	[smem:$0x3FAE] =	sst s9;
	s0 =	simm.s32 @!p0 $0x0  }
0x12: {  	s1 =	sld [smem:$0x3F94];
	s0 =	simm.s32 @p0 $0x1  }
0x13: {  	[smem:$0x3FAF] =	sst s0;
	s0 =	simm.s32 @!p1 $0x0  }
0x14: {  	s2 =	sld [smem:$0x3F93];
	s0 =	simm.s32 @p1 $0x1  }
0x15: {  	[smem:$0x3FB0] =	sst s0;
	s0 =	simm.s32 @!p2 $0x0  }
0x16: {  	s3 =	sld [smem:$0x3FDB];
	s0 =	simm.s32 @p2 $0x1  }
0x17: {  	s4 =	simm.s32 $0x1BF5;
	[smem:$0x3FB2] =	sst s0  }
0x18: {  	s0 =	sld [smem:$0x3F95];
	_ =	swait.ge [sflag:s4], $0x0  }
0x19: {  	s7 =	sld [smem:$0x3F96]  }
0x1a: {  	s8 =	sadd.s32 $0xFFFFE003, lr  }
0x1b: {  	s9 =	sadd.s32 $0xFFFFFEF7, lr;
	s5 =	simm.s32 $0xFFFFFFFF;
	p2 =	slt.u32 s8, $0xFFFFF086  }
0x1c: {  	p1 =	slt.u32 s9, $0xF7A;
	s5 =	simm.s32 @!p2 $0x0  }
0x1d: {  	s5 =	simm.s32 @p1 $0x1;
	p0 =	seq.s32 s7, s2  }
0x1e: {  	s7 =	smul.u32 @!p0 $0xF7A, s2;
	p2 =	seq.s32 @!p0 s5, $0x0  }
0x1f: {  	s9 =	smul.u32 $0xF7A, s1;
	s8 =	simm.s32 @!p0 $0x1BF5;
	p2 =	por !p2, p0  }
0x20: {  	[sflag:s8] =	ssyncset.s32 @!p0 $0xFFFFF086;
	s6 =	sadd.s32 @!p0 s3, s7;
	s7 =	simm.s32 @!p0 $0x108  }
0x21: {  	s3 =	sadd.s32 s3, s9;
	s6 =	sadd.s32 @!p0 $0x88, s6;
	s7 =	simm.s32 @p2 $0x1082  }
0x22: {  	[simem:s7], [sflag:s8] =	dma.local @!p0 [hbm:s6], $0xF7A  }
0x23: {  	s9 =	sor.u32 $0xD0000000, s2;
	s6 =	simm.s32 $0x108;
	_ =	swait.ge @!p0 [sflag:s8], $0x0  }
0x24: {  	s3 =	sadd.s32 $0x88, s3;
	s6 =	simm.s32 @!p1 $0x1082;
	[sflag:s4] =	ssyncset.s32 $0xFFFFF086  }
0x25: {  	[simem:s6], [sflag:s4] =	dma.local [hbm:s3], $0xF7A  }
0x26: {  	[smem:$0x3F96] =	sst s1;
	(tag) =	ssettag s2;
	_ =	strace s9  }
0x27: {  	s1 =	sld [smem:$0x3FA6]  }
0x28: {  	s2 =	sld [smem:$0x3FA7]  }
0x29: {  	s4 =	sld [smem:$0x3FA9]  }
0x2a: {  	p0 =	seq.s32 s5, $0x0;
	s5 =	sld [smem:$0x3FAA]  }
0x2b: {  	s6 =	sld [smem:$0x3FAB]  }
0x2c: {  	s7 =	sld [smem:$0x3FAC]  }
0x2d: {  	s3 =	simm.s32 $0x108;
	s8 =	sld [smem:$0x3FAD]  }
0x2e: {  	s3 =	simm.s32 @!p0 $0x1082;
	s9 =	sld [smem:$0x3FAE]  }
0x2f: {  	lr =	sadd.s32 s0, s3;
	s0 =	sld [smem:$0x3FA5]  }
0x30: {  	s3 =	sld [smem:$0x3FA8]  }
0x31: {  	[smem:$0x3FB1] =	sst s10  }
0x32: {  	s10 =	sld [smem:$0x3FAF];
	_ =	sdelay $0x3  }
0x33: {  	p0 =	seq.s32 s10, $0x1;
	s10 =	sld [smem:$0x3FB1];
	_ =	sdelay $0x3  }
0x34: {  	[smem:$0x3FB1] =	sst s10  }
0x35: {  	s10 =	sld [smem:$0x3FB0];
	_ =	sdelay $0x3  }
0x36: {  	p1 =	seq.s32 s10, $0x1;
	s10 =	sld [smem:$0x3FB1];
	_ =	sdelay $0x3  }
0x37: {  	[smem:$0x3FB1] =	sst s10  }
0x38: {  	s10 =	sld [smem:$0x3FB2]  }
0x39: {  	_ = 	snop;
	(pc) =	sbr.ind lr, $3  }
0x3a: {  	_ = 	snop  }
0x3b: {  	_ = 	snop  }
0x3c: {  	p2 =	seq.s32 s10, $0x1;
	s10 =	sld [smem:$0x3FB1]  }
0x3d: {  	_ =	shalt  }
0x3e: {  	_ =	shalt  }
0x3f: {  	_ =	shalt  }
0x40: {  	_ =	shalt  }
0x41: {  	_ =	shalt  }
0x42: {  	_ =	shalt  }
0x43: {  	_ =	shalt  }
0x44: {  	_ =	shalt  }
0x45: {  	_ =	shalt  }
0x46: {  	_ =	shalt  }
0x47: {  	_ =	shalt  }
0x48: {  	_ =	shalt  }
0x49: {  	_ =	shalt  }
0x4a: {  	_ =	shalt  }
0x4b: {  	_ =	shalt  }
0x4c: {  	_ =	shalt  }
0x4d: {  	_ =	shalt  }
0x4e: {  	_ =	shalt  }
0x4f: {  	_ =	shalt  }
0x50: {  	_ =	shalt  }
0x51: {  	_ =	shalt  }
0x52: {  	_ =	shalt  }
0x53: {  	_ =	shalt  }
0x54: {  	_ =	shalt  }
0x55: {  	_ =	shalt  }
0x56: {  	_ =	shalt  }
0x57: {  	_ =	shalt  }
0x58: {  	_ =	shalt  }
0x59: {  	_ =	shalt  }
0x5a: {  	_ =	shalt  }
0x5b: {  	_ =	shalt  }
0x5c: {  	_ =	shalt  }
0x5d: {  	_ =	shalt  }
0x5e: {  	_ =	shalt  }
0x5f: {  	_ =	shalt  }
0x60: {  	_ =	shalt  }
0x61: {  	_ =	shalt  }
0x62: {  	_ =	shalt  }
0x63: {  	_ =	shalt  }
0x64: {  	_ =	shalt  }
0x65: {  	_ =	shalt  }
0x66: {  	_ =	shalt  }
0x67: {  	_ =	shalt  }
0x68: {  	_ =	shalt  }
0x69: {  	_ =	shalt  }
0x6a: {  	_ =	shalt  }
0x6b: {  	_ =	shalt  }
0x6c: {  	_ =	shalt  }
0x6d: {  	_ =	shalt  }
0x6e: {  	_ =	shalt  }
0x6f: {  	_ =	shalt  }
0x70: {  	_ =	shalt  }
0x71: {  	_ =	shalt  }
0x72: {  	_ =	shalt  }
0x73: {  	_ =	shalt  }
0x74: {  	_ =	shalt  }
0x75: {  	_ =	shalt  }
0x76: {  	_ =	shalt  }
0x77: {  	_ =	shalt  }
0x78: {  	_ =	shalt  }
0x79: {  	_ =	shalt  }
0x7a: {  	_ =	shalt  }
0x7b: {  	_ =	shalt  }
0x7c: {  	_ =	shalt  }
0x7d: {  	_ =	shalt  }
0x7e: {  	_ =	shalt  }
0x7f: {  	_ =	shalt  }
0x80: {  	_ =	shalt  }
0x81: {  	_ =	shalt  }
0x82: {  	_ =	shalt  }
0x83: {  	_ =	shalt  }
0x84: {  	_ =	shalt  }
0x85: {  	_ =	shalt  }
0x86: {  	_ =	shalt  }
0x87: {  	_ =	shalt  }
.Lfunc_end0:
.L_simem_size_0:
called_computation_lowered:
.L_overlay_start_0:
0x88: {  	s2 =	sld [smem:$0x3FD9]  }
0x89: {  	s3 =	sld [smem:$0x3FFE];
	_ =	sdelay $0x1  }
0x8a: {  	s1 =	srdreg.scid  }
0x8b: {  	s0 =	sand.u32 $0x1, s1  }
0x8c: {  	s17 =	sshll.u32 s0, $0xA;
	s2 =	sadd.s32 s3, s2  }
0x8d: {  	s2 =	sadd.s32 s2, s17  }
0x8e: {  	[smem:$0x3FBD] =	sst s2  }
0x8f: {  	_ = 	snop  }
0x90: {  	s2 =	sld [smem:$0x3FD0];
	(tm) =	ssettm $0x1  }
0x91: {  	s18 =	sld [smem:$0x3FFB];
	_ =	sdelay $0x3  }
0x92: {  	_ =	strace s18  }
0x93: {  	s3 =	sld [smem:$0x3FFC];
	_ =	sdelay $0x3  }
0x94: {  	_ =	strace s3  }
0x95: {  	s3 =	sld [smem:$0x3FFD];
	_ =	sdelay $0x3  }
0x96: {  	_ =	strace s3  }
0x97: {  	_ =	strace $0x8FFFFFFF  }
0x98: {  	s19 =	sld [smem:$0x3FDB];
	_ =	sdelay $0x1  }
0x99: {  	s4 =	simm.s32 $_scs_section_size  }
0x9a: {  	s5 =	simm.s32 $_size__tile_overlayer_lowered;
	s6 =	simm.s32 $_tile_overlayer_lowered  }
0x9b: {  	s22 =	simm.s32 $0x1BFF;
	s21 =	sshll.u32 s6, $0x1;
	s3 =	sadd.s32 s4, s19  }
0x9c: {  	s7 =	simm.s32 $0x0;
	s20 =	sshll.u32 s5, $0x1;
	s5 =	sadd.s32 s21, s3  }
0x9d: {  	[timem:s7], [sflag:s22] =	dma.local [hbm:s5], s20  }
0x9e: {  	_ =	swait.ge [sflag:s22], s20  }
0x9f: {  	s4 =	ssub.s32 $0x0, s20;
	[sflag:s22] =	ssyncset.done $0x0  }
0xa0: {  	[sflag:s22] =	ssyncadd.s32 s4;
	_ =	sdelay $0x1  }
0xa1: {  	s23 =	simm.s32 $0x1B8B  }
0xa2: {  	_ =	swait.ge [sflag:s23], $0x1  }
0xa3: {  	[sflag:s23] =	ssyncset.done $0x0  }
0xa4: {  	s25 =	simm.s32 $0x1B8E;
	s24 =	sld [smem:$0x3FFE];
	[sflag:s23] =	ssyncadd.s32 $0xFFFFFFFF  }
0xa5: {  	s26 =	simm.s32 $execute0_lowered;
	[smem:$0x3FD2] =	sst s25  }
0xa6: {  	s5 =	sshll.u32 s26, $0x1;
	_ =	strace $0x80000046;
	[dreg:$0x1] =	wrdreg $0xFFFFFFFF  }
0xa7: {  	s28 =	simm.s32 $_size_execute0_lowered;
	s3 =	sadd.s32 s3, s5;
	[dreg:$0x0] =	wrdreg $0x0  }
0xa8: {  	s5 =	sshll.u32 s28, $0x1;
	[dreg:$0x2] =	wrdreg s3  }
0xa9: {  	[dreg:$0x3] =	wrdreg s5  }
0xaa: {  	[dreg:$0x4] =	wrdreg $0xC0  }
0xab: {  	_ =	task [dreg:s7], $0x5FFFF  }
0xac: {  	[dreg:$0x1] =	wrdreg $0xFFFFFFFF  }
0xad: {  	[dreg:$0x0] =	wrdreg $0x60  }
0xae: {  	[dreg:$0x2] =	wrdreg s24  }
0xaf: {  	[dreg:$0x3] =	wrdreg s2  }
0xb0: {  	[dreg:$0x4] =	wrdreg $0xA8000  }
0xb1: {  	[dreg:$0x5] =	wrdreg $0x9  }
0xb2: {  	_ =	task.clear_ibuf [dreg:s7], $0x6FFFF;
	_ =	strace $0x90000046  }
0xb3: {  	s29 =	simm.s32 $0x9;
	_ =	strace $0x80000048  }
0xb4: {  	_ =	swait.ge [sflag:s29], $0x1  }
0xb5: {  	[sflag:s29] =	ssyncadd.s32 $0xFFFFFFFF  }
0xb6: {  	_ =	strace $0x90000048  }
0xb7: {  	_ =	sfence  }
0xb8: {  	s30 =	sld [smem:$0x0];
	_ =	sdelay $0x2  }
0xb9: {  	s31 =	sshll.u32 s1, $0xD;
	s1 =	sshrl.u32 s1, $0x2  }
0xba: {  	s3 =	sand.u32 $0x4000, s31;
	s1 =	sadd.s32 s1, s30  }
0xbb: {  	s0 =	sor.u32 s3, s0;
	s1 =	sshll.u32 s1, $0x11  }
0xbc: {  	s0 =	sor.u32 s1, s0  }
0xbd: {  	s0 =	sadd.s32 $0x8F2B, s0  }
0xbe: {  	[sflag:s0] =	ssyncadd.remote.s32 $0x1  }
0xbf: {  	_ =	sfence.sel $0xFFFF  }
0xc0: {  	[dreg:$0x0] =	wrdreg $0xFFFFFFFF;
	(pc) =	sbr.abs _section_cstart, $3  }
0xc1: {  	[dreg:$0x1] =	wrdreg $0xFFFFFFFF  }
0xc2: {  	_ =	task.clear_ibuf [dreg:s7], $0x2FFFF;
	_ =	strace $0x9FFFFFFF  }
0xc3: {  	(tm) =	ssettm $0x7FFFFFFF  }
tec
execute0_lowered:
.L_overlay_start_1:
0x0: {  	(tag) =	ssettag $0x1  }
0x1: {  	s6 =	rddreg [dreg:$0x0]  }
0x2: {  	s9 =	rddreg [dreg:$0x1]  }
0x3: {  	s2 =	rddreg [dreg:$0x2];
	s3 =	simm.s32 $0x0  }
0x4: {  	s1 =	stileid.u32;
	s4 =	srdreg.scid;
	s16 =	simm.s32 $0x1400  }
0x5: {  	s17 =	simm.s32 $0x80;
	s18 =	simm.s32 $0x2800;
	s19 =	simm.s32 $0x6800  }
0x6: {  	s20 =	simm.s32 $0x1;
	s21 =	simm.s32 $0x2;
	s22 =	simm.s32 $0x1380  }
0x7: {  	s23 =	simm.s32 $0x2700;
	s24 =	simm.s32 $0x2780;
	[smem:$0x7FF] =	sst s3  }
0x8: {  	s10 =	smul.u32 $0x2800, s1;
	s8 =	sand.u32 $0x1, s4;
	s4 =	sadd.s32 $0x1D400, s6  }
0x9: {  	s5 =	sadd.s32 $0x9400, s6;
	s13 =	smul.u32 $0x50000, s1;
	s31 =	sshll.u32 s1, $0x6  }
0xa: {  	_ =	strace $0x80000047;
	s7 =	ssub.s32 $0x2, s8;
	s8 =	sshll.u32 s8, $0x1  }
0xb: {  	s11 =	sshrl.u32 s10, $0x3;
	s12 =	sshrl.u32 s7, $0x1;
	s30 =	sshrl.u32 s13, $0x2  }
0xc: {  	s9 =	sadd.s32 s9, s10;
	s10 =	sor.u32 $0x1C03, s31;
	s14 =	sadd.s32 s11, s6  }
0xd: {  	s6 =	sadd.s32 $0xBD400, s6;
	s29 =	ssub.s32 s7, s12;
	s7 =	smul.u32 $0x280, s1  }
0xe: {  	s15 =	sadd.s32 s30, s2;
	s11 =	smax.u32 s29, $0x1;
	s12 =	sadd.s32 $0x4400, s14  }
0xf: {  	s13 =	sadd.s32 $0x4680, s14;
	s14 =	sshrl.u32 s15, $0x3;
	s15 =	simm.s32 $0x3  }
.LBB2_1:
0x10: {  	p1 =	por $0x1, $0x1;
	s26 =	simm.s32 $0x0  }
.LBB2_2:
0x11: {  	s25 =	sor.u32 s8, s26  }
0x12: {  	[spmem:s14], [sflag:s10] =	dma.local [hbm:s9], $0x2800  }
0x13: {  	s26 =	sshll.u32 s25, $0x4  }
0x14: {  	s26 =	sor.u32 s1, s26  }
0x15: {  	_ =	swait.ge [sflag:s15], $0x2800;
	s26 =	smul.u32 $0x2800, s26  }
0x16: {  	[sflag:s15] =	ssyncset.done $0x0  }
0x17: {  	[sflag:s15] =	ssyncadd.s32 $0xFFFFD800;
	s26 =	sshrl.u32 s26, $0x3  }
0x18: {  	s28 =	simm.s32 $0x0;
	[bflag:$0x0] =	sbarrier.arrive $0xFFFF;
	s26 =	sadd.s32 s5, s26  }
0x19: {  	[tilespmem:s28], [sflag:$0x3] =	stream.linear.gather [hbm4b:s26+s28], $0x1400, $0x38;
	[tilespmem:$0x1E800] =	vst v63  }
0x1a: {  	_ =	swait.ge [sflag:s15], $0x1400  }
0x1b: {  	[sflag:s15] =	ssyncset.done $0x0  }
0x1c: {  	[sflag:s15] =	ssyncadd.s32 $0xFFFFEC00  }
0x1d: {  	[tilespmem:s16], [sflag:$0x3] =	stream.linear.gather [hbm4b:s12+s28], $0x1400, $0x38;
	[tilespmem:$0x1E800] =	vst v63  }
0x1e: {  	_ =	swait.ge [sflag:s15], $0x1400  }
0x1f: {  	[sflag:s15] =	ssyncset.done $0x0  }
0x20: {  	[sflag:s15] =	ssyncadd.s32 $0xFFFFEC00  }
0x21: {  	[tilespmem:s18], [sflag:$0x1] =	stream.indirect.gather [hbm4b:s4+s17], $0x80, s28, s17, $0xb8;
	[tilespmem:$0x1E800] =	vst v63  }
0x22: {  	s28 =	simm.s32 $0x80  }
0x23: {  	[tilespmem:s19], [sflag:$0x2] =	stream.indirect.gather [hbm4b:s4+s17], $0x80, s28, s17, $0xb8;
	[tilespmem:$0x1E800] =	vst v63  }
0x24: {  	_ =	swait.ge [sflag:s20], $0x4000  }
0x25: {  	[sflag:s20] =	ssyncset.done $0x0  }
0x26: {  	s28 =	simm.s32 $0x1400;
	[sflag:s20] =	ssyncadd.s32 $0xFFFFC000  }
0x27: {  	[spmem:s2] =	stream.indirect.scatter.add.f32 [tilespmem:s18], [sflag:$0x3], $0x80, s28, s17, $0xb8;
	[tilespmem:$0x1E800] =	vst v63  }
0x28: {  	_ =	swait.ge [sflag:s15], $0x4000  }
0x29: {  	[sflag:s15] =	ssyncset.done $0x0  }
0x2a: {  	s28 =	simm.s32 $0x100;
	[sflag:s15] =	ssyncadd.s32 $0xFFFFC000  }
0x2b: {  	[tilespmem:s18], [sflag:$0x1] =	stream.indirect.gather [hbm4b:s4+s17], $0x80, s28, s17, $0xb8;
	[tilespmem:$0x1E800] =	vst v63  }
0x2c: {  	_ =	swait.ge [sflag:s21], $0x4000  }
0x2d: {  	[sflag:s21] =	ssyncset.done $0x0  }
0x2e: {  	s28 =	simm.s32 $0x1480;
	[sflag:s21] =	ssyncadd.s32 $0xFFFFC000  }
0x2f: {  	[spmem:s2] =	stream.indirect.scatter.add.f32 [tilespmem:s19], [sflag:$0x3], $0x80, s28, s17, $0xb8;
	[tilespmem:$0x1E800] =	vst v63  }
0x30: {  	p0 =	por p1, p1;
	_ =	swait.ge [sflag:s15], $0x4000  }
0x31: {  	s29 =	simm.s32 $0x800;
	s28 =	simm.s32 $0x100;
	[sflag:s15] =	ssyncset.done $0x0  }
.LBB2_3:
0x32: {  	s30 =	sadd.s32 $0x80, s28  }
0x33: {  	[sflag:s15] =	ssyncadd.s32 $0xFFFFC000;
	s31 =	smov.u32 s29;
	s0 =	sadd.s32 $0x400, s29  }
0x34: {  	[tilespmem:s19], [sflag:$0x2] =	stream.indirect.gather [hbm4b:s4+s17], $0x80, s30, s17, $0xb8;
	[tilespmem:$0x1E800] =	vst v63  }
0x35: {  	p1 =	sne.s32 s29, $0x4800;
	_ =	swait.ge [sflag:s20], $0x4000  }
0x36: {  	[sflag:s20] =	ssyncset.done $0x0  }
0x37: {  	s29 =	sadd.s32 $0x1400, s28;
	[sflag:s20] =	ssyncadd.s32 $0xFFFFC000  }
0x38: {  	[spmem:s2] =	stream.indirect.scatter.add.f32 [tilespmem:s18], [sflag:$0x3], $0x80, s29, s17, $0xb8;
	[tilespmem:$0x1E800] =	vst v63  }
0x39: {  	_ =	swait.ge [sflag:s15], $0x4000  }
0x3a: {  	[sflag:s15] =	ssyncset.done $0x0  }
0x3b: {  	s29 =	sadd.s32 $0x100, s28;
	[sflag:s15] =	ssyncadd.s32 $0xFFFFC000  }
0x3c: {  	[tilespmem:s18], [sflag:$0x1] =	stream.indirect.gather [hbm4b:s4+s17], $0x80, s29, s17, $0xb8;
	[tilespmem:$0x1E800] =	vst v63  }
0x3d: {  	_ =	swait.ge [sflag:s21], $0x4000  }
.Ltmp0:
0x3e: {  	[sflag:s21] =	ssyncset.done $0x0;
	(pc) =	sbr.rel @p1 .LBB2_3-.Ltmp0, $4  }
0x3f: {  	s28 =	sadd.s32 $0x1480, s28;
	[sflag:s21] =	ssyncadd.s32 $0xFFFFC000  }
0x40: {  	[spmem:s2] =	stream.indirect.scatter.add.f32 [tilespmem:s19], [sflag:$0x3], $0x80, s28, s17, $0xb8;
	[tilespmem:$0x1E800] =	vst v63  }
0x41: {  	_ =	swait.ge [sflag:s15], $0x4000  }
0x42: {  	s29 =	smov.u32 s0;
	s28 =	sshra.s32 s31, $0x2;
	[sflag:s15] =	ssyncset.done $0x0  }
0x43: {  	s0 =	sadd.s32 $0x80, s28;
	[sflag:s15] =	ssyncadd.s32 $0xFFFFC000  }
0x44: {  	[tilespmem:s19], [sflag:$0x2] =	stream.indirect.gather [hbm4b:s4+s17], $0x80, s0, s17, $0xb8;
	[tilespmem:$0x1E800] =	vst v63  }
0x45: {  	_ =	swait.ge [sflag:s20], $0x4000  }
0x46: {  	[sflag:s20] =	ssyncset.done $0x0  }
0x47: {  	s30 =	sadd.s32 $0x1400, s28;
	[sflag:s20] =	ssyncadd.s32 $0xFFFFC000  }
0x48: {  	[spmem:s2] =	stream.indirect.scatter.add.f32 [tilespmem:s18], [sflag:$0x3], $0x80, s30, s17, $0xb8;
	[tilespmem:$0x1E800] =	vst v63  }
0x49: {  	_ =	swait.ge [sflag:s15], $0x4000  }
0x4a: {  	[sflag:s15] =	ssyncset.done $0x0  }
0x4b: {  	s31 =	sadd.s32 $0x100, s28;
	[sflag:s15] =	ssyncadd.s32 $0xFFFFC000  }
0x4c: {  	[tilespmem:s18], [sflag:$0x1] =	stream.indirect.gather [hbm4b:s4+s17], $0x80, s31, s17, $0xb8;
	[tilespmem:$0x1E800] =	vst v63  }
0x4d: {  	_ =	swait.ge [sflag:s21], $0x4000  }
0x4e: {  	[sflag:s21] =	ssyncset.done $0x0  }
0x4f: {  	s29 =	sadd.s32 $0x1480, s28;
	[sflag:s21] =	ssyncadd.s32 $0xFFFFC000  }
0x50: {  	[spmem:s2] =	stream.indirect.scatter.add.f32 [tilespmem:s19], [sflag:$0x3], $0x80, s29, s17, $0xb8;
	[tilespmem:$0x1E800] =	vst v63  }
0x51: {  	_ =	swait.ge [sflag:s15], $0x4000  }
0x52: {  	[sflag:s15] =	ssyncset.done $0x0  }
0x53: {  	[sflag:s15] =	ssyncadd.s32 $0xFFFFC000  }
0x54: {  	[tilespmem:s19], [sflag:$0x2] =	stream.indirect.gather [hbm4b:s4+s17], $0x80, s22, s17, $0xb8;
	[tilespmem:$0x1E800] =	vst v63  }
0x55: {  	_ =	swait.ge [sflag:s20], $0x4000  }
0x56: {  	[sflag:s20] =	ssyncset.done $0x0  }
0x57: {  	[sflag:s20] =	ssyncadd.s32 $0xFFFFC000  }
0x58: {  	[spmem:s2] =	stream.indirect.scatter.add.f32 [tilespmem:s18], [sflag:$0x3], $0x80, s23, s17, $0xb8;
	[tilespmem:$0x1E800] =	vst v63  }
0x59: {  	_ =	swait.ge [sflag:s15], $0x4000  }
0x5a: {  	[sflag:s15] =	ssyncset.done $0x0  }
0x5b: {  	[sflag:s15] =	ssyncadd.s32 $0xFFFFC000  }
0x5c: {  	_ =	swait.ge [sflag:s21], $0x4000  }
0x5d: {  	[sflag:s21] =	ssyncset.done $0x0  }
0x5e: {  	[sflag:s21] =	ssyncadd.s32 $0xFFFFC000  }
0x5f: {  	[spmem:s2] =	stream.indirect.scatter.add.f32 [tilespmem:s19], [sflag:$0x3], $0x80, s24, s17, $0xb8;
	[tilespmem:$0x1E800] =	vst v63  }
0x60: {  	_ =	swait.ge [sflag:s15], $0x4000  }
0x61: {  	[sflag:s15] =	ssyncset.done $0x0  }
0x62: {  	s30 =	sadd.s32 $0x280, s26;
	s31 =	simm.s32 $0x0;
	[sflag:s15] =	ssyncadd.s32 $0xFFFFC000  }
0x63: {  	[tilespmem:s31], [sflag:$0x3] =	stream.linear.gather [hbm4b:s30+s31], $0x1400, $0x38;
	[tilespmem:$0x1E800] =	vst v63  }
0x64: {  	_ =	swait.ge [sflag:s15], $0x1400  }
0x65: {  	[sflag:s15] =	ssyncset.done $0x0  }
0x66: {  	[sflag:s15] =	ssyncadd.s32 $0xFFFFEC00  }
0x67: {  	[tilespmem:s16], [sflag:$0x3] =	stream.linear.gather [hbm4b:s13+s31], $0x1400, $0x38;
	[tilespmem:$0x1E800] =	vst v63  }
0x68: {  	_ =	swait.ge [sflag:s15], $0x1400  }
0x69: {  	[sflag:s15] =	ssyncset.done $0x0  }
0x6a: {  	[sflag:s15] =	ssyncadd.s32 $0xFFFFEC00  }
0x6b: {  	[tilespmem:s18], [sflag:$0x1] =	stream.indirect.gather [hbm4b:s4+s17], $0x80, s31, s17, $0xb8;
	[tilespmem:$0x1E800] =	vst v63  }
0x6c: {  	s26 =	simm.s32 $0x80  }
0x6d: {  	[tilespmem:s19], [sflag:$0x2] =	stream.indirect.gather [hbm4b:s4+s17], $0x80, s26, s17, $0xb8;
	[tilespmem:$0x1E800] =	vst v63  }
0x6e: {  	_ =	swait.ge [sflag:s20], $0x4000  }
0x6f: {  	[sflag:s20] =	ssyncset.done $0x0  }
0x70: {  	s29 =	simm.s32 $0x1400;
	[sflag:s20] =	ssyncadd.s32 $0xFFFFC000  }
0x71: {  	[spmem:s2] =	stream.indirect.scatter.add.f32 [tilespmem:s18], [sflag:$0x3], $0x80, s29, s17, $0xb8;
	[tilespmem:$0x1E800] =	vst v63  }
0x72: {  	_ =	swait.ge [sflag:s15], $0x4000  }
0x73: {  	[sflag:s15] =	ssyncset.done $0x0  }
0x74: {  	s30 =	simm.s32 $0x100;
	[sflag:s15] =	ssyncadd.s32 $0xFFFFC000  }
0x75: {  	[tilespmem:s18], [sflag:$0x1] =	stream.indirect.gather [hbm4b:s4+s17], $0x80, s30, s17, $0xb8;
	[tilespmem:$0x1E800] =	vst v63  }
0x76: {  	_ =	swait.ge [sflag:s21], $0x4000  }
0x77: {  	[sflag:s21] =	ssyncset.done $0x0  }
0x78: {  	s31 =	simm.s32 $0x1480;
	[sflag:s21] =	ssyncadd.s32 $0xFFFFC000  }
0x79: {  	[spmem:s2] =	stream.indirect.scatter.add.f32 [tilespmem:s19], [sflag:$0x3], $0x80, s31, s17, $0xb8;
	[tilespmem:$0x1E800] =	vst v63  }
0x7a: {  	_ =	swait.ge [sflag:s15], $0x4000  }
0x7b: {  	s28 =	simm.s32 $0x800;
	s26 =	simm.s32 $0x100;
	[sflag:s15] =	ssyncset.done $0x0  }
.LBB2_5:
0x7c: {  	s0 =	sadd.s32 $0x80, s26  }
0x7d: {  	[sflag:s15] =	ssyncadd.s32 $0xFFFFC000;
	s29 =	smov.u32 s28;
	s30 =	sadd.s32 $0x400, s28  }
0x7e: {  	[tilespmem:s19], [sflag:$0x2] =	stream.indirect.gather [hbm4b:s4+s17], $0x80, s0, s17, $0xb8;
	[tilespmem:$0x1E800] =	vst v63  }
0x7f: {  	p1 =	sne.s32 s28, $0x4800;
	_ =	swait.ge [sflag:s20], $0x4000  }
0x80: {  	[sflag:s20] =	ssyncset.done $0x0  }
0x81: {  	s0 =	sadd.s32 $0x1400, s26;
	[sflag:s20] =	ssyncadd.s32 $0xFFFFC000  }
0x82: {  	[spmem:s2] =	stream.indirect.scatter.add.f32 [tilespmem:s18], [sflag:$0x3], $0x80, s0, s17, $0xb8;
	[tilespmem:$0x1E800] =	vst v63  }
0x83: {  	_ =	swait.ge [sflag:s15], $0x4000  }
0x84: {  	[sflag:s15] =	ssyncset.done $0x0  }
0x85: {  	s0 =	sadd.s32 $0x100, s26;
	[sflag:s15] =	ssyncadd.s32 $0xFFFFC000  }
0x86: {  	[tilespmem:s18], [sflag:$0x1] =	stream.indirect.gather [hbm4b:s4+s17], $0x80, s0, s17, $0xb8;
	[tilespmem:$0x1E800] =	vst v63  }
0x87: {  	_ =	swait.ge [sflag:s21], $0x4000  }
.Ltmp1:
0x88: {  	[sflag:s21] =	ssyncset.done $0x0;
	(pc) =	sbr.rel @p1 .LBB2_5-.Ltmp1, $4  }
0x89: {  	s0 =	sadd.s32 $0x1480, s26;
	[sflag:s21] =	ssyncadd.s32 $0xFFFFC000  }
0x8a: {  	[spmem:s2] =	stream.indirect.scatter.add.f32 [tilespmem:s19], [sflag:$0x3], $0x80, s0, s17, $0xb8;
	[tilespmem:$0x1E800] =	vst v63  }
0x8b: {  	_ =	swait.ge [sflag:s15], $0x4000  }
0x8c: {  	s28 =	smov.u32 s30;
	s26 =	sshra.s32 s29, $0x2;
	[sflag:s15] =	ssyncset.done $0x0  }
0x8d: {  	s0 =	sadd.s32 $0x80, s26;
	[sflag:s15] =	ssyncadd.s32 $0xFFFFC000  }
0x8e: {  	[tilespmem:s19], [sflag:$0x2] =	stream.indirect.gather [hbm4b:s4+s17], $0x80, s0, s17, $0xb8;
	[tilespmem:$0x1E800] =	vst v63  }
0x8f: {  	_ =	swait.ge [sflag:s20], $0x4000  }
0x90: {  	[sflag:s20] =	ssyncset.done $0x0  }
0x91: {  	s28 =	sadd.s32 $0x1400, s26;
	[sflag:s20] =	ssyncadd.s32 $0xFFFFC000  }
0x92: {  	[spmem:s2] =	stream.indirect.scatter.add.f32 [tilespmem:s18], [sflag:$0x3], $0x80, s28, s17, $0xb8;
	[tilespmem:$0x1E800] =	vst v63  }
0x93: {  	_ =	swait.ge [sflag:s15], $0x4000  }
0x94: {  	[sflag:s15] =	ssyncset.done $0x0  }
0x95: {  	s29 =	sadd.s32 $0x100, s26;
	[sflag:s15] =	ssyncadd.s32 $0xFFFFC000  }
0x96: {  	[tilespmem:s18], [sflag:$0x1] =	stream.indirect.gather [hbm4b:s4+s17], $0x80, s29, s17, $0xb8;
	[tilespmem:$0x1E800] =	vst v63  }
0x97: {  	_ =	swait.ge [sflag:s21], $0x4000  }
0x98: {  	[sflag:s21] =	ssyncset.done $0x0  }
0x99: {  	s30 =	sadd.s32 $0x1480, s26;
	[sflag:s21] =	ssyncadd.s32 $0xFFFFC000  }
0x9a: {  	[spmem:s2] =	stream.indirect.scatter.add.f32 [tilespmem:s19], [sflag:$0x3], $0x80, s30, s17, $0xb8;
	[tilespmem:$0x1E800] =	vst v63  }
0x9b: {  	_ =	swait.ge [sflag:s15], $0x4000  }
0x9c: {  	[sflag:s15] =	ssyncset.done $0x0  }
0x9d: {  	s26 =	simm.s32 $0x1;
	[sflag:s15] =	ssyncadd.s32 $0xFFFFC000  }
0x9e: {  	[tilespmem:s19], [sflag:$0x2] =	stream.indirect.gather [hbm4b:s4+s17], $0x80, s22, s17, $0xb8;
	[tilespmem:$0x1E800] =	vst v63  }
0x9f: {  	_ =	swait.ge [sflag:s26], $0x4000  }
0xa0: {  	[sflag:s26] =	ssyncset.done $0x0  }
0xa1: {  	[sflag:s26] =	ssyncadd.s32 $0xFFFFC000  }
0xa2: {  	[spmem:s2] =	stream.indirect.scatter.add.f32 [tilespmem:s18], [sflag:$0x3], $0x80, s23, s17, $0xb8;
	[tilespmem:$0x1E800] =	vst v63  }
0xa3: {  	_ =	swait.ge [sflag:s15], $0x4000  }
0xa4: {  	[sflag:s15] =	ssyncset.done $0x0  }
0xa5: {  	[sflag:s15] =	ssyncadd.s32 $0xFFFFC000  }
0xa6: {  	_ =	swait.ge [sflag:s21], $0x4000  }
0xa7: {  	[sflag:s21] =	ssyncset.done $0x0  }
0xa8: {  	s31 =	smul.u32 $0x2800, s25;
	[sflag:s21] =	ssyncadd.s32 $0xFFFFC000  }
0xa9: {  	[spmem:s2] =	stream.indirect.scatter.add.f32 [tilespmem:s19], [sflag:$0x3], $0x80, s24, s17, $0xb8;
	[tilespmem:$0x1E800] =	vst v63  }
0xaa: {  	_ =	swait.ge [sflag:s15], $0x4000  }
0xab: {  	s0 =	sadd.s32 s7, s31;
	[sflag:s15] =	ssyncset.done $0x0  }
0xac: {  	s0 =	sshll.u32 s0, $0x4;
	[sflag:s15] =	ssyncadd.s32 $0xFFFFC000  }
.Ltmp2:
0xad: {  	s0 =	sadd.s32 s6, s0;
	[bflag:$0x0] =	sbarrier.arrive $0xFFFF;
	(pc) =	sbr.rel @p0 .LBB2_2-.Ltmp2, $4  }
0xae: {  	[hbm:s0], [sflag:s10] =	dma.local [spmem:s14], $0x2800  }
0xaf: {  	_ =	swait.ge [sflag:s15], $0x2800  }
0xb0: {  	[sflag:s15] =	ssyncset.done $0x0  }
0xb1: {  	p1 =	por $0x0, $0x0;
	[sflag:s15] =	ssyncadd.s32 $0xFFFFD800  }
0xb2: {  	s3 =	sadd.s32 $0x1, s3  }
0xb3: {  	p0 =	sne.s32 s3, s11  }
.Ltmp3:
0xb4: {  	_ = 	snop;
	(pc) =	sbr.rel @p0 .LBB2_1-.Ltmp3, $1  }
0xb5: {  	_ =	sdelay $0x3  }
0xb6: {  	_ =	sfence.sel $0x180000  }
0xb7: {  	[bflag:$0x0] =	sbarrier.arrive $0xFFFF  }
0xb8: {  	_ =	strace $0x90000047  }
0xb9: {  	[bflag:$0x2] =	sbarrier.arrive $0xFFFF  }
0xba: {  	p0 =	sne.s32 s1, $0x0;
	s0 =	rddreg [dreg:$0x3]  }
0xbb: {  	s0 =	sadd.s32 @!p0 $0x100000, s0  }
0xbc: {  	[sflag:s0] =	ssyncadd.tile.s32 @!p0 $0x1;
	_ =	shalt  }
.Lfunc_end2:
_tile_overlayer_lowered:
.L_overlay_start_2:
0xbd: {  	(tag) =	ssettag $0x2  }
0xbe: {  	s0 =	rddreg [dreg:$0x0];
	s2 =	stileid.u32  }
0xbf: {  	s1 =	rddreg [dreg:$0x1];
	p0 =	sne.s32 s2, $0x0  }
0xc0: {  	s3 =	rddreg [dreg:$0x2];
	[bflag:$0x3] =	sbarrier.arrive $0xFFFF;
	s2 =	simm.s32 @!p0 $0x1C03  }
0xc1: {  	[timem:s3], [sflag:s2] =	dma.local @!p0 [hbm:s0], s1  }
0xc2: {  	s0 =	simm.s32 @!p0 $0x3  }
0xc3: {  	_ =	swait.ge @!p0 [sflag:s0], s1  }
0xc4: {  	s1 =	ssub.s32 @!p0 $0x0, s1;
	[sflag:s0] =	ssyncset.done @!p0 $0x0  }
0xc5: {  	[sflag:s0] =	ssyncadd.s32 @!p0 s1  }
0xc6: {  	[bflag:$0x3] =	sbarrier.arrive $0xFFFF  }
0xc7: {  	_ =	shalt  }

// kernel: kernel.16.cloned.1.call-start
scs
__scs_entry_jumppad:
0x0: {  	(pc) =	sbr.rel $0x88, $3  }
0x1: {  	(tag) =	ssettag $0x0;
	lr =	simm.s32 $0x1  }
0x2: {  	[smem:$0x3F96] =	sst lr;
	_ =	strace $0xD0000000  }
0x3: {  	_ = 	snop  }
0x4: {  	_ = 	snop  }
0x5: {  	_ = 	snop  }
0x6: {  	_ = 	snop  }
0x7: {  	_ = 	snop  }
__scs_overlays_trampoline_lowered:
0x8: {  	[smem:$0x3FA5] =	sst s0  }
0x9: {  	[smem:$0x3FA6] =	sst s1  }
0xa: {  	[smem:$0x3FA7] =	sst s2  }
0xb: {  	[smem:$0x3FA8] =	sst s3  }
0xc: {  	[smem:$0x3FA9] =	sst s4  }
0xd: {  	[smem:$0x3FAA] =	sst s5  }
0xe: {  	[smem:$0x3FAB] =	sst s6  }
0xf: {  	[smem:$0x3FAC] =	sst s7  }
0x10: {  	[smem:$0x3FAD] =	sst s8  }
0x11: {  	[smem:$0x3FAE] =	sst s9;
	s0 =	simm.s32 @!p0 $0x0  }
0x12: {  	s1 =	sld [smem:$0x3F94];
	s0 =	simm.s32 @p0 $0x1  }
0x13: {  	[smem:$0x3FAF] =	sst s0;
	s0 =	simm.s32 @!p1 $0x0  }
0x14: {  	s2 =	sld [smem:$0x3F93];
	s0 =	simm.s32 @p1 $0x1  }
0x15: {  	[smem:$0x3FB0] =	sst s0;
	s0 =	simm.s32 @!p2 $0x0  }
0x16: {  	s3 =	sld [smem:$0x3FDB];
	s0 =	simm.s32 @p2 $0x1  }
0x17: {  	s4 =	simm.s32 $0x1BF5;
	[smem:$0x3FB2] =	sst s0  }
0x18: {  	s0 =	sld [smem:$0x3F95];
	_ =	swait.ge [sflag:s4], $0x0  }
0x19: {  	s7 =	sld [smem:$0x3F96]  }
0x1a: {  	s8 =	sadd.s32 $0xFFFFE003, lr  }
0x1b: {  	s9 =	sadd.s32 $0xFFFFFEF7, lr;
	s5 =	simm.s32 $0xFFFFFFFF;
	p2 =	slt.u32 s8, $0xFFFFF086  }
0x1c: {  	p1 =	slt.u32 s9, $0xF7A;
	s5 =	simm.s32 @!p2 $0x0  }
0x1d: {  	s5 =	simm.s32 @p1 $0x1;
	p0 =	seq.s32 s7, s2  }
0x1e: {  	s7 =	smul.u32 @!p0 $0xF7A, s2;
	p2 =	seq.s32 @!p0 s5, $0x0  }
0x1f: {  	s9 =	smul.u32 $0xF7A, s1;
	s8 =	simm.s32 @!p0 $0x1BF5;
	p2 =	por !p2, p0  }
0x20: {  	[sflag:s8] =	ssyncset.s32 @!p0 $0xFFFFF086;
	s6 =	sadd.s32 @!p0 s3, s7;
	s7 =	simm.s32 @!p0 $0x108  }
0x21: {  	s3 =	sadd.s32 s3, s9;
	s6 =	sadd.s32 @!p0 $0x88, s6;
	s7 =	simm.s32 @p2 $0x1082  }
0x22: {  	[simem:s7], [sflag:s8] =	dma.local @!p0 [hbm:s6], $0xF7A  }
0x23: {  	s9 =	sor.u32 $0xD0000000, s2;
	s6 =	simm.s32 $0x108;
	_ =	swait.ge @!p0 [sflag:s8], $0x0  }
0x24: {  	s3 =	sadd.s32 $0x88, s3;
	s6 =	simm.s32 @!p1 $0x1082;
	[sflag:s4] =	ssyncset.s32 $0xFFFFF086  }
0x25: {  	[simem:s6], [sflag:s4] =	dma.local [hbm:s3], $0xF7A  }
0x26: {  	[smem:$0x3F96] =	sst s1;
	(tag) =	ssettag s2;
	_ =	strace s9  }
0x27: {  	s1 =	sld [smem:$0x3FA6]  }
0x28: {  	s2 =	sld [smem:$0x3FA7]  }
0x29: {  	s4 =	sld [smem:$0x3FA9]  }
0x2a: {  	p0 =	seq.s32 s5, $0x0;
	s5 =	sld [smem:$0x3FAA]  }
0x2b: {  	s6 =	sld [smem:$0x3FAB]  }
0x2c: {  	s7 =	sld [smem:$0x3FAC]  }
0x2d: {  	s3 =	simm.s32 $0x108;
	s8 =	sld [smem:$0x3FAD]  }
0x2e: {  	s3 =	simm.s32 @!p0 $0x1082;
	s9 =	sld [smem:$0x3FAE]  }
0x2f: {  	lr =	sadd.s32 s0, s3;
	s0 =	sld [smem:$0x3FA5]  }
0x30: {  	s3 =	sld [smem:$0x3FA8]  }
0x31: {  	[smem:$0x3FB1] =	sst s10  }
0x32: {  	s10 =	sld [smem:$0x3FAF];
	_ =	sdelay $0x3  }
0x33: {  	p0 =	seq.s32 s10, $0x1;
	s10 =	sld [smem:$0x3FB1];
	_ =	sdelay $0x3  }
0x34: {  	[smem:$0x3FB1] =	sst s10  }
0x35: {  	s10 =	sld [smem:$0x3FB0];
	_ =	sdelay $0x3  }
0x36: {  	p1 =	seq.s32 s10, $0x1;
	s10 =	sld [smem:$0x3FB1];
	_ =	sdelay $0x3  }
0x37: {  	[smem:$0x3FB1] =	sst s10  }
0x38: {  	s10 =	sld [smem:$0x3FB2]  }
0x39: {  	_ = 	snop;
	(pc) =	sbr.ind lr, $3  }
0x3a: {  	_ = 	snop  }
0x3b: {  	_ = 	snop  }
0x3c: {  	p2 =	seq.s32 s10, $0x1;
	s10 =	sld [smem:$0x3FB1]  }
0x3d: {  	_ =	shalt  }
0x3e: {  	_ =	shalt  }
0x3f: {  	_ =	shalt  }
0x40: {  	_ =	shalt  }
0x41: {  	_ =	shalt  }
0x42: {  	_ =	shalt  }
0x43: {  	_ =	shalt  }
0x44: {  	_ =	shalt  }
0x45: {  	_ =	shalt  }
0x46: {  	_ =	shalt  }
0x47: {  	_ =	shalt  }
0x48: {  	_ =	shalt  }
0x49: {  	_ =	shalt  }
0x4a: {  	_ =	shalt  }
0x4b: {  	_ =	shalt  }
0x4c: {  	_ =	shalt  }
0x4d: {  	_ =	shalt  }
0x4e: {  	_ =	shalt  }
0x4f: {  	_ =	shalt  }
0x50: {  	_ =	shalt  }
0x51: {  	_ =	shalt  }
0x52: {  	_ =	shalt  }
0x53: {  	_ =	shalt  }
0x54: {  	_ =	shalt  }
0x55: {  	_ =	shalt  }
0x56: {  	_ =	shalt  }
0x57: {  	_ =	shalt  }
0x58: {  	_ =	shalt  }
0x59: {  	_ =	shalt  }
0x5a: {  	_ =	shalt  }
0x5b: {  	_ =	shalt  }
0x5c: {  	_ =	shalt  }
0x5d: {  	_ =	shalt  }
0x5e: {  	_ =	shalt  }
0x5f: {  	_ =	shalt  }
0x60: {  	_ =	shalt  }
0x61: {  	_ =	shalt  }
0x62: {  	_ =	shalt  }
0x63: {  	_ =	shalt  }
0x64: {  	_ =	shalt  }
0x65: {  	_ =	shalt  }
0x66: {  	_ =	shalt  }
0x67: {  	_ =	shalt  }
0x68: {  	_ =	shalt  }
0x69: {  	_ =	shalt  }
0x6a: {  	_ =	shalt  }
0x6b: {  	_ =	shalt  }
0x6c: {  	_ =	shalt  }
0x6d: {  	_ =	shalt  }
0x6e: {  	_ =	shalt  }
0x6f: {  	_ =	shalt  }
0x70: {  	_ =	shalt  }
0x71: {  	_ =	shalt  }
0x72: {  	_ =	shalt  }
0x73: {  	_ =	shalt  }
0x74: {  	_ =	shalt  }
0x75: {  	_ =	shalt  }
0x76: {  	_ =	shalt  }
0x77: {  	_ =	shalt  }
0x78: {  	_ =	shalt  }
0x79: {  	_ =	shalt  }
0x7a: {  	_ =	shalt  }
0x7b: {  	_ =	shalt  }
0x7c: {  	_ =	shalt  }
0x7d: {  	_ =	shalt  }
0x7e: {  	_ =	shalt  }
0x7f: {  	_ =	shalt  }
0x80: {  	_ =	shalt  }
0x81: {  	_ =	shalt  }
0x82: {  	_ =	shalt  }
0x83: {  	_ =	shalt  }
0x84: {  	_ =	shalt  }
0x85: {  	_ =	shalt  }
0x86: {  	_ =	shalt  }
0x87: {  	_ =	shalt  }
.Lfunc_end0:
.L_simem_size_0:
called_computation.1_lowered:
.L_overlay_start_0:
0x88: {  	s2 =	sld [smem:$0x3FD9]  }
0x89: {  	s3 =	sld [smem:$0x3FFE];
	_ =	sdelay $0x1  }
0x8a: {  	s1 =	srdreg.scid  }
0x8b: {  	s0 =	sand.u32 $0x1, s1  }
0x8c: {  	s17 =	sshll.u32 s0, $0xA;
	s2 =	sadd.s32 s3, s2  }
0x8d: {  	s2 =	sadd.s32 s2, s17  }
0x8e: {  	[smem:$0x3FBD] =	sst s2  }
0x8f: {  	_ = 	snop  }
0x90: {  	s2 =	sld [smem:$0x3FD0];
	(tm) =	ssettm $0x1  }
0x91: {  	s18 =	sld [smem:$0x3FFB];
	_ =	sdelay $0x3  }
0x92: {  	_ =	strace s18  }
0x93: {  	s3 =	sld [smem:$0x3FFC];
	_ =	sdelay $0x3  }
0x94: {  	_ =	strace s3  }
0x95: {  	s3 =	sld [smem:$0x3FFD];
	_ =	sdelay $0x3  }
0x96: {  	_ =	strace s3  }
0x97: {  	_ =	strace $0x8FFFFFFF  }
0x98: {  	s19 =	sld [smem:$0x3FDB];
	_ =	sdelay $0x1  }
0x99: {  	s4 =	simm.s32 $_scs_section_size  }
0x9a: {  	s5 =	simm.s32 $_size__tile_overlayer_lowered;
	s6 =	simm.s32 $_tile_overlayer_lowered  }
0x9b: {  	s22 =	simm.s32 $0x1BFF;
	s21 =	sshll.u32 s6, $0x1;
	s3 =	sadd.s32 s4, s19  }
0x9c: {  	s7 =	simm.s32 $0x0;
	s20 =	sshll.u32 s5, $0x1;
	s5 =	sadd.s32 s21, s3  }
0x9d: {  	[timem:s7], [sflag:s22] =	dma.local [hbm:s5], s20  }
0x9e: {  	_ =	swait.ge [sflag:s22], s20  }
0x9f: {  	s4 =	ssub.s32 $0x0, s20;
	[sflag:s22] =	ssyncset.done $0x0  }
0xa0: {  	[sflag:s22] =	ssyncadd.s32 s4;
	_ =	sdelay $0x1  }
0xa1: {  	s23 =	simm.s32 $0x1B8B  }
0xa2: {  	_ =	swait.ge [sflag:s23], $0x1  }
0xa3: {  	[sflag:s23] =	ssyncset.done $0x0  }
0xa4: {  	s25 =	simm.s32 $0x1B8E;
	s24 =	sld [smem:$0x3FFE];
	[sflag:s23] =	ssyncadd.s32 $0xFFFFFFFF  }
0xa5: {  	s26 =	simm.s32 $execute0_lowered;
	[smem:$0x3FD2] =	sst s25  }
0xa6: {  	s5 =	sshll.u32 s26, $0x1;
	_ =	strace $0x80000049;
	[dreg:$0x1] =	wrdreg $0xFFFFFFFF  }
0xa7: {  	s28 =	simm.s32 $_size_execute0_lowered;
	s3 =	sadd.s32 s3, s5;
	[dreg:$0x0] =	wrdreg $0x0  }
0xa8: {  	s5 =	sshll.u32 s28, $0x1;
	[dreg:$0x2] =	wrdreg s3  }
0xa9: {  	[dreg:$0x3] =	wrdreg s5  }
0xaa: {  	[dreg:$0x4] =	wrdreg $0xC0  }
0xab: {  	_ =	task [dreg:s7], $0x5FFFF  }
0xac: {  	[dreg:$0x1] =	wrdreg $0xFFFFFFFF  }
0xad: {  	[dreg:$0x0] =	wrdreg $0x60  }
0xae: {  	[dreg:$0x2] =	wrdreg s24  }
0xaf: {  	[dreg:$0x3] =	wrdreg s2  }
0xb0: {  	[dreg:$0x4] =	wrdreg $0xA8000  }
0xb1: {  	[dreg:$0x5] =	wrdreg $0x9  }
0xb2: {  	_ =	task.clear_ibuf [dreg:s7], $0x6FFFF;
	_ =	strace $0x90000049  }
0xb3: {  	s29 =	simm.s32 $0x9;
	_ =	strace $0x8000004B  }
0xb4: {  	_ =	swait.ge [sflag:s29], $0x1  }
0xb5: {  	[sflag:s29] =	ssyncadd.s32 $0xFFFFFFFF  }
0xb6: {  	_ =	strace $0x9000004B  }
0xb7: {  	_ =	sfence  }
0xb8: {  	s30 =	sld [smem:$0x0];
	_ =	sdelay $0x2  }
0xb9: {  	s31 =	sshll.u32 s1, $0xD;
	s1 =	sshrl.u32 s1, $0x2  }
0xba: {  	s3 =	sand.u32 $0x4000, s31;
	s1 =	sadd.s32 s1, s30  }
0xbb: {  	s0 =	sor.u32 s3, s0;
	s1 =	sshll.u32 s1, $0x11  }
0xbc: {  	s0 =	sor.u32 s1, s0  }
0xbd: {  	s0 =	sadd.s32 $0x8F2B, s0  }
0xbe: {  	[sflag:s0] =	ssyncadd.remote.s32 $0x1  }
0xbf: {  	_ =	sfence.sel $0xFFFF  }
0xc0: {  	[dreg:$0x0] =	wrdreg $0xFFFFFFFF;
	(pc) =	sbr.abs _section_cstart, $3  }
0xc1: {  	[dreg:$0x1] =	wrdreg $0xFFFFFFFF  }
0xc2: {  	_ =	task.clear_ibuf [dreg:s7], $0x2FFFF;
	_ =	strace $0x9FFFFFFF  }
0xc3: {  	(tm) =	ssettm $0x7FFFFFFF  }
tec
execute0_lowered:
.L_overlay_start_1:
0x0: {  	(tag) =	ssettag $0x1  }
0x1: {  	s6 =	rddreg [dreg:$0x0]  }
0x2: {  	s9 =	rddreg [dreg:$0x1]  }
0x3: {  	s2 =	rddreg [dreg:$0x2];
	s3 =	simm.s32 $0x0  }
0x4: {  	s1 =	stileid.u32;
	s4 =	srdreg.scid;
	s16 =	simm.s32 $0x1400  }
0x5: {  	s17 =	simm.s32 $0x80;
	s18 =	simm.s32 $0x2800;
	s19 =	simm.s32 $0x6800  }
0x6: {  	s20 =	simm.s32 $0x1;
	s21 =	simm.s32 $0x2;
	s22 =	simm.s32 $0x1380  }
0x7: {  	s23 =	simm.s32 $0x2700;
	s24 =	simm.s32 $0x2780;
	[smem:$0x7FF] =	sst s3  }
0x8: {  	s10 =	smul.u32 $0x2800, s1;
	s8 =	sand.u32 $0x1, s4;
	s4 =	sadd.s32 $0x17E600, s6  }
0x9: {  	s5 =	sadd.s32 $0x9400, s6;
	s13 =	smul.u32 $0x50000, s1;
	s31 =	sshll.u32 s1, $0x6  }
0xa: {  	_ =	strace $0x8000004A;
	s7 =	ssub.s32 $0x2, s8;
	s8 =	sshll.u32 s8, $0x1  }
0xb: {  	s11 =	sshrl.u32 s10, $0x3;
	s12 =	sshrl.u32 s7, $0x1;
	s30 =	sshrl.u32 s13, $0x2  }
0xc: {  	s9 =	sadd.s32 s9, s10;
	s10 =	sor.u32 $0x1C03, s31;
	s14 =	sadd.s32 s11, s6  }
0xd: {  	s6 =	sadd.s32 $0x1D400, s6;
	s29 =	ssub.s32 s7, s12;
	s7 =	smul.u32 $0x280, s1  }
0xe: {  	s15 =	sadd.s32 s30, s2;
	s11 =	smax.u32 s29, $0x1;
	s12 =	sadd.s32 $0x4400, s14  }
0xf: {  	s13 =	sadd.s32 $0x4680, s14;
	s14 =	sshrl.u32 s15, $0x3;
	s15 =	simm.s32 $0x3  }
.LBB2_1:
0x10: {  	p1 =	por $0x1, $0x1;
	s26 =	simm.s32 $0x0  }
.LBB2_2:
0x11: {  	s25 =	sor.u32 s8, s26  }
0x12: {  	[spmem:s14], [sflag:s10] =	dma.local [hbm:s9], $0x2800  }
0x13: {  	s26 =	sshll.u32 s25, $0x4  }
0x14: {  	s26 =	sor.u32 s1, s26  }
0x15: {  	_ =	swait.ge [sflag:s15], $0x2800;
	s26 =	smul.u32 $0x2800, s26  }
0x16: {  	[sflag:s15] =	ssyncset.done $0x0  }
0x17: {  	[sflag:s15] =	ssyncadd.s32 $0xFFFFD800;
	s26 =	sshrl.u32 s26, $0x3  }
0x18: {  	s28 =	simm.s32 $0x0;
	[bflag:$0x0] =	sbarrier.arrive $0xFFFF;
	s26 =	sadd.s32 s5, s26  }
0x19: {  	[tilespmem:s28], [sflag:$0x3] =	stream.linear.gather [hbm4b:s26+s28], $0x1400, $0x38;
	[tilespmem:$0x1E800] =	vst v63  }
0x1a: {  	_ =	swait.ge [sflag:s15], $0x1400  }
0x1b: {  	[sflag:s15] =	ssyncset.done $0x0  }
0x1c: {  	[sflag:s15] =	ssyncadd.s32 $0xFFFFEC00  }
0x1d: {  	[tilespmem:s16], [sflag:$0x3] =	stream.linear.gather [hbm4b:s12+s28], $0x1400, $0x38;
	[tilespmem:$0x1E800] =	vst v63  }
0x1e: {  	_ =	swait.ge [sflag:s15], $0x1400  }
0x1f: {  	[sflag:s15] =	ssyncset.done $0x0  }
0x20: {  	[sflag:s15] =	ssyncadd.s32 $0xFFFFEC00  }
0x21: {  	[tilespmem:s18], [sflag:$0x1] =	stream.indirect.gather [hbm4b:s4+s17], $0x80, s28, s17, $0xb8;
	[tilespmem:$0x1E800] =	vst v63  }
0x22: {  	s28 =	simm.s32 $0x80  }
0x23: {  	[tilespmem:s19], [sflag:$0x2] =	stream.indirect.gather [hbm4b:s4+s17], $0x80, s28, s17, $0xb8;
	[tilespmem:$0x1E800] =	vst v63  }
0x24: {  	_ =	swait.ge [sflag:s20], $0x4000  }
0x25: {  	[sflag:s20] =	ssyncset.done $0x0  }
0x26: {  	s28 =	simm.s32 $0x1400;
	[sflag:s20] =	ssyncadd.s32 $0xFFFFC000  }
0x27: {  	[spmem:s2] =	stream.indirect.scatter.add.f32 [tilespmem:s18], [sflag:$0x3], $0x80, s28, s17, $0xb8;
	[tilespmem:$0x1E800] =	vst v63  }
0x28: {  	_ =	swait.ge [sflag:s15], $0x4000  }
0x29: {  	[sflag:s15] =	ssyncset.done $0x0  }
0x2a: {  	s28 =	simm.s32 $0x100;
	[sflag:s15] =	ssyncadd.s32 $0xFFFFC000  }
0x2b: {  	[tilespmem:s18], [sflag:$0x1] =	stream.indirect.gather [hbm4b:s4+s17], $0x80, s28, s17, $0xb8;
	[tilespmem:$0x1E800] =	vst v63  }
0x2c: {  	_ =	swait.ge [sflag:s21], $0x4000  }
0x2d: {  	[sflag:s21] =	ssyncset.done $0x0  }
0x2e: {  	s28 =	simm.s32 $0x1480;
	[sflag:s21] =	ssyncadd.s32 $0xFFFFC000  }
0x2f: {  	[spmem:s2] =	stream.indirect.scatter.add.f32 [tilespmem:s19], [sflag:$0x3], $0x80, s28, s17, $0xb8;
	[tilespmem:$0x1E800] =	vst v63  }
0x30: {  	p0 =	por p1, p1;
	_ =	swait.ge [sflag:s15], $0x4000  }
0x31: {  	s29 =	simm.s32 $0x800;
	s28 =	simm.s32 $0x100;
	[sflag:s15] =	ssyncset.done $0x0  }
.LBB2_3:
0x32: {  	s30 =	sadd.s32 $0x80, s28  }
0x33: {  	[sflag:s15] =	ssyncadd.s32 $0xFFFFC000;
	s31 =	smov.u32 s29;
	s0 =	sadd.s32 $0x400, s29  }
0x34: {  	[tilespmem:s19], [sflag:$0x2] =	stream.indirect.gather [hbm4b:s4+s17], $0x80, s30, s17, $0xb8;
	[tilespmem:$0x1E800] =	vst v63  }
0x35: {  	p1 =	sne.s32 s29, $0x4800;
	_ =	swait.ge [sflag:s20], $0x4000  }
0x36: {  	[sflag:s20] =	ssyncset.done $0x0  }
0x37: {  	s29 =	sadd.s32 $0x1400, s28;
	[sflag:s20] =	ssyncadd.s32 $0xFFFFC000  }
0x38: {  	[spmem:s2] =	stream.indirect.scatter.add.f32 [tilespmem:s18], [sflag:$0x3], $0x80, s29, s17, $0xb8;
	[tilespmem:$0x1E800] =	vst v63  }
0x39: {  	_ =	swait.ge [sflag:s15], $0x4000  }
0x3a: {  	[sflag:s15] =	ssyncset.done $0x0  }
0x3b: {  	s29 =	sadd.s32 $0x100, s28;
	[sflag:s15] =	ssyncadd.s32 $0xFFFFC000  }
0x3c: {  	[tilespmem:s18], [sflag:$0x1] =	stream.indirect.gather [hbm4b:s4+s17], $0x80, s29, s17, $0xb8;
	[tilespmem:$0x1E800] =	vst v63  }
0x3d: {  	_ =	swait.ge [sflag:s21], $0x4000  }
.Ltmp0:
0x3e: {  	[sflag:s21] =	ssyncset.done $0x0;
	(pc) =	sbr.rel @p1 .LBB2_3-.Ltmp0, $4  }
0x3f: {  	s28 =	sadd.s32 $0x1480, s28;
	[sflag:s21] =	ssyncadd.s32 $0xFFFFC000  }
0x40: {  	[spmem:s2] =	stream.indirect.scatter.add.f32 [tilespmem:s19], [sflag:$0x3], $0x80, s28, s17, $0xb8;
	[tilespmem:$0x1E800] =	vst v63  }
0x41: {  	_ =	swait.ge [sflag:s15], $0x4000  }
0x42: {  	s29 =	smov.u32 s0;
	s28 =	sshra.s32 s31, $0x2;
	[sflag:s15] =	ssyncset.done $0x0  }
0x43: {  	s0 =	sadd.s32 $0x80, s28;
	[sflag:s15] =	ssyncadd.s32 $0xFFFFC000  }
0x44: {  	[tilespmem:s19], [sflag:$0x2] =	stream.indirect.gather [hbm4b:s4+s17], $0x80, s0, s17, $0xb8;
	[tilespmem:$0x1E800] =	vst v63  }
0x45: {  	_ =	swait.ge [sflag:s20], $0x4000  }
0x46: {  	[sflag:s20] =	ssyncset.done $0x0  }
0x47: {  	s30 =	sadd.s32 $0x1400, s28;
	[sflag:s20] =	ssyncadd.s32 $0xFFFFC000  }
0x48: {  	[spmem:s2] =	stream.indirect.scatter.add.f32 [tilespmem:s18], [sflag:$0x3], $0x80, s30, s17, $0xb8;
	[tilespmem:$0x1E800] =	vst v63  }
0x49: {  	_ =	swait.ge [sflag:s15], $0x4000  }
0x4a: {  	[sflag:s15] =	ssyncset.done $0x0  }
0x4b: {  	s31 =	sadd.s32 $0x100, s28;
	[sflag:s15] =	ssyncadd.s32 $0xFFFFC000  }
0x4c: {  	[tilespmem:s18], [sflag:$0x1] =	stream.indirect.gather [hbm4b:s4+s17], $0x80, s31, s17, $0xb8;
	[tilespmem:$0x1E800] =	vst v63  }
0x4d: {  	_ =	swait.ge [sflag:s21], $0x4000  }
0x4e: {  	[sflag:s21] =	ssyncset.done $0x0  }
0x4f: {  	s29 =	sadd.s32 $0x1480, s28;
	[sflag:s21] =	ssyncadd.s32 $0xFFFFC000  }
0x50: {  	[spmem:s2] =	stream.indirect.scatter.add.f32 [tilespmem:s19], [sflag:$0x3], $0x80, s29, s17, $0xb8;
	[tilespmem:$0x1E800] =	vst v63  }
0x51: {  	_ =	swait.ge [sflag:s15], $0x4000  }
0x52: {  	[sflag:s15] =	ssyncset.done $0x0  }
0x53: {  	[sflag:s15] =	ssyncadd.s32 $0xFFFFC000  }
0x54: {  	[tilespmem:s19], [sflag:$0x2] =	stream.indirect.gather [hbm4b:s4+s17], $0x80, s22, s17, $0xb8;
	[tilespmem:$0x1E800] =	vst v63  }
0x55: {  	_ =	swait.ge [sflag:s20], $0x4000  }
0x56: {  	[sflag:s20] =	ssyncset.done $0x0  }
0x57: {  	[sflag:s20] =	ssyncadd.s32 $0xFFFFC000  }
0x58: {  	[spmem:s2] =	stream.indirect.scatter.add.f32 [tilespmem:s18], [sflag:$0x3], $0x80, s23, s17, $0xb8;
	[tilespmem:$0x1E800] =	vst v63  }
0x59: {  	_ =	swait.ge [sflag:s15], $0x4000  }
0x5a: {  	[sflag:s15] =	ssyncset.done $0x0  }
0x5b: {  	[sflag:s15] =	ssyncadd.s32 $0xFFFFC000  }
0x5c: {  	_ =	swait.ge [sflag:s21], $0x4000  }
0x5d: {  	[sflag:s21] =	ssyncset.done $0x0  }
0x5e: {  	[sflag:s21] =	ssyncadd.s32 $0xFFFFC000  }
0x5f: {  	[spmem:s2] =	stream.indirect.scatter.add.f32 [tilespmem:s19], [sflag:$0x3], $0x80, s24, s17, $0xb8;
	[tilespmem:$0x1E800] =	vst v63  }
0x60: {  	_ =	swait.ge [sflag:s15], $0x4000  }
0x61: {  	[sflag:s15] =	ssyncset.done $0x0  }
0x62: {  	s30 =	sadd.s32 $0x280, s26;
	s31 =	simm.s32 $0x0;
	[sflag:s15] =	ssyncadd.s32 $0xFFFFC000  }
0x63: {  	[tilespmem:s31], [sflag:$0x3] =	stream.linear.gather [hbm4b:s30+s31], $0x1400, $0x38;
	[tilespmem:$0x1E800] =	vst v63  }
0x64: {  	_ =	swait.ge [sflag:s15], $0x1400  }
0x65: {  	[sflag:s15] =	ssyncset.done $0x0  }
0x66: {  	[sflag:s15] =	ssyncadd.s32 $0xFFFFEC00  }
0x67: {  	[tilespmem:s16], [sflag:$0x3] =	stream.linear.gather [hbm4b:s13+s31], $0x1400, $0x38;
	[tilespmem:$0x1E800] =	vst v63  }
0x68: {  	_ =	swait.ge [sflag:s15], $0x1400  }
0x69: {  	[sflag:s15] =	ssyncset.done $0x0  }
0x6a: {  	[sflag:s15] =	ssyncadd.s32 $0xFFFFEC00  }
0x6b: {  	[tilespmem:s18], [sflag:$0x1] =	stream.indirect.gather [hbm4b:s4+s17], $0x80, s31, s17, $0xb8;
	[tilespmem:$0x1E800] =	vst v63  }
0x6c: {  	s26 =	simm.s32 $0x80  }
0x6d: {  	[tilespmem:s19], [sflag:$0x2] =	stream.indirect.gather [hbm4b:s4+s17], $0x80, s26, s17, $0xb8;
	[tilespmem:$0x1E800] =	vst v63  }
0x6e: {  	_ =	swait.ge [sflag:s20], $0x4000  }
0x6f: {  	[sflag:s20] =	ssyncset.done $0x0  }
0x70: {  	s29 =	simm.s32 $0x1400;
	[sflag:s20] =	ssyncadd.s32 $0xFFFFC000  }
0x71: {  	[spmem:s2] =	stream.indirect.scatter.add.f32 [tilespmem:s18], [sflag:$0x3], $0x80, s29, s17, $0xb8;
	[tilespmem:$0x1E800] =	vst v63  }
0x72: {  	_ =	swait.ge [sflag:s15], $0x4000  }
0x73: {  	[sflag:s15] =	ssyncset.done $0x0  }
0x74: {  	s30 =	simm.s32 $0x100;
	[sflag:s15] =	ssyncadd.s32 $0xFFFFC000  }
0x75: {  	[tilespmem:s18], [sflag:$0x1] =	stream.indirect.gather [hbm4b:s4+s17], $0x80, s30, s17, $0xb8;
	[tilespmem:$0x1E800] =	vst v63  }
0x76: {  	_ =	swait.ge [sflag:s21], $0x4000  }
0x77: {  	[sflag:s21] =	ssyncset.done $0x0  }
0x78: {  	s31 =	simm.s32 $0x1480;
	[sflag:s21] =	ssyncadd.s32 $0xFFFFC000  }
0x79: {  	[spmem:s2] =	stream.indirect.scatter.add.f32 [tilespmem:s19], [sflag:$0x3], $0x80, s31, s17, $0xb8;
	[tilespmem:$0x1E800] =	vst v63  }
0x7a: {  	_ =	swait.ge [sflag:s15], $0x4000  }
0x7b: {  	s28 =	simm.s32 $0x800;
	s26 =	simm.s32 $0x100;
	[sflag:s15] =	ssyncset.done $0x0  }
.LBB2_5:
0x7c: {  	s0 =	sadd.s32 $0x80, s26  }
0x7d: {  	[sflag:s15] =	ssyncadd.s32 $0xFFFFC000;
	s29 =	smov.u32 s28;
	s30 =	sadd.s32 $0x400, s28  }
0x7e: {  	[tilespmem:s19], [sflag:$0x2] =	stream.indirect.gather [hbm4b:s4+s17], $0x80, s0, s17, $0xb8;
	[tilespmem:$0x1E800] =	vst v63  }
0x7f: {  	p1 =	sne.s32 s28, $0x4800;
	_ =	swait.ge [sflag:s20], $0x4000  }
0x80: {  	[sflag:s20] =	ssyncset.done $0x0  }
0x81: {  	s0 =	sadd.s32 $0x1400, s26;
	[sflag:s20] =	ssyncadd.s32 $0xFFFFC000  }
0x82: {  	[spmem:s2] =	stream.indirect.scatter.add.f32 [tilespmem:s18], [sflag:$0x3], $0x80, s0, s17, $0xb8;
	[tilespmem:$0x1E800] =	vst v63  }
0x83: {  	_ =	swait.ge [sflag:s15], $0x4000  }
0x84: {  	[sflag:s15] =	ssyncset.done $0x0  }
0x85: {  	s0 =	sadd.s32 $0x100, s26;
	[sflag:s15] =	ssyncadd.s32 $0xFFFFC000  }
0x86: {  	[tilespmem:s18], [sflag:$0x1] =	stream.indirect.gather [hbm4b:s4+s17], $0x80, s0, s17, $0xb8;
	[tilespmem:$0x1E800] =	vst v63  }
0x87: {  	_ =	swait.ge [sflag:s21], $0x4000  }
.Ltmp1:
0x88: {  	[sflag:s21] =	ssyncset.done $0x0;
	(pc) =	sbr.rel @p1 .LBB2_5-.Ltmp1, $4  }
0x89: {  	s0 =	sadd.s32 $0x1480, s26;
	[sflag:s21] =	ssyncadd.s32 $0xFFFFC000  }
0x8a: {  	[spmem:s2] =	stream.indirect.scatter.add.f32 [tilespmem:s19], [sflag:$0x3], $0x80, s0, s17, $0xb8;
	[tilespmem:$0x1E800] =	vst v63  }
0x8b: {  	_ =	swait.ge [sflag:s15], $0x4000  }
0x8c: {  	s28 =	smov.u32 s30;
	s26 =	sshra.s32 s29, $0x2;
	[sflag:s15] =	ssyncset.done $0x0  }
0x8d: {  	s0 =	sadd.s32 $0x80, s26;
	[sflag:s15] =	ssyncadd.s32 $0xFFFFC000  }
0x8e: {  	[tilespmem:s19], [sflag:$0x2] =	stream.indirect.gather [hbm4b:s4+s17], $0x80, s0, s17, $0xb8;
	[tilespmem:$0x1E800] =	vst v63  }
0x8f: {  	_ =	swait.ge [sflag:s20], $0x4000  }
0x90: {  	[sflag:s20] =	ssyncset.done $0x0  }
0x91: {  	s28 =	sadd.s32 $0x1400, s26;
	[sflag:s20] =	ssyncadd.s32 $0xFFFFC000  }
0x92: {  	[spmem:s2] =	stream.indirect.scatter.add.f32 [tilespmem:s18], [sflag:$0x3], $0x80, s28, s17, $0xb8;
	[tilespmem:$0x1E800] =	vst v63  }
0x93: {  	_ =	swait.ge [sflag:s15], $0x4000  }
0x94: {  	[sflag:s15] =	ssyncset.done $0x0  }
0x95: {  	s29 =	sadd.s32 $0x100, s26;
	[sflag:s15] =	ssyncadd.s32 $0xFFFFC000  }
0x96: {  	[tilespmem:s18], [sflag:$0x1] =	stream.indirect.gather [hbm4b:s4+s17], $0x80, s29, s17, $0xb8;
	[tilespmem:$0x1E800] =	vst v63  }
0x97: {  	_ =	swait.ge [sflag:s21], $0x4000  }
0x98: {  	[sflag:s21] =	ssyncset.done $0x0  }
0x99: {  	s30 =	sadd.s32 $0x1480, s26;
	[sflag:s21] =	ssyncadd.s32 $0xFFFFC000  }
0x9a: {  	[spmem:s2] =	stream.indirect.scatter.add.f32 [tilespmem:s19], [sflag:$0x3], $0x80, s30, s17, $0xb8;
	[tilespmem:$0x1E800] =	vst v63  }
0x9b: {  	_ =	swait.ge [sflag:s15], $0x4000  }
0x9c: {  	[sflag:s15] =	ssyncset.done $0x0  }
0x9d: {  	s26 =	simm.s32 $0x1;
	[sflag:s15] =	ssyncadd.s32 $0xFFFFC000  }
0x9e: {  	[tilespmem:s19], [sflag:$0x2] =	stream.indirect.gather [hbm4b:s4+s17], $0x80, s22, s17, $0xb8;
	[tilespmem:$0x1E800] =	vst v63  }
0x9f: {  	_ =	swait.ge [sflag:s26], $0x4000  }
0xa0: {  	[sflag:s26] =	ssyncset.done $0x0  }
0xa1: {  	[sflag:s26] =	ssyncadd.s32 $0xFFFFC000  }
0xa2: {  	[spmem:s2] =	stream.indirect.scatter.add.f32 [tilespmem:s18], [sflag:$0x3], $0x80, s23, s17, $0xb8;
	[tilespmem:$0x1E800] =	vst v63  }
0xa3: {  	_ =	swait.ge [sflag:s15], $0x4000  }
0xa4: {  	[sflag:s15] =	ssyncset.done $0x0  }
0xa5: {  	[sflag:s15] =	ssyncadd.s32 $0xFFFFC000  }
0xa6: {  	_ =	swait.ge [sflag:s21], $0x4000  }
0xa7: {  	[sflag:s21] =	ssyncset.done $0x0  }
0xa8: {  	s31 =	smul.u32 $0x2800, s25;
	[sflag:s21] =	ssyncadd.s32 $0xFFFFC000  }
0xa9: {  	[spmem:s2] =	stream.indirect.scatter.add.f32 [tilespmem:s19], [sflag:$0x3], $0x80, s24, s17, $0xb8;
	[tilespmem:$0x1E800] =	vst v63  }
0xaa: {  	_ =	swait.ge [sflag:s15], $0x4000  }
0xab: {  	s0 =	sadd.s32 s7, s31;
	[sflag:s15] =	ssyncset.done $0x0  }
0xac: {  	s0 =	sshll.u32 s0, $0x4;
	[sflag:s15] =	ssyncadd.s32 $0xFFFFC000  }
.Ltmp2:
0xad: {  	s0 =	sadd.s32 s6, s0;
	[bflag:$0x0] =	sbarrier.arrive $0xFFFF;
	(pc) =	sbr.rel @p0 .LBB2_2-.Ltmp2, $4  }
0xae: {  	[hbm:s0], [sflag:s10] =	dma.local [spmem:s14], $0x2800  }
0xaf: {  	_ =	swait.ge [sflag:s15], $0x2800  }
0xb0: {  	[sflag:s15] =	ssyncset.done $0x0  }
0xb1: {  	p1 =	por $0x0, $0x0;
	[sflag:s15] =	ssyncadd.s32 $0xFFFFD800  }
0xb2: {  	s3 =	sadd.s32 $0x1, s3  }
0xb3: {  	p0 =	sne.s32 s3, s11  }
.Ltmp3:
0xb4: {  	_ = 	snop;
	(pc) =	sbr.rel @p0 .LBB2_1-.Ltmp3, $1  }
0xb5: {  	_ =	sdelay $0x3  }
0xb6: {  	_ =	sfence.sel $0x180000  }
0xb7: {  	[bflag:$0x0] =	sbarrier.arrive $0xFFFF  }
0xb8: {  	_ =	strace $0x9000004A  }
0xb9: {  	[bflag:$0x2] =	sbarrier.arrive $0xFFFF  }
0xba: {  	p0 =	sne.s32 s1, $0x0;
	s0 =	rddreg [dreg:$0x3]  }
0xbb: {  	s0 =	sadd.s32 @!p0 $0x100000, s0  }
0xbc: {  	[sflag:s0] =	ssyncadd.tile.s32 @!p0 $0x1;
	_ =	shalt  }
.Lfunc_end2:
_tile_overlayer_lowered:
.L_overlay_start_2:
0xbd: {  	(tag) =	ssettag $0x2  }
0xbe: {  	s0 =	rddreg [dreg:$0x0];
	s2 =	stileid.u32  }
0xbf: {  	s1 =	rddreg [dreg:$0x1];
	p0 =	sne.s32 s2, $0x0  }
0xc0: {  	s3 =	rddreg [dreg:$0x2];
	[bflag:$0x3] =	sbarrier.arrive $0xFFFF;
	s2 =	simm.s32 @!p0 $0x1C03  }
0xc1: {  	[timem:s3], [sflag:s2] =	dma.local @!p0 [hbm:s0], s1  }
0xc2: {  	s0 =	simm.s32 @!p0 $0x3  }
0xc3: {  	_ =	swait.ge @!p0 [sflag:s0], s1  }
0xc4: {  	s1 =	ssub.s32 @!p0 $0x0, s1;
	[sflag:s0] =	ssyncset.done @!p0 $0x0  }
0xc5: {  	[sflag:s0] =	ssyncadd.s32 @!p0 s1  }
0xc6: {  	[bflag:$0x3] =	sbarrier.arrive $0xFFFF  }
0xc7: {  	_ =	shalt  }

// kernel: kernel.19.cloned.1.call-start
scs
__scs_entry_jumppad:
0x0: {  	(pc) =	sbr.rel $0x88, $3  }
0x1: {  	(tag) =	ssettag $0x0;
	lr =	simm.s32 $0x1  }
0x2: {  	[smem:$0x3F96] =	sst lr;
	_ =	strace $0xD0000000  }
0x3: {  	_ = 	snop  }
0x4: {  	_ = 	snop  }
0x5: {  	_ = 	snop  }
0x6: {  	_ = 	snop  }
0x7: {  	_ = 	snop  }
__scs_overlays_trampoline_lowered:
0x8: {  	[smem:$0x3FA5] =	sst s0  }
0x9: {  	[smem:$0x3FA6] =	sst s1  }
0xa: {  	[smem:$0x3FA7] =	sst s2  }
0xb: {  	[smem:$0x3FA8] =	sst s3  }
0xc: {  	[smem:$0x3FA9] =	sst s4  }
0xd: {  	[smem:$0x3FAA] =	sst s5  }
0xe: {  	[smem:$0x3FAB] =	sst s6  }
0xf: {  	[smem:$0x3FAC] =	sst s7  }
0x10: {  	[smem:$0x3FAD] =	sst s8  }
0x11: {  	[smem:$0x3FAE] =	sst s9;
	s0 =	simm.s32 @!p0 $0x0  }
0x12: {  	s1 =	sld [smem:$0x3F94];
	s0 =	simm.s32 @p0 $0x1  }
0x13: {  	[smem:$0x3FAF] =	sst s0;
	s0 =	simm.s32 @!p1 $0x0  }
0x14: {  	s2 =	sld [smem:$0x3F93];
	s0 =	simm.s32 @p1 $0x1  }
0x15: {  	[smem:$0x3FB0] =	sst s0;
	s0 =	simm.s32 @!p2 $0x0  }
0x16: {  	s3 =	sld [smem:$0x3FDB];
	s0 =	simm.s32 @p2 $0x1  }
0x17: {  	s4 =	simm.s32 $0x1BF5;
	[smem:$0x3FB2] =	sst s0  }
0x18: {  	s0 =	sld [smem:$0x3F95];
	_ =	swait.ge [sflag:s4], $0x0  }
0x19: {  	s7 =	sld [smem:$0x3F96]  }
0x1a: {  	s8 =	sadd.s32 $0xFFFFE003, lr  }
0x1b: {  	s9 =	sadd.s32 $0xFFFFFEF7, lr;
	s5 =	simm.s32 $0xFFFFFFFF;
	p2 =	slt.u32 s8, $0xFFFFF086  }
0x1c: {  	p1 =	slt.u32 s9, $0xF7A;
	s5 =	simm.s32 @!p2 $0x0  }
0x1d: {  	s5 =	simm.s32 @p1 $0x1;
	p0 =	seq.s32 s7, s2  }
0x1e: {  	s7 =	smul.u32 @!p0 $0xF7A, s2;
	p2 =	seq.s32 @!p0 s5, $0x0  }
0x1f: {  	s9 =	smul.u32 $0xF7A, s1;
	s8 =	simm.s32 @!p0 $0x1BF5;
	p2 =	por !p2, p0  }
0x20: {  	[sflag:s8] =	ssyncset.s32 @!p0 $0xFFFFF086;
	s6 =	sadd.s32 @!p0 s3, s7;
	s7 =	simm.s32 @!p0 $0x108  }
0x21: {  	s3 =	sadd.s32 s3, s9;
	s6 =	sadd.s32 @!p0 $0x88, s6;
	s7 =	simm.s32 @p2 $0x1082  }
0x22: {  	[simem:s7], [sflag:s8] =	dma.local @!p0 [hbm:s6], $0xF7A  }
0x23: {  	s9 =	sor.u32 $0xD0000000, s2;
	s6 =	simm.s32 $0x108;
	_ =	swait.ge @!p0 [sflag:s8], $0x0  }
0x24: {  	s3 =	sadd.s32 $0x88, s3;
	s6 =	simm.s32 @!p1 $0x1082;
	[sflag:s4] =	ssyncset.s32 $0xFFFFF086  }
0x25: {  	[simem:s6], [sflag:s4] =	dma.local [hbm:s3], $0xF7A  }
0x26: {  	[smem:$0x3F96] =	sst s1;
	(tag) =	ssettag s2;
	_ =	strace s9  }
0x27: {  	s1 =	sld [smem:$0x3FA6]  }
0x28: {  	s2 =	sld [smem:$0x3FA7]  }
0x29: {  	s4 =	sld [smem:$0x3FA9]  }
0x2a: {  	p0 =	seq.s32 s5, $0x0;
	s5 =	sld [smem:$0x3FAA]  }
0x2b: {  	s6 =	sld [smem:$0x3FAB]  }
0x2c: {  	s7 =	sld [smem:$0x3FAC]  }
0x2d: {  	s3 =	simm.s32 $0x108;
	s8 =	sld [smem:$0x3FAD]  }
0x2e: {  	s3 =	simm.s32 @!p0 $0x1082;
	s9 =	sld [smem:$0x3FAE]  }
0x2f: {  	lr =	sadd.s32 s0, s3;
	s0 =	sld [smem:$0x3FA5]  }
0x30: {  	s3 =	sld [smem:$0x3FA8]  }
0x31: {  	[smem:$0x3FB1] =	sst s10  }
0x32: {  	s10 =	sld [smem:$0x3FAF];
	_ =	sdelay $0x3  }
0x33: {  	p0 =	seq.s32 s10, $0x1;
	s10 =	sld [smem:$0x3FB1];
	_ =	sdelay $0x3  }
0x34: {  	[smem:$0x3FB1] =	sst s10  }
0x35: {  	s10 =	sld [smem:$0x3FB0];
	_ =	sdelay $0x3  }
0x36: {  	p1 =	seq.s32 s10, $0x1;
	s10 =	sld [smem:$0x3FB1];
	_ =	sdelay $0x3  }
0x37: {  	[smem:$0x3FB1] =	sst s10  }
0x38: {  	s10 =	sld [smem:$0x3FB2]  }
0x39: {  	_ = 	snop;
	(pc) =	sbr.ind lr, $3  }
0x3a: {  	_ = 	snop  }
0x3b: {  	_ = 	snop  }
0x3c: {  	p2 =	seq.s32 s10, $0x1;
	s10 =	sld [smem:$0x3FB1]  }
0x3d: {  	_ =	shalt  }
0x3e: {  	_ =	shalt  }
0x3f: {  	_ =	shalt  }
0x40: {  	_ =	shalt  }
0x41: {  	_ =	shalt  }
0x42: {  	_ =	shalt  }
0x43: {  	_ =	shalt  }
0x44: {  	_ =	shalt  }
0x45: {  	_ =	shalt  }
0x46: {  	_ =	shalt  }
0x47: {  	_ =	shalt  }
0x48: {  	_ =	shalt  }
0x49: {  	_ =	shalt  }
0x4a: {  	_ =	shalt  }
0x4b: {  	_ =	shalt  }
0x4c: {  	_ =	shalt  }
0x4d: {  	_ =	shalt  }
0x4e: {  	_ =	shalt  }
0x4f: {  	_ =	shalt  }
0x50: {  	_ =	shalt  }
0x51: {  	_ =	shalt  }
0x52: {  	_ =	shalt  }
0x53: {  	_ =	shalt  }
0x54: {  	_ =	shalt  }
0x55: {  	_ =	shalt  }
0x56: {  	_ =	shalt  }
0x57: {  	_ =	shalt  }
0x58: {  	_ =	shalt  }
0x59: {  	_ =	shalt  }
0x5a: {  	_ =	shalt  }
0x5b: {  	_ =	shalt  }
0x5c: {  	_ =	shalt  }
0x5d: {  	_ =	shalt  }
0x5e: {  	_ =	shalt  }
0x5f: {  	_ =	shalt  }
0x60: {  	_ =	shalt  }
0x61: {  	_ =	shalt  }
0x62: {  	_ =	shalt  }
0x63: {  	_ =	shalt  }
0x64: {  	_ =	shalt  }
0x65: {  	_ =	shalt  }
0x66: {  	_ =	shalt  }
0x67: {  	_ =	shalt  }
0x68: {  	_ =	shalt  }
0x69: {  	_ =	shalt  }
0x6a: {  	_ =	shalt  }
0x6b: {  	_ =	shalt  }
0x6c: {  	_ =	shalt  }
0x6d: {  	_ =	shalt  }
0x6e: {  	_ =	shalt  }
0x6f: {  	_ =	shalt  }
0x70: {  	_ =	shalt  }
0x71: {  	_ =	shalt  }
0x72: {  	_ =	shalt  }
0x73: {  	_ =	shalt  }
0x74: {  	_ =	shalt  }
0x75: {  	_ =	shalt  }
0x76: {  	_ =	shalt  }
0x77: {  	_ =	shalt  }
0x78: {  	_ =	shalt  }
0x79: {  	_ =	shalt  }
0x7a: {  	_ =	shalt  }
0x7b: {  	_ =	shalt  }
0x7c: {  	_ =	shalt  }
0x7d: {  	_ =	shalt  }
0x7e: {  	_ =	shalt  }
0x7f: {  	_ =	shalt  }
0x80: {  	_ =	shalt  }
0x81: {  	_ =	shalt  }
0x82: {  	_ =	shalt  }
0x83: {  	_ =	shalt  }
0x84: {  	_ =	shalt  }
0x85: {  	_ =	shalt  }
0x86: {  	_ =	shalt  }
0x87: {  	_ =	shalt  }
.Lfunc_end0:
.L_simem_size_0:
called_computation.2_lowered:
.L_overlay_start_0:
0x88: {  	s2 =	sld [smem:$0x3FD9]  }
0x89: {  	s3 =	sld [smem:$0x3FFE];
	_ =	sdelay $0x1  }
0x8a: {  	s1 =	srdreg.scid  }
0x8b: {  	s0 =	sand.u32 $0x1, s1  }
0x8c: {  	s17 =	sshll.u32 s0, $0xA;
	s2 =	sadd.s32 s3, s2  }
0x8d: {  	s2 =	sadd.s32 s2, s17  }
0x8e: {  	[smem:$0x3FBD] =	sst s2  }
0x8f: {  	_ = 	snop  }
0x90: {  	s2 =	sld [smem:$0x3FD0];
	(tm) =	ssettm $0x1  }
0x91: {  	s18 =	sld [smem:$0x3FFB];
	_ =	sdelay $0x3  }
0x92: {  	_ =	strace s18  }
0x93: {  	s3 =	sld [smem:$0x3FFC];
	_ =	sdelay $0x3  }
0x94: {  	_ =	strace s3  }
0x95: {  	s3 =	sld [smem:$0x3FFD];
	_ =	sdelay $0x3  }
0x96: {  	_ =	strace s3  }
0x97: {  	_ =	strace $0x8FFFFFFF  }
0x98: {  	s19 =	sld [smem:$0x3FDB];
	_ =	sdelay $0x1  }
0x99: {  	s4 =	simm.s32 $_scs_section_size  }
0x9a: {  	s5 =	simm.s32 $_size__tile_overlayer_lowered;
	s6 =	simm.s32 $_tile_overlayer_lowered  }
0x9b: {  	s22 =	simm.s32 $0x1BFF;
	s21 =	sshll.u32 s6, $0x1;
	s3 =	sadd.s32 s4, s19  }
0x9c: {  	s7 =	simm.s32 $0x0;
	s20 =	sshll.u32 s5, $0x1;
	s5 =	sadd.s32 s21, s3  }
0x9d: {  	[timem:s7], [sflag:s22] =	dma.local [hbm:s5], s20  }
0x9e: {  	_ =	swait.ge [sflag:s22], s20  }
0x9f: {  	s4 =	ssub.s32 $0x0, s20;
	[sflag:s22] =	ssyncset.done $0x0  }
0xa0: {  	[sflag:s22] =	ssyncadd.s32 s4;
	_ =	sdelay $0x1  }
0xa1: {  	s23 =	simm.s32 $0x1B8B  }
0xa2: {  	_ =	swait.ge [sflag:s23], $0x1  }
0xa3: {  	[sflag:s23] =	ssyncset.done $0x0  }
0xa4: {  	s25 =	simm.s32 $0x1B8E;
	s24 =	sld [smem:$0x3FFE];
	[sflag:s23] =	ssyncadd.s32 $0xFFFFFFFF  }
0xa5: {  	s26 =	simm.s32 $execute0_lowered;
	[smem:$0x3FD2] =	sst s25  }
0xa6: {  	s5 =	sshll.u32 s26, $0x1;
	_ =	strace $0x8000004C;
	[dreg:$0x1] =	wrdreg $0xFFFFFFFF  }
0xa7: {  	s28 =	simm.s32 $_size_execute0_lowered;
	s3 =	sadd.s32 s3, s5;
	[dreg:$0x0] =	wrdreg $0x0  }
0xa8: {  	s5 =	sshll.u32 s28, $0x1;
	[dreg:$0x2] =	wrdreg s3  }
0xa9: {  	[dreg:$0x3] =	wrdreg s5  }
0xaa: {  	[dreg:$0x4] =	wrdreg $0xC0  }
0xab: {  	_ =	task [dreg:s7], $0x5FFFF  }
0xac: {  	[dreg:$0x1] =	wrdreg $0xFFFFFFFF  }
0xad: {  	[dreg:$0x0] =	wrdreg $0x60  }
0xae: {  	[dreg:$0x2] =	wrdreg s24  }
0xaf: {  	[dreg:$0x3] =	wrdreg s2  }
0xb0: {  	[dreg:$0x4] =	wrdreg $0xA8000  }
0xb1: {  	[dreg:$0x5] =	wrdreg $0x9  }
0xb2: {  	_ =	task.clear_ibuf [dreg:s7], $0x6FFFF;
	_ =	strace $0x9000004C  }
0xb3: {  	s29 =	simm.s32 $0x9;
	_ =	strace $0x8000004E  }
0xb4: {  	_ =	swait.ge [sflag:s29], $0x1  }
0xb5: {  	[sflag:s29] =	ssyncadd.s32 $0xFFFFFFFF  }
0xb6: {  	_ =	strace $0x9000004E  }
0xb7: {  	_ =	sfence  }
0xb8: {  	s30 =	sld [smem:$0x0];
	_ =	sdelay $0x2  }
0xb9: {  	s31 =	sshll.u32 s1, $0xD;
	s1 =	sshrl.u32 s1, $0x2  }
0xba: {  	s3 =	sand.u32 $0x4000, s31;
	s1 =	sadd.s32 s1, s30  }
0xbb: {  	s0 =	sor.u32 s3, s0;
	s1 =	sshll.u32 s1, $0x11  }
0xbc: {  	s0 =	sor.u32 s1, s0  }
0xbd: {  	s0 =	sadd.s32 $0x8F2B, s0  }
0xbe: {  	[sflag:s0] =	ssyncadd.remote.s32 $0x1  }
0xbf: {  	_ =	sfence.sel $0xFFFF  }
0xc0: {  	[dreg:$0x0] =	wrdreg $0xFFFFFFFF;
	(pc) =	sbr.abs _section_cstart, $3  }
0xc1: {  	[dreg:$0x1] =	wrdreg $0xFFFFFFFF  }
0xc2: {  	_ =	task.clear_ibuf [dreg:s7], $0x2FFFF;
	_ =	strace $0x9FFFFFFF  }
0xc3: {  	(tm) =	ssettm $0x7FFFFFFF  }
tec
execute0_lowered:
.L_overlay_start_1:
0x0: {  	(tag) =	ssettag $0x1  }
0x1: {  	s6 =	rddreg [dreg:$0x0]  }
0x2: {  	s9 =	rddreg [dreg:$0x1]  }
0x3: {  	s2 =	rddreg [dreg:$0x2];
	s3 =	simm.s32 $0x0  }
0x4: {  	s1 =	stileid.u32;
	s4 =	srdreg.scid;
	s16 =	simm.s32 $0x1400  }
0x5: {  	s17 =	simm.s32 $0x80;
	s18 =	simm.s32 $0x2800;
	s19 =	simm.s32 $0x6800  }
0x6: {  	s20 =	simm.s32 $0x1;
	s21 =	simm.s32 $0x2;
	s22 =	simm.s32 $0x1380  }
0x7: {  	s23 =	simm.s32 $0x2700;
	s24 =	simm.s32 $0x2780;
	[smem:$0x7FF] =	sst s3  }
0x8: {  	s10 =	smul.u32 $0x2800, s1;
	s8 =	sand.u32 $0x1, s4;
	s4 =	sadd.s32 $0xBD400, s6  }
0x9: {  	s5 =	sadd.s32 $0x9400, s6;
	s13 =	smul.u32 $0x50000, s1;
	s31 =	sshll.u32 s1, $0x6  }
0xa: {  	_ =	strace $0x8000004D;
	s7 =	ssub.s32 $0x2, s8;
	s8 =	sshll.u32 s8, $0x1  }
0xb: {  	s11 =	sshrl.u32 s10, $0x3;
	s12 =	sshrl.u32 s7, $0x1;
	s30 =	sshrl.u32 s13, $0x2  }
0xc: {  	s9 =	sadd.s32 s9, s10;
	s10 =	sor.u32 $0x1C03, s31;
	s14 =	sadd.s32 s11, s6  }
0xd: {  	s6 =	sadd.s32 $0x1D400, s6;
	s29 =	ssub.s32 s7, s12;
	s7 =	smul.u32 $0x280, s1  }
0xe: {  	s15 =	sadd.s32 s30, s2;
	s11 =	smax.u32 s29, $0x1;
	s12 =	sadd.s32 $0x4400, s14  }
0xf: {  	s13 =	sadd.s32 $0x4680, s14;
	s14 =	sshrl.u32 s15, $0x3;
	s15 =	simm.s32 $0x3  }
.LBB2_1:
0x10: {  	p1 =	por $0x1, $0x1;
	s26 =	simm.s32 $0x0  }
.LBB2_2:
0x11: {  	s25 =	sor.u32 s8, s26  }
0x12: {  	[spmem:s14], [sflag:s10] =	dma.local [hbm:s9], $0x2800  }
0x13: {  	s26 =	sshll.u32 s25, $0x4  }
0x14: {  	s26 =	sor.u32 s1, s26  }
0x15: {  	_ =	swait.ge [sflag:s15], $0x2800;
	s26 =	smul.u32 $0x2800, s26  }
0x16: {  	[sflag:s15] =	ssyncset.done $0x0  }
0x17: {  	[sflag:s15] =	ssyncadd.s32 $0xFFFFD800;
	s26 =	sshrl.u32 s26, $0x3  }
0x18: {  	s28 =	simm.s32 $0x0;
	[bflag:$0x0] =	sbarrier.arrive $0xFFFF;
	s26 =	sadd.s32 s5, s26  }
0x19: {  	[tilespmem:s28], [sflag:$0x3] =	stream.linear.gather [hbm4b:s26+s28], $0x1400, $0x38;
	[tilespmem:$0x1E800] =	vst v63  }
0x1a: {  	_ =	swait.ge [sflag:s15], $0x1400  }
0x1b: {  	[sflag:s15] =	ssyncset.done $0x0  }
0x1c: {  	[sflag:s15] =	ssyncadd.s32 $0xFFFFEC00  }
0x1d: {  	[tilespmem:s16], [sflag:$0x3] =	stream.linear.gather [hbm4b:s12+s28], $0x1400, $0x38;
	[tilespmem:$0x1E800] =	vst v63  }
0x1e: {  	_ =	swait.ge [sflag:s15], $0x1400  }
0x1f: {  	[sflag:s15] =	ssyncset.done $0x0  }
0x20: {  	[sflag:s15] =	ssyncadd.s32 $0xFFFFEC00  }
0x21: {  	[tilespmem:s18], [sflag:$0x1] =	stream.indirect.gather [hbm4b:s4+s17], $0x80, s28, s17, $0xb8;
	[tilespmem:$0x1E800] =	vst v63  }
0x22: {  	s28 =	simm.s32 $0x80  }
0x23: {  	[tilespmem:s19], [sflag:$0x2] =	stream.indirect.gather [hbm4b:s4+s17], $0x80, s28, s17, $0xb8;
	[tilespmem:$0x1E800] =	vst v63  }
0x24: {  	_ =	swait.ge [sflag:s20], $0x4000  }
0x25: {  	[sflag:s20] =	ssyncset.done $0x0  }
0x26: {  	s28 =	simm.s32 $0x1400;
	[sflag:s20] =	ssyncadd.s32 $0xFFFFC000  }
0x27: {  	[spmem:s2] =	stream.indirect.scatter.add.f32 [tilespmem:s18], [sflag:$0x3], $0x80, s28, s17, $0xb8;
	[tilespmem:$0x1E800] =	vst v63  }
0x28: {  	_ =	swait.ge [sflag:s15], $0x4000  }
0x29: {  	[sflag:s15] =	ssyncset.done $0x0  }
0x2a: {  	s28 =	simm.s32 $0x100;
	[sflag:s15] =	ssyncadd.s32 $0xFFFFC000  }
0x2b: {  	[tilespmem:s18], [sflag:$0x1] =	stream.indirect.gather [hbm4b:s4+s17], $0x80, s28, s17, $0xb8;
	[tilespmem:$0x1E800] =	vst v63  }
0x2c: {  	_ =	swait.ge [sflag:s21], $0x4000  }
0x2d: {  	[sflag:s21] =	ssyncset.done $0x0  }
0x2e: {  	s28 =	simm.s32 $0x1480;
	[sflag:s21] =	ssyncadd.s32 $0xFFFFC000  }
0x2f: {  	[spmem:s2] =	stream.indirect.scatter.add.f32 [tilespmem:s19], [sflag:$0x3], $0x80, s28, s17, $0xb8;
	[tilespmem:$0x1E800] =	vst v63  }
0x30: {  	p0 =	por p1, p1;
	_ =	swait.ge [sflag:s15], $0x4000  }
0x31: {  	s29 =	simm.s32 $0x800;
	s28 =	simm.s32 $0x100;
	[sflag:s15] =	ssyncset.done $0x0  }
.LBB2_3:
0x32: {  	s30 =	sadd.s32 $0x80, s28  }
0x33: {  	[sflag:s15] =	ssyncadd.s32 $0xFFFFC000;
	s31 =	smov.u32 s29;
	s0 =	sadd.s32 $0x400, s29  }
0x34: {  	[tilespmem:s19], [sflag:$0x2] =	stream.indirect.gather [hbm4b:s4+s17], $0x80, s30, s17, $0xb8;
	[tilespmem:$0x1E800] =	vst v63  }
0x35: {  	p1 =	sne.s32 s29, $0x4800;
	_ =	swait.ge [sflag:s20], $0x4000  }
0x36: {  	[sflag:s20] =	ssyncset.done $0x0  }
0x37: {  	s29 =	sadd.s32 $0x1400, s28;
	[sflag:s20] =	ssyncadd.s32 $0xFFFFC000  }
0x38: {  	[spmem:s2] =	stream.indirect.scatter.add.f32 [tilespmem:s18], [sflag:$0x3], $0x80, s29, s17, $0xb8;
	[tilespmem:$0x1E800] =	vst v63  }
0x39: {  	_ =	swait.ge [sflag:s15], $0x4000  }
0x3a: {  	[sflag:s15] =	ssyncset.done $0x0  }
0x3b: {  	s29 =	sadd.s32 $0x100, s28;
	[sflag:s15] =	ssyncadd.s32 $0xFFFFC000  }
0x3c: {  	[tilespmem:s18], [sflag:$0x1] =	stream.indirect.gather [hbm4b:s4+s17], $0x80, s29, s17, $0xb8;
	[tilespmem:$0x1E800] =	vst v63  }
0x3d: {  	_ =	swait.ge [sflag:s21], $0x4000  }
.Ltmp0:
0x3e: {  	[sflag:s21] =	ssyncset.done $0x0;
	(pc) =	sbr.rel @p1 .LBB2_3-.Ltmp0, $4  }
0x3f: {  	s28 =	sadd.s32 $0x1480, s28;
	[sflag:s21] =	ssyncadd.s32 $0xFFFFC000  }
0x40: {  	[spmem:s2] =	stream.indirect.scatter.add.f32 [tilespmem:s19], [sflag:$0x3], $0x80, s28, s17, $0xb8;
	[tilespmem:$0x1E800] =	vst v63  }
0x41: {  	_ =	swait.ge [sflag:s15], $0x4000  }
0x42: {  	s29 =	smov.u32 s0;
	s28 =	sshra.s32 s31, $0x2;
	[sflag:s15] =	ssyncset.done $0x0  }
0x43: {  	s0 =	sadd.s32 $0x80, s28;
	[sflag:s15] =	ssyncadd.s32 $0xFFFFC000  }
0x44: {  	[tilespmem:s19], [sflag:$0x2] =	stream.indirect.gather [hbm4b:s4+s17], $0x80, s0, s17, $0xb8;
	[tilespmem:$0x1E800] =	vst v63  }
0x45: {  	_ =	swait.ge [sflag:s20], $0x4000  }
0x46: {  	[sflag:s20] =	ssyncset.done $0x0  }
0x47: {  	s30 =	sadd.s32 $0x1400, s28;
	[sflag:s20] =	ssyncadd.s32 $0xFFFFC000  }
0x48: {  	[spmem:s2] =	stream.indirect.scatter.add.f32 [tilespmem:s18], [sflag:$0x3], $0x80, s30, s17, $0xb8;
	[tilespmem:$0x1E800] =	vst v63  }
0x49: {  	_ =	swait.ge [sflag:s15], $0x4000  }
0x4a: {  	[sflag:s15] =	ssyncset.done $0x0  }
0x4b: {  	s31 =	sadd.s32 $0x100, s28;
	[sflag:s15] =	ssyncadd.s32 $0xFFFFC000  }
0x4c: {  	[tilespmem:s18], [sflag:$0x1] =	stream.indirect.gather [hbm4b:s4+s17], $0x80, s31, s17, $0xb8;
	[tilespmem:$0x1E800] =	vst v63  }
0x4d: {  	_ =	swait.ge [sflag:s21], $0x4000  }
0x4e: {  	[sflag:s21] =	ssyncset.done $0x0  }
0x4f: {  	s29 =	sadd.s32 $0x1480, s28;
	[sflag:s21] =	ssyncadd.s32 $0xFFFFC000  }
0x50: {  	[spmem:s2] =	stream.indirect.scatter.add.f32 [tilespmem:s19], [sflag:$0x3], $0x80, s29, s17, $0xb8;
	[tilespmem:$0x1E800] =	vst v63  }
0x51: {  	_ =	swait.ge [sflag:s15], $0x4000  }
0x52: {  	[sflag:s15] =	ssyncset.done $0x0  }
0x53: {  	[sflag:s15] =	ssyncadd.s32 $0xFFFFC000  }
0x54: {  	[tilespmem:s19], [sflag:$0x2] =	stream.indirect.gather [hbm4b:s4+s17], $0x80, s22, s17, $0xb8;
	[tilespmem:$0x1E800] =	vst v63  }
0x55: {  	_ =	swait.ge [sflag:s20], $0x4000  }
0x56: {  	[sflag:s20] =	ssyncset.done $0x0  }
0x57: {  	[sflag:s20] =	ssyncadd.s32 $0xFFFFC000  }
0x58: {  	[spmem:s2] =	stream.indirect.scatter.add.f32 [tilespmem:s18], [sflag:$0x3], $0x80, s23, s17, $0xb8;
	[tilespmem:$0x1E800] =	vst v63  }
0x59: {  	_ =	swait.ge [sflag:s15], $0x4000  }
0x5a: {  	[sflag:s15] =	ssyncset.done $0x0  }
0x5b: {  	[sflag:s15] =	ssyncadd.s32 $0xFFFFC000  }
0x5c: {  	_ =	swait.ge [sflag:s21], $0x4000  }
0x5d: {  	[sflag:s21] =	ssyncset.done $0x0  }
0x5e: {  	[sflag:s21] =	ssyncadd.s32 $0xFFFFC000  }
0x5f: {  	[spmem:s2] =	stream.indirect.scatter.add.f32 [tilespmem:s19], [sflag:$0x3], $0x80, s24, s17, $0xb8;
	[tilespmem:$0x1E800] =	vst v63  }
0x60: {  	_ =	swait.ge [sflag:s15], $0x4000  }
0x61: {  	[sflag:s15] =	ssyncset.done $0x0  }
0x62: {  	s30 =	sadd.s32 $0x280, s26;
	s31 =	simm.s32 $0x0;
	[sflag:s15] =	ssyncadd.s32 $0xFFFFC000  }
0x63: {  	[tilespmem:s31], [sflag:$0x3] =	stream.linear.gather [hbm4b:s30+s31], $0x1400, $0x38;
	[tilespmem:$0x1E800] =	vst v63  }
0x64: {  	_ =	swait.ge [sflag:s15], $0x1400  }
0x65: {  	[sflag:s15] =	ssyncset.done $0x0  }
0x66: {  	[sflag:s15] =	ssyncadd.s32 $0xFFFFEC00  }
0x67: {  	[tilespmem:s16], [sflag:$0x3] =	stream.linear.gather [hbm4b:s13+s31], $0x1400, $0x38;
	[tilespmem:$0x1E800] =	vst v63  }
0x68: {  	_ =	swait.ge [sflag:s15], $0x1400  }
0x69: {  	[sflag:s15] =	ssyncset.done $0x0  }
0x6a: {  	[sflag:s15] =	ssyncadd.s32 $0xFFFFEC00  }
0x6b: {  	[tilespmem:s18], [sflag:$0x1] =	stream.indirect.gather [hbm4b:s4+s17], $0x80, s31, s17, $0xb8;
	[tilespmem:$0x1E800] =	vst v63  }
0x6c: {  	s26 =	simm.s32 $0x80  }
0x6d: {  	[tilespmem:s19], [sflag:$0x2] =	stream.indirect.gather [hbm4b:s4+s17], $0x80, s26, s17, $0xb8;
	[tilespmem:$0x1E800] =	vst v63  }
0x6e: {  	_ =	swait.ge [sflag:s20], $0x4000  }
0x6f: {  	[sflag:s20] =	ssyncset.done $0x0  }
0x70: {  	s29 =	simm.s32 $0x1400;
	[sflag:s20] =	ssyncadd.s32 $0xFFFFC000  }
0x71: {  	[spmem:s2] =	stream.indirect.scatter.add.f32 [tilespmem:s18], [sflag:$0x3], $0x80, s29, s17, $0xb8;
	[tilespmem:$0x1E800] =	vst v63  }
0x72: {  	_ =	swait.ge [sflag:s15], $0x4000  }
0x73: {  	[sflag:s15] =	ssyncset.done $0x0  }
0x74: {  	s30 =	simm.s32 $0x100;
	[sflag:s15] =	ssyncadd.s32 $0xFFFFC000  }
0x75: {  	[tilespmem:s18], [sflag:$0x1] =	stream.indirect.gather [hbm4b:s4+s17], $0x80, s30, s17, $0xb8;
	[tilespmem:$0x1E800] =	vst v63  }
0x76: {  	_ =	swait.ge [sflag:s21], $0x4000  }
0x77: {  	[sflag:s21] =	ssyncset.done $0x0  }
0x78: {  	s31 =	simm.s32 $0x1480;
	[sflag:s21] =	ssyncadd.s32 $0xFFFFC000  }
0x79: {  	[spmem:s2] =	stream.indirect.scatter.add.f32 [tilespmem:s19], [sflag:$0x3], $0x80, s31, s17, $0xb8;
	[tilespmem:$0x1E800] =	vst v63  }
0x7a: {  	_ =	swait.ge [sflag:s15], $0x4000  }
0x7b: {  	s28 =	simm.s32 $0x800;
	s26 =	simm.s32 $0x100;
	[sflag:s15] =	ssyncset.done $0x0  }
.LBB2_5:
0x7c: {  	s0 =	sadd.s32 $0x80, s26  }
0x7d: {  	[sflag:s15] =	ssyncadd.s32 $0xFFFFC000;
	s29 =	smov.u32 s28;
	s30 =	sadd.s32 $0x400, s28  }
0x7e: {  	[tilespmem:s19], [sflag:$0x2] =	stream.indirect.gather [hbm4b:s4+s17], $0x80, s0, s17, $0xb8;
	[tilespmem:$0x1E800] =	vst v63  }
0x7f: {  	p1 =	sne.s32 s28, $0x4800;
	_ =	swait.ge [sflag:s20], $0x4000  }
0x80: {  	[sflag:s20] =	ssyncset.done $0x0  }
0x81: {  	s0 =	sadd.s32 $0x1400, s26;
	[sflag:s20] =	ssyncadd.s32 $0xFFFFC000  }
0x82: {  	[spmem:s2] =	stream.indirect.scatter.add.f32 [tilespmem:s18], [sflag:$0x3], $0x80, s0, s17, $0xb8;
	[tilespmem:$0x1E800] =	vst v63  }
0x83: {  	_ =	swait.ge [sflag:s15], $0x4000  }
0x84: {  	[sflag:s15] =	ssyncset.done $0x0  }
0x85: {  	s0 =	sadd.s32 $0x100, s26;
	[sflag:s15] =	ssyncadd.s32 $0xFFFFC000  }
0x86: {  	[tilespmem:s18], [sflag:$0x1] =	stream.indirect.gather [hbm4b:s4+s17], $0x80, s0, s17, $0xb8;
	[tilespmem:$0x1E800] =	vst v63  }
0x87: {  	_ =	swait.ge [sflag:s21], $0x4000  }
.Ltmp1:
0x88: {  	[sflag:s21] =	ssyncset.done $0x0;
	(pc) =	sbr.rel @p1 .LBB2_5-.Ltmp1, $4  }
0x89: {  	s0 =	sadd.s32 $0x1480, s26;
	[sflag:s21] =	ssyncadd.s32 $0xFFFFC000  }
0x8a: {  	[spmem:s2] =	stream.indirect.scatter.add.f32 [tilespmem:s19], [sflag:$0x3], $0x80, s0, s17, $0xb8;
	[tilespmem:$0x1E800] =	vst v63  }
0x8b: {  	_ =	swait.ge [sflag:s15], $0x4000  }
0x8c: {  	s28 =	smov.u32 s30;
	s26 =	sshra.s32 s29, $0x2;
	[sflag:s15] =	ssyncset.done $0x0  }
0x8d: {  	s0 =	sadd.s32 $0x80, s26;
	[sflag:s15] =	ssyncadd.s32 $0xFFFFC000  }
0x8e: {  	[tilespmem:s19], [sflag:$0x2] =	stream.indirect.gather [hbm4b:s4+s17], $0x80, s0, s17, $0xb8;
	[tilespmem:$0x1E800] =	vst v63  }
0x8f: {  	_ =	swait.ge [sflag:s20], $0x4000  }
0x90: {  	[sflag:s20] =	ssyncset.done $0x0  }
0x91: {  	s28 =	sadd.s32 $0x1400, s26;
	[sflag:s20] =	ssyncadd.s32 $0xFFFFC000  }
0x92: {  	[spmem:s2] =	stream.indirect.scatter.add.f32 [tilespmem:s18], [sflag:$0x3], $0x80, s28, s17, $0xb8;
	[tilespmem:$0x1E800] =	vst v63  }
0x93: {  	_ =	swait.ge [sflag:s15], $0x4000  }
0x94: {  	[sflag:s15] =	ssyncset.done $0x0  }
0x95: {  	s29 =	sadd.s32 $0x100, s26;
	[sflag:s15] =	ssyncadd.s32 $0xFFFFC000  }
0x96: {  	[tilespmem:s18], [sflag:$0x1] =	stream.indirect.gather [hbm4b:s4+s17], $0x80, s29, s17, $0xb8;
	[tilespmem:$0x1E800] =	vst v63  }
0x97: {  	_ =	swait.ge [sflag:s21], $0x4000  }
0x98: {  	[sflag:s21] =	ssyncset.done $0x0  }
0x99: {  	s30 =	sadd.s32 $0x1480, s26;
	[sflag:s21] =	ssyncadd.s32 $0xFFFFC000  }
0x9a: {  	[spmem:s2] =	stream.indirect.scatter.add.f32 [tilespmem:s19], [sflag:$0x3], $0x80, s30, s17, $0xb8;
	[tilespmem:$0x1E800] =	vst v63  }
0x9b: {  	_ =	swait.ge [sflag:s15], $0x4000  }
0x9c: {  	[sflag:s15] =	ssyncset.done $0x0  }
0x9d: {  	s26 =	simm.s32 $0x1;
	[sflag:s15] =	ssyncadd.s32 $0xFFFFC000  }
0x9e: {  	[tilespmem:s19], [sflag:$0x2] =	stream.indirect.gather [hbm4b:s4+s17], $0x80, s22, s17, $0xb8;
	[tilespmem:$0x1E800] =	vst v63  }
0x9f: {  	_ =	swait.ge [sflag:s26], $0x4000  }
0xa0: {  	[sflag:s26] =	ssyncset.done $0x0  }
0xa1: {  	[sflag:s26] =	ssyncadd.s32 $0xFFFFC000  }
0xa2: {  	[spmem:s2] =	stream.indirect.scatter.add.f32 [tilespmem:s18], [sflag:$0x3], $0x80, s23, s17, $0xb8;
	[tilespmem:$0x1E800] =	vst v63  }
0xa3: {  	_ =	swait.ge [sflag:s15], $0x4000  }
0xa4: {  	[sflag:s15] =	ssyncset.done $0x0  }
0xa5: {  	[sflag:s15] =	ssyncadd.s32 $0xFFFFC000  }
0xa6: {  	_ =	swait.ge [sflag:s21], $0x4000  }
0xa7: {  	[sflag:s21] =	ssyncset.done $0x0  }
0xa8: {  	s31 =	smul.u32 $0x2800, s25;
	[sflag:s21] =	ssyncadd.s32 $0xFFFFC000  }
0xa9: {  	[spmem:s2] =	stream.indirect.scatter.add.f32 [tilespmem:s19], [sflag:$0x3], $0x80, s24, s17, $0xb8;
	[tilespmem:$0x1E800] =	vst v63  }
0xaa: {  	_ =	swait.ge [sflag:s15], $0x4000  }
0xab: {  	s0 =	sadd.s32 s7, s31;
	[sflag:s15] =	ssyncset.done $0x0  }
0xac: {  	s0 =	sshll.u32 s0, $0x4;
	[sflag:s15] =	ssyncadd.s32 $0xFFFFC000  }
.Ltmp2:
0xad: {  	s0 =	sadd.s32 s6, s0;
	[bflag:$0x0] =	sbarrier.arrive $0xFFFF;
	(pc) =	sbr.rel @p0 .LBB2_2-.Ltmp2, $4  }
0xae: {  	[hbm:s0], [sflag:s10] =	dma.local [spmem:s14], $0x2800  }
0xaf: {  	_ =	swait.ge [sflag:s15], $0x2800  }
0xb0: {  	[sflag:s15] =	ssyncset.done $0x0  }
0xb1: {  	p1 =	por $0x0, $0x0;
	[sflag:s15] =	ssyncadd.s32 $0xFFFFD800  }
0xb2: {  	s3 =	sadd.s32 $0x1, s3  }
0xb3: {  	p0 =	sne.s32 s3, s11  }
.Ltmp3:
0xb4: {  	_ = 	snop;
	(pc) =	sbr.rel @p0 .LBB2_1-.Ltmp3, $1  }
0xb5: {  	_ =	sdelay $0x3  }
0xb6: {  	_ =	sfence.sel $0x180000  }
0xb7: {  	[bflag:$0x0] =	sbarrier.arrive $0xFFFF  }
0xb8: {  	_ =	strace $0x9000004D  }
0xb9: {  	[bflag:$0x2] =	sbarrier.arrive $0xFFFF  }
0xba: {  	p0 =	sne.s32 s1, $0x0;
	s0 =	rddreg [dreg:$0x3]  }
0xbb: {  	s0 =	sadd.s32 @!p0 $0x100000, s0  }
0xbc: {  	[sflag:s0] =	ssyncadd.tile.s32 @!p0 $0x1;
	_ =	shalt  }
.Lfunc_end2:
_tile_overlayer_lowered:
.L_overlay_start_2:
0xbd: {  	(tag) =	ssettag $0x2  }
0xbe: {  	s0 =	rddreg [dreg:$0x0];
	s2 =	stileid.u32  }
0xbf: {  	s1 =	rddreg [dreg:$0x1];
	p0 =	sne.s32 s2, $0x0  }
0xc0: {  	s3 =	rddreg [dreg:$0x2];
	[bflag:$0x3] =	sbarrier.arrive $0xFFFF;
	s2 =	simm.s32 @!p0 $0x1C03  }
0xc1: {  	[timem:s3], [sflag:s2] =	dma.local @!p0 [hbm:s0], s1  }
0xc2: {  	s0 =	simm.s32 @!p0 $0x3  }
0xc3: {  	_ =	swait.ge @!p0 [sflag:s0], s1  }
0xc4: {  	s1 =	ssub.s32 @!p0 $0x0, s1;
	[sflag:s0] =	ssyncset.done @!p0 $0x0  }
0xc5: {  	[sflag:s0] =	ssyncadd.s32 @!p0 s1  }
0xc6: {  	[bflag:$0x3] =	sbarrier.arrive $0xFFFF  }
0xc7: {  	_ =	shalt  }

// kernel: kernel.22.cloned.1.call-start
scs
__scs_entry_jumppad:
0x0: {  	(pc) =	sbr.rel $0x88, $3  }
0x1: {  	(tag) =	ssettag $0x0;
	lr =	simm.s32 $0x1  }
0x2: {  	[smem:$0x3F96] =	sst lr;
	_ =	strace $0xD0000000  }
0x3: {  	_ = 	snop  }
0x4: {  	_ = 	snop  }
0x5: {  	_ = 	snop  }
0x6: {  	_ = 	snop  }
0x7: {  	_ = 	snop  }
__scs_overlays_trampoline_lowered:
0x8: {  	[smem:$0x3FA5] =	sst s0  }
0x9: {  	[smem:$0x3FA6] =	sst s1  }
0xa: {  	[smem:$0x3FA7] =	sst s2  }
0xb: {  	[smem:$0x3FA8] =	sst s3  }
0xc: {  	[smem:$0x3FA9] =	sst s4  }
0xd: {  	[smem:$0x3FAA] =	sst s5  }
0xe: {  	[smem:$0x3FAB] =	sst s6  }
0xf: {  	[smem:$0x3FAC] =	sst s7  }
0x10: {  	[smem:$0x3FAD] =	sst s8  }
0x11: {  	[smem:$0x3FAE] =	sst s9;
	s0 =	simm.s32 @!p0 $0x0  }
0x12: {  	s1 =	sld [smem:$0x3F94];
	s0 =	simm.s32 @p0 $0x1  }
0x13: {  	[smem:$0x3FAF] =	sst s0;
	s0 =	simm.s32 @!p1 $0x0  }
0x14: {  	s2 =	sld [smem:$0x3F93];
	s0 =	simm.s32 @p1 $0x1  }
0x15: {  	[smem:$0x3FB0] =	sst s0;
	s0 =	simm.s32 @!p2 $0x0  }
0x16: {  	s3 =	sld [smem:$0x3FDB];
	s0 =	simm.s32 @p2 $0x1  }
0x17: {  	s4 =	simm.s32 $0x1BF5;
	[smem:$0x3FB2] =	sst s0  }
0x18: {  	s0 =	sld [smem:$0x3F95];
	_ =	swait.ge [sflag:s4], $0x0  }
0x19: {  	s7 =	sld [smem:$0x3F96]  }
0x1a: {  	s8 =	sadd.s32 $0xFFFFE003, lr  }
0x1b: {  	s9 =	sadd.s32 $0xFFFFFEF7, lr;
	s5 =	simm.s32 $0xFFFFFFFF;
	p2 =	slt.u32 s8, $0xFFFFF086  }
0x1c: {  	p1 =	slt.u32 s9, $0xF7A;
	s5 =	simm.s32 @!p2 $0x0  }
0x1d: {  	s5 =	simm.s32 @p1 $0x1;
	p0 =	seq.s32 s7, s2  }
0x1e: {  	s7 =	smul.u32 @!p0 $0xF7A, s2;
	p2 =	seq.s32 @!p0 s5, $0x0  }
0x1f: {  	s9 =	smul.u32 $0xF7A, s1;
	s8 =	simm.s32 @!p0 $0x1BF5;
	p2 =	por !p2, p0  }
0x20: {  	[sflag:s8] =	ssyncset.s32 @!p0 $0xFFFFF086;
	s6 =	sadd.s32 @!p0 s3, s7;
	s7 =	simm.s32 @!p0 $0x108  }
0x21: {  	s3 =	sadd.s32 s3, s9;
	s6 =	sadd.s32 @!p0 $0x88, s6;
	s7 =	simm.s32 @p2 $0x1082  }
0x22: {  	[simem:s7], [sflag:s8] =	dma.local @!p0 [hbm:s6], $0xF7A  }
0x23: {  	s9 =	sor.u32 $0xD0000000, s2;
	s6 =	simm.s32 $0x108;
	_ =	swait.ge @!p0 [sflag:s8], $0x0  }
0x24: {  	s3 =	sadd.s32 $0x88, s3;
	s6 =	simm.s32 @!p1 $0x1082;
	[sflag:s4] =	ssyncset.s32 $0xFFFFF086  }
0x25: {  	[simem:s6], [sflag:s4] =	dma.local [hbm:s3], $0xF7A  }
0x26: {  	[smem:$0x3F96] =	sst s1;
	(tag) =	ssettag s2;
	_ =	strace s9  }
0x27: {  	s1 =	sld [smem:$0x3FA6]  }
0x28: {  	s2 =	sld [smem:$0x3FA7]  }
0x29: {  	s4 =	sld [smem:$0x3FA9]  }
0x2a: {  	p0 =	seq.s32 s5, $0x0;
	s5 =	sld [smem:$0x3FAA]  }
0x2b: {  	s6 =	sld [smem:$0x3FAB]  }
0x2c: {  	s7 =	sld [smem:$0x3FAC]  }
0x2d: {  	s3 =	simm.s32 $0x108;
	s8 =	sld [smem:$0x3FAD]  }
0x2e: {  	s3 =	simm.s32 @!p0 $0x1082;
	s9 =	sld [smem:$0x3FAE]  }
0x2f: {  	lr =	sadd.s32 s0, s3;
	s0 =	sld [smem:$0x3FA5]  }
0x30: {  	s3 =	sld [smem:$0x3FA8]  }
0x31: {  	[smem:$0x3FB1] =	sst s10  }
0x32: {  	s10 =	sld [smem:$0x3FAF];
	_ =	sdelay $0x3  }
0x33: {  	p0 =	seq.s32 s10, $0x1;
	s10 =	sld [smem:$0x3FB1];
	_ =	sdelay $0x3  }
0x34: {  	[smem:$0x3FB1] =	sst s10  }
0x35: {  	s10 =	sld [smem:$0x3FB0];
	_ =	sdelay $0x3  }
0x36: {  	p1 =	seq.s32 s10, $0x1;
	s10 =	sld [smem:$0x3FB1];
	_ =	sdelay $0x3  }
0x37: {  	[smem:$0x3FB1] =	sst s10  }
0x38: {  	s10 =	sld [smem:$0x3FB2]  }
0x39: {  	_ = 	snop;
	(pc) =	sbr.ind lr, $3  }
0x3a: {  	_ = 	snop  }
0x3b: {  	_ = 	snop  }
0x3c: {  	p2 =	seq.s32 s10, $0x1;
	s10 =	sld [smem:$0x3FB1]  }
0x3d: {  	_ =	shalt  }
0x3e: {  	_ =	shalt  }
0x3f: {  	_ =	shalt  }
0x40: {  	_ =	shalt  }
0x41: {  	_ =	shalt  }
0x42: {  	_ =	shalt  }
0x43: {  	_ =	shalt  }
0x44: {  	_ =	shalt  }
0x45: {  	_ =	shalt  }
0x46: {  	_ =	shalt  }
0x47: {  	_ =	shalt  }
0x48: {  	_ =	shalt  }
0x49: {  	_ =	shalt  }
0x4a: {  	_ =	shalt  }
0x4b: {  	_ =	shalt  }
0x4c: {  	_ =	shalt  }
0x4d: {  	_ =	shalt  }
0x4e: {  	_ =	shalt  }
0x4f: {  	_ =	shalt  }
0x50: {  	_ =	shalt  }
0x51: {  	_ =	shalt  }
0x52: {  	_ =	shalt  }
0x53: {  	_ =	shalt  }
0x54: {  	_ =	shalt  }
0x55: {  	_ =	shalt  }
0x56: {  	_ =	shalt  }
0x57: {  	_ =	shalt  }
0x58: {  	_ =	shalt  }
0x59: {  	_ =	shalt  }
0x5a: {  	_ =	shalt  }
0x5b: {  	_ =	shalt  }
0x5c: {  	_ =	shalt  }
0x5d: {  	_ =	shalt  }
0x5e: {  	_ =	shalt  }
0x5f: {  	_ =	shalt  }
0x60: {  	_ =	shalt  }
0x61: {  	_ =	shalt  }
0x62: {  	_ =	shalt  }
0x63: {  	_ =	shalt  }
0x64: {  	_ =	shalt  }
0x65: {  	_ =	shalt  }
0x66: {  	_ =	shalt  }
0x67: {  	_ =	shalt  }
0x68: {  	_ =	shalt  }
0x69: {  	_ =	shalt  }
0x6a: {  	_ =	shalt  }
0x6b: {  	_ =	shalt  }
0x6c: {  	_ =	shalt  }
0x6d: {  	_ =	shalt  }
0x6e: {  	_ =	shalt  }
0x6f: {  	_ =	shalt  }
0x70: {  	_ =	shalt  }
0x71: {  	_ =	shalt  }
0x72: {  	_ =	shalt  }
0x73: {  	_ =	shalt  }
0x74: {  	_ =	shalt  }
0x75: {  	_ =	shalt  }
0x76: {  	_ =	shalt  }
0x77: {  	_ =	shalt  }
0x78: {  	_ =	shalt  }
0x79: {  	_ =	shalt  }
0x7a: {  	_ =	shalt  }
0x7b: {  	_ =	shalt  }
0x7c: {  	_ =	shalt  }
0x7d: {  	_ =	shalt  }
0x7e: {  	_ =	shalt  }
0x7f: {  	_ =	shalt  }
0x80: {  	_ =	shalt  }
0x81: {  	_ =	shalt  }
0x82: {  	_ =	shalt  }
0x83: {  	_ =	shalt  }
0x84: {  	_ =	shalt  }
0x85: {  	_ =	shalt  }
0x86: {  	_ =	shalt  }
0x87: {  	_ =	shalt  }
.Lfunc_end0:
.L_simem_size_0:
called_computation.3_lowered:
.L_overlay_start_0:
0x88: {  	s2 =	sld [smem:$0x3FD9]  }
0x89: {  	s3 =	sld [smem:$0x3FFE];
	_ =	sdelay $0x1  }
0x8a: {  	s1 =	srdreg.scid  }
0x8b: {  	s0 =	sand.u32 $0x1, s1  }
0x8c: {  	s17 =	sshll.u32 s0, $0xA;
	s2 =	sadd.s32 s3, s2  }
0x8d: {  	s2 =	sadd.s32 s2, s17  }
0x8e: {  	[smem:$0x3FBD] =	sst s2  }
0x8f: {  	_ = 	snop  }
0x90: {  	s2 =	sld [smem:$0x3FD0];
	(tm) =	ssettm $0x1  }
0x91: {  	s18 =	sld [smem:$0x3FFB];
	_ =	sdelay $0x3  }
0x92: {  	_ =	strace s18  }
0x93: {  	s3 =	sld [smem:$0x3FFC];
	_ =	sdelay $0x3  }
0x94: {  	_ =	strace s3  }
0x95: {  	s3 =	sld [smem:$0x3FFD];
	_ =	sdelay $0x3  }
0x96: {  	_ =	strace s3  }
0x97: {  	_ =	strace $0x8FFFFFFF  }
0x98: {  	s19 =	sld [smem:$0x3FDB];
	_ =	sdelay $0x1  }
0x99: {  	s4 =	simm.s32 $_scs_section_size  }
0x9a: {  	s5 =	simm.s32 $_size__tile_overlayer_lowered;
	s6 =	simm.s32 $_tile_overlayer_lowered  }
0x9b: {  	s22 =	simm.s32 $0x1BFF;
	s21 =	sshll.u32 s6, $0x1;
	s3 =	sadd.s32 s4, s19  }
0x9c: {  	s7 =	simm.s32 $0x0;
	s20 =	sshll.u32 s5, $0x1;
	s5 =	sadd.s32 s21, s3  }
0x9d: {  	[timem:s7], [sflag:s22] =	dma.local [hbm:s5], s20  }
0x9e: {  	_ =	swait.ge [sflag:s22], s20  }
0x9f: {  	s4 =	ssub.s32 $0x0, s20;
	[sflag:s22] =	ssyncset.done $0x0  }
0xa0: {  	[sflag:s22] =	ssyncadd.s32 s4;
	_ =	sdelay $0x1  }
0xa1: {  	s23 =	simm.s32 $0x1B8B  }
0xa2: {  	_ =	swait.ge [sflag:s23], $0x1  }
0xa3: {  	[sflag:s23] =	ssyncset.done $0x0  }
0xa4: {  	s25 =	simm.s32 $0x1B8E;
	s24 =	sld [smem:$0x3FFE];
	[sflag:s23] =	ssyncadd.s32 $0xFFFFFFFF  }
0xa5: {  	s26 =	simm.s32 $execute0_lowered;
	[smem:$0x3FD2] =	sst s25  }
0xa6: {  	s5 =	sshll.u32 s26, $0x1;
	_ =	strace $0x8000004F;
	[dreg:$0x1] =	wrdreg $0xFFFFFFFF  }
0xa7: {  	s28 =	simm.s32 $_size_execute0_lowered;
	s3 =	sadd.s32 s3, s5;
	[dreg:$0x0] =	wrdreg $0x0  }
0xa8: {  	s5 =	sshll.u32 s28, $0x1;
	[dreg:$0x2] =	wrdreg s3  }
0xa9: {  	[dreg:$0x3] =	wrdreg s5  }
0xaa: {  	[dreg:$0x4] =	wrdreg $0xC0  }
0xab: {  	_ =	task [dreg:s7], $0x5FFFF  }
0xac: {  	[dreg:$0x1] =	wrdreg $0xFFFFFFFF  }
0xad: {  	[dreg:$0x0] =	wrdreg $0x60  }
0xae: {  	[dreg:$0x2] =	wrdreg s24  }
0xaf: {  	[dreg:$0x3] =	wrdreg s2  }
0xb0: {  	[dreg:$0x4] =	wrdreg $0xA8000  }
0xb1: {  	[dreg:$0x5] =	wrdreg $0x9  }
0xb2: {  	_ =	task.clear_ibuf [dreg:s7], $0x6FFFF;
	_ =	strace $0x9000004F  }
0xb3: {  	s29 =	simm.s32 $0x9;
	_ =	strace $0x80000051  }
0xb4: {  	_ =	swait.ge [sflag:s29], $0x1  }
0xb5: {  	[sflag:s29] =	ssyncadd.s32 $0xFFFFFFFF  }
0xb6: {  	_ =	strace $0x90000051  }
0xb7: {  	_ =	sfence  }
0xb8: {  	s30 =	sld [smem:$0x0];
	_ =	sdelay $0x2  }
0xb9: {  	s31 =	sshll.u32 s1, $0xD;
	s1 =	sshrl.u32 s1, $0x2  }
0xba: {  	s3 =	sand.u32 $0x4000, s31;
	s1 =	sadd.s32 s1, s30  }
0xbb: {  	s0 =	sor.u32 s3, s0;
	s1 =	sshll.u32 s1, $0x11  }
0xbc: {  	s0 =	sor.u32 s1, s0  }
0xbd: {  	s0 =	sadd.s32 $0x8F2B, s0  }
0xbe: {  	[sflag:s0] =	ssyncadd.remote.s32 $0x1  }
0xbf: {  	_ =	sfence.sel $0xFFFF  }
0xc0: {  	[dreg:$0x0] =	wrdreg $0xFFFFFFFF;
	(pc) =	sbr.abs _section_cstart, $3  }
0xc1: {  	[dreg:$0x1] =	wrdreg $0xFFFFFFFF  }
0xc2: {  	_ =	task.clear_ibuf [dreg:s7], $0x2FFFF;
	_ =	strace $0x9FFFFFFF  }
0xc3: {  	(tm) =	ssettm $0x7FFFFFFF  }
tec
execute0_lowered:
.L_overlay_start_1:
0x0: {  	(tag) =	ssettag $0x1  }
0x1: {  	s6 =	rddreg [dreg:$0x0]  }
0x2: {  	s9 =	rddreg [dreg:$0x1]  }
0x3: {  	s2 =	rddreg [dreg:$0x2];
	s3 =	simm.s32 $0x0  }
0x4: {  	s1 =	stileid.u32;
	s4 =	srdreg.scid;
	s16 =	simm.s32 $0x1400  }
0x5: {  	s17 =	simm.s32 $0x80;
	s18 =	simm.s32 $0x2800;
	s19 =	simm.s32 $0x6800  }
0x6: {  	s20 =	simm.s32 $0x1;
	s21 =	simm.s32 $0x2;
	s22 =	simm.s32 $0x1380  }
0x7: {  	s23 =	simm.s32 $0x2700;
	s24 =	simm.s32 $0x2780;
	[smem:$0x7FF] =	sst s3  }
0x8: {  	s10 =	smul.u32 $0x2800, s1;
	s8 =	sand.u32 $0x1, s4;
	s4 =	sadd.s32 $0x17E600, s6  }
0x9: {  	s5 =	sadd.s32 $0x9400, s6;
	s13 =	smul.u32 $0x50000, s1;
	s31 =	sshll.u32 s1, $0x6  }
0xa: {  	_ =	strace $0x80000050;
	s7 =	ssub.s32 $0x2, s8;
	s8 =	sshll.u32 s8, $0x1  }
0xb: {  	s11 =	sshrl.u32 s10, $0x3;
	s12 =	sshrl.u32 s7, $0x1;
	s30 =	sshrl.u32 s13, $0x2  }
0xc: {  	s9 =	sadd.s32 s9, s10;
	s10 =	sor.u32 $0x1C03, s31;
	s14 =	sadd.s32 s11, s6  }
0xd: {  	s6 =	sadd.s32 $0x1D400, s6;
	s29 =	ssub.s32 s7, s12;
	s7 =	smul.u32 $0x280, s1  }
0xe: {  	s15 =	sadd.s32 s30, s2;
	s11 =	smax.u32 s29, $0x1;
	s12 =	sadd.s32 $0x4400, s14  }
0xf: {  	s13 =	sadd.s32 $0x4680, s14;
	s14 =	sshrl.u32 s15, $0x3;
	s15 =	simm.s32 $0x3  }
.LBB2_1:
0x10: {  	p1 =	por $0x1, $0x1;
	s26 =	simm.s32 $0x0  }
.LBB2_2:
0x11: {  	s25 =	sor.u32 s8, s26  }
0x12: {  	[spmem:s14], [sflag:s10] =	dma.local [hbm:s9], $0x2800  }
0x13: {  	s26 =	sshll.u32 s25, $0x4  }
0x14: {  	s26 =	sor.u32 s1, s26  }
0x15: {  	_ =	swait.ge [sflag:s15], $0x2800;
	s26 =	smul.u32 $0x2800, s26  }
0x16: {  	[sflag:s15] =	ssyncset.done $0x0  }
0x17: {  	[sflag:s15] =	ssyncadd.s32 $0xFFFFD800;
	s26 =	sshrl.u32 s26, $0x3  }
0x18: {  	s28 =	simm.s32 $0x0;
	[bflag:$0x0] =	sbarrier.arrive $0xFFFF;
	s26 =	sadd.s32 s5, s26  }
0x19: {  	[tilespmem:s28], [sflag:$0x3] =	stream.linear.gather [hbm4b:s26+s28], $0x1400, $0x38;
	[tilespmem:$0x1E800] =	vst v63  }
0x1a: {  	_ =	swait.ge [sflag:s15], $0x1400  }
0x1b: {  	[sflag:s15] =	ssyncset.done $0x0  }
0x1c: {  	[sflag:s15] =	ssyncadd.s32 $0xFFFFEC00  }
0x1d: {  	[tilespmem:s16], [sflag:$0x3] =	stream.linear.gather [hbm4b:s12+s28], $0x1400, $0x38;
	[tilespmem:$0x1E800] =	vst v63  }
0x1e: {  	_ =	swait.ge [sflag:s15], $0x1400  }
0x1f: {  	[sflag:s15] =	ssyncset.done $0x0  }
0x20: {  	[sflag:s15] =	ssyncadd.s32 $0xFFFFEC00  }
0x21: {  	[tilespmem:s18], [sflag:$0x1] =	stream.indirect.gather [hbm4b:s4+s17], $0x80, s28, s17, $0xb8;
	[tilespmem:$0x1E800] =	vst v63  }
0x22: {  	s28 =	simm.s32 $0x80  }
0x23: {  	[tilespmem:s19], [sflag:$0x2] =	stream.indirect.gather [hbm4b:s4+s17], $0x80, s28, s17, $0xb8;
	[tilespmem:$0x1E800] =	vst v63  }
0x24: {  	_ =	swait.ge [sflag:s20], $0x4000  }
0x25: {  	[sflag:s20] =	ssyncset.done $0x0  }
0x26: {  	s28 =	simm.s32 $0x1400;
	[sflag:s20] =	ssyncadd.s32 $0xFFFFC000  }
0x27: {  	[spmem:s2] =	stream.indirect.scatter.add.f32 [tilespmem:s18], [sflag:$0x3], $0x80, s28, s17, $0xb8;
	[tilespmem:$0x1E800] =	vst v63  }
0x28: {  	_ =	swait.ge [sflag:s15], $0x4000  }
0x29: {  	[sflag:s15] =	ssyncset.done $0x0  }
0x2a: {  	s28 =	simm.s32 $0x100;
	[sflag:s15] =	ssyncadd.s32 $0xFFFFC000  }
0x2b: {  	[tilespmem:s18], [sflag:$0x1] =	stream.indirect.gather [hbm4b:s4+s17], $0x80, s28, s17, $0xb8;
	[tilespmem:$0x1E800] =	vst v63  }
0x2c: {  	_ =	swait.ge [sflag:s21], $0x4000  }
0x2d: {  	[sflag:s21] =	ssyncset.done $0x0  }
0x2e: {  	s28 =	simm.s32 $0x1480;
	[sflag:s21] =	ssyncadd.s32 $0xFFFFC000  }
0x2f: {  	[spmem:s2] =	stream.indirect.scatter.add.f32 [tilespmem:s19], [sflag:$0x3], $0x80, s28, s17, $0xb8;
	[tilespmem:$0x1E800] =	vst v63  }
0x30: {  	p0 =	por p1, p1;
	_ =	swait.ge [sflag:s15], $0x4000  }
0x31: {  	s29 =	simm.s32 $0x800;
	s28 =	simm.s32 $0x100;
	[sflag:s15] =	ssyncset.done $0x0  }
.LBB2_3:
0x32: {  	s30 =	sadd.s32 $0x80, s28  }
0x33: {  	[sflag:s15] =	ssyncadd.s32 $0xFFFFC000;
	s31 =	smov.u32 s29;
	s0 =	sadd.s32 $0x400, s29  }
0x34: {  	[tilespmem:s19], [sflag:$0x2] =	stream.indirect.gather [hbm4b:s4+s17], $0x80, s30, s17, $0xb8;
	[tilespmem:$0x1E800] =	vst v63  }
0x35: {  	p1 =	sne.s32 s29, $0x4800;
	_ =	swait.ge [sflag:s20], $0x4000  }
0x36: {  	[sflag:s20] =	ssyncset.done $0x0  }
0x37: {  	s29 =	sadd.s32 $0x1400, s28;
	[sflag:s20] =	ssyncadd.s32 $0xFFFFC000  }
0x38: {  	[spmem:s2] =	stream.indirect.scatter.add.f32 [tilespmem:s18], [sflag:$0x3], $0x80, s29, s17, $0xb8;
	[tilespmem:$0x1E800] =	vst v63  }
0x39: {  	_ =	swait.ge [sflag:s15], $0x4000  }
0x3a: {  	[sflag:s15] =	ssyncset.done $0x0  }
0x3b: {  	s29 =	sadd.s32 $0x100, s28;
	[sflag:s15] =	ssyncadd.s32 $0xFFFFC000  }
0x3c: {  	[tilespmem:s18], [sflag:$0x1] =	stream.indirect.gather [hbm4b:s4+s17], $0x80, s29, s17, $0xb8;
	[tilespmem:$0x1E800] =	vst v63  }
0x3d: {  	_ =	swait.ge [sflag:s21], $0x4000  }
.Ltmp0:
0x3e: {  	[sflag:s21] =	ssyncset.done $0x0;
	(pc) =	sbr.rel @p1 .LBB2_3-.Ltmp0, $4  }
0x3f: {  	s28 =	sadd.s32 $0x1480, s28;
	[sflag:s21] =	ssyncadd.s32 $0xFFFFC000  }
0x40: {  	[spmem:s2] =	stream.indirect.scatter.add.f32 [tilespmem:s19], [sflag:$0x3], $0x80, s28, s17, $0xb8;
	[tilespmem:$0x1E800] =	vst v63  }
0x41: {  	_ =	swait.ge [sflag:s15], $0x4000  }
0x42: {  	s29 =	smov.u32 s0;
	s28 =	sshra.s32 s31, $0x2;
	[sflag:s15] =	ssyncset.done $0x0  }
0x43: {  	s0 =	sadd.s32 $0x80, s28;
	[sflag:s15] =	ssyncadd.s32 $0xFFFFC000  }
0x44: {  	[tilespmem:s19], [sflag:$0x2] =	stream.indirect.gather [hbm4b:s4+s17], $0x80, s0, s17, $0xb8;
	[tilespmem:$0x1E800] =	vst v63  }
0x45: {  	_ =	swait.ge [sflag:s20], $0x4000  }
0x46: {  	[sflag:s20] =	ssyncset.done $0x0  }
0x47: {  	s30 =	sadd.s32 $0x1400, s28;
	[sflag:s20] =	ssyncadd.s32 $0xFFFFC000  }
0x48: {  	[spmem:s2] =	stream.indirect.scatter.add.f32 [tilespmem:s18], [sflag:$0x3], $0x80, s30, s17, $0xb8;
	[tilespmem:$0x1E800] =	vst v63  }
0x49: {  	_ =	swait.ge [sflag:s15], $0x4000  }
0x4a: {  	[sflag:s15] =	ssyncset.done $0x0  }
0x4b: {  	s31 =	sadd.s32 $0x100, s28;
	[sflag:s15] =	ssyncadd.s32 $0xFFFFC000  }
0x4c: {  	[tilespmem:s18], [sflag:$0x1] =	stream.indirect.gather [hbm4b:s4+s17], $0x80, s31, s17, $0xb8;
	[tilespmem:$0x1E800] =	vst v63  }
0x4d: {  	_ =	swait.ge [sflag:s21], $0x4000  }
0x4e: {  	[sflag:s21] =	ssyncset.done $0x0  }
0x4f: {  	s29 =	sadd.s32 $0x1480, s28;
	[sflag:s21] =	ssyncadd.s32 $0xFFFFC000  }
0x50: {  	[spmem:s2] =	stream.indirect.scatter.add.f32 [tilespmem:s19], [sflag:$0x3], $0x80, s29, s17, $0xb8;
	[tilespmem:$0x1E800] =	vst v63  }
0x51: {  	_ =	swait.ge [sflag:s15], $0x4000  }
0x52: {  	[sflag:s15] =	ssyncset.done $0x0  }
0x53: {  	[sflag:s15] =	ssyncadd.s32 $0xFFFFC000  }
0x54: {  	[tilespmem:s19], [sflag:$0x2] =	stream.indirect.gather [hbm4b:s4+s17], $0x80, s22, s17, $0xb8;
	[tilespmem:$0x1E800] =	vst v63  }
0x55: {  	_ =	swait.ge [sflag:s20], $0x4000  }
0x56: {  	[sflag:s20] =	ssyncset.done $0x0  }
0x57: {  	[sflag:s20] =	ssyncadd.s32 $0xFFFFC000  }
0x58: {  	[spmem:s2] =	stream.indirect.scatter.add.f32 [tilespmem:s18], [sflag:$0x3], $0x80, s23, s17, $0xb8;
	[tilespmem:$0x1E800] =	vst v63  }
0x59: {  	_ =	swait.ge [sflag:s15], $0x4000  }
0x5a: {  	[sflag:s15] =	ssyncset.done $0x0  }
0x5b: {  	[sflag:s15] =	ssyncadd.s32 $0xFFFFC000  }
0x5c: {  	_ =	swait.ge [sflag:s21], $0x4000  }
0x5d: {  	[sflag:s21] =	ssyncset.done $0x0  }
0x5e: {  	[sflag:s21] =	ssyncadd.s32 $0xFFFFC000  }
0x5f: {  	[spmem:s2] =	stream.indirect.scatter.add.f32 [tilespmem:s19], [sflag:$0x3], $0x80, s24, s17, $0xb8;
	[tilespmem:$0x1E800] =	vst v63  }
0x60: {  	_ =	swait.ge [sflag:s15], $0x4000  }
0x61: {  	[sflag:s15] =	ssyncset.done $0x0  }
0x62: {  	s30 =	sadd.s32 $0x280, s26;
	s31 =	simm.s32 $0x0;
	[sflag:s15] =	ssyncadd.s32 $0xFFFFC000  }
0x63: {  	[tilespmem:s31], [sflag:$0x3] =	stream.linear.gather [hbm4b:s30+s31], $0x1400, $0x38;
	[tilespmem:$0x1E800] =	vst v63  }
0x64: {  	_ =	swait.ge [sflag:s15], $0x1400  }
0x65: {  	[sflag:s15] =	ssyncset.done $0x0  }
0x66: {  	[sflag:s15] =	ssyncadd.s32 $0xFFFFEC00  }
0x67: {  	[tilespmem:s16], [sflag:$0x3] =	stream.linear.gather [hbm4b:s13+s31], $0x1400, $0x38;
	[tilespmem:$0x1E800] =	vst v63  }
0x68: {  	_ =	swait.ge [sflag:s15], $0x1400  }
0x69: {  	[sflag:s15] =	ssyncset.done $0x0  }
0x6a: {  	[sflag:s15] =	ssyncadd.s32 $0xFFFFEC00  }
0x6b: {  	[tilespmem:s18], [sflag:$0x1] =	stream.indirect.gather [hbm4b:s4+s17], $0x80, s31, s17, $0xb8;
	[tilespmem:$0x1E800] =	vst v63  }
0x6c: {  	s26 =	simm.s32 $0x80  }
0x6d: {  	[tilespmem:s19], [sflag:$0x2] =	stream.indirect.gather [hbm4b:s4+s17], $0x80, s26, s17, $0xb8;
	[tilespmem:$0x1E800] =	vst v63  }
0x6e: {  	_ =	swait.ge [sflag:s20], $0x4000  }
0x6f: {  	[sflag:s20] =	ssyncset.done $0x0  }
0x70: {  	s29 =	simm.s32 $0x1400;
	[sflag:s20] =	ssyncadd.s32 $0xFFFFC000  }
0x71: {  	[spmem:s2] =	stream.indirect.scatter.add.f32 [tilespmem:s18], [sflag:$0x3], $0x80, s29, s17, $0xb8;
	[tilespmem:$0x1E800] =	vst v63  }
0x72: {  	_ =	swait.ge [sflag:s15], $0x4000  }
0x73: {  	[sflag:s15] =	ssyncset.done $0x0  }
0x74: {  	s30 =	simm.s32 $0x100;
	[sflag:s15] =	ssyncadd.s32 $0xFFFFC000  }
0x75: {  	[tilespmem:s18], [sflag:$0x1] =	stream.indirect.gather [hbm4b:s4+s17], $0x80, s30, s17, $0xb8;
	[tilespmem:$0x1E800] =	vst v63  }
0x76: {  	_ =	swait.ge [sflag:s21], $0x4000  }
0x77: {  	[sflag:s21] =	ssyncset.done $0x0  }
0x78: {  	s31 =	simm.s32 $0x1480;
	[sflag:s21] =	ssyncadd.s32 $0xFFFFC000  }
0x79: {  	[spmem:s2] =	stream.indirect.scatter.add.f32 [tilespmem:s19], [sflag:$0x3], $0x80, s31, s17, $0xb8;
	[tilespmem:$0x1E800] =	vst v63  }
0x7a: {  	_ =	swait.ge [sflag:s15], $0x4000  }
0x7b: {  	s28 =	simm.s32 $0x800;
	s26 =	simm.s32 $0x100;
	[sflag:s15] =	ssyncset.done $0x0  }
.LBB2_5:
0x7c: {  	s0 =	sadd.s32 $0x80, s26  }
0x7d: {  	[sflag:s15] =	ssyncadd.s32 $0xFFFFC000;
	s29 =	smov.u32 s28;
	s30 =	sadd.s32 $0x400, s28  }
0x7e: {  	[tilespmem:s19], [sflag:$0x2] =	stream.indirect.gather [hbm4b:s4+s17], $0x80, s0, s17, $0xb8;
	[tilespmem:$0x1E800] =	vst v63  }
0x7f: {  	p1 =	sne.s32 s28, $0x4800;
	_ =	swait.ge [sflag:s20], $0x4000  }
0x80: {  	[sflag:s20] =	ssyncset.done $0x0  }
0x81: {  	s0 =	sadd.s32 $0x1400, s26;
	[sflag:s20] =	ssyncadd.s32 $0xFFFFC000  }
0x82: {  	[spmem:s2] =	stream.indirect.scatter.add.f32 [tilespmem:s18], [sflag:$0x3], $0x80, s0, s17, $0xb8;
	[tilespmem:$0x1E800] =	vst v63  }
0x83: {  	_ =	swait.ge [sflag:s15], $0x4000  }
0x84: {  	[sflag:s15] =	ssyncset.done $0x0  }
0x85: {  	s0 =	sadd.s32 $0x100, s26;
	[sflag:s15] =	ssyncadd.s32 $0xFFFFC000  }
0x86: {  	[tilespmem:s18], [sflag:$0x1] =	stream.indirect.gather [hbm4b:s4+s17], $0x80, s0, s17, $0xb8;
	[tilespmem:$0x1E800] =	vst v63  }
0x87: {  	_ =	swait.ge [sflag:s21], $0x4000  }
.Ltmp1:
0x88: {  	[sflag:s21] =	ssyncset.done $0x0;
	(pc) =	sbr.rel @p1 .LBB2_5-.Ltmp1, $4  }
0x89: {  	s0 =	sadd.s32 $0x1480, s26;
	[sflag:s21] =	ssyncadd.s32 $0xFFFFC000  }
0x8a: {  	[spmem:s2] =	stream.indirect.scatter.add.f32 [tilespmem:s19], [sflag:$0x3], $0x80, s0, s17, $0xb8;
	[tilespmem:$0x1E800] =	vst v63  }
0x8b: {  	_ =	swait.ge [sflag:s15], $0x4000  }
0x8c: {  	s28 =	smov.u32 s30;
	s26 =	sshra.s32 s29, $0x2;
	[sflag:s15] =	ssyncset.done $0x0  }
0x8d: {  	s0 =	sadd.s32 $0x80, s26;
	[sflag:s15] =	ssyncadd.s32 $0xFFFFC000  }
0x8e: {  	[tilespmem:s19], [sflag:$0x2] =	stream.indirect.gather [hbm4b:s4+s17], $0x80, s0, s17, $0xb8;
	[tilespmem:$0x1E800] =	vst v63  }
0x8f: {  	_ =	swait.ge [sflag:s20], $0x4000  }
0x90: {  	[sflag:s20] =	ssyncset.done $0x0  }
0x91: {  	s28 =	sadd.s32 $0x1400, s26;
	[sflag:s20] =	ssyncadd.s32 $0xFFFFC000  }
0x92: {  	[spmem:s2] =	stream.indirect.scatter.add.f32 [tilespmem:s18], [sflag:$0x3], $0x80, s28, s17, $0xb8;
	[tilespmem:$0x1E800] =	vst v63  }
0x93: {  	_ =	swait.ge [sflag:s15], $0x4000  }
0x94: {  	[sflag:s15] =	ssyncset.done $0x0  }
0x95: {  	s29 =	sadd.s32 $0x100, s26;
	[sflag:s15] =	ssyncadd.s32 $0xFFFFC000  }
0x96: {  	[tilespmem:s18], [sflag:$0x1] =	stream.indirect.gather [hbm4b:s4+s17], $0x80, s29, s17, $0xb8;
	[tilespmem:$0x1E800] =	vst v63  }
0x97: {  	_ =	swait.ge [sflag:s21], $0x4000  }
0x98: {  	[sflag:s21] =	ssyncset.done $0x0  }
0x99: {  	s30 =	sadd.s32 $0x1480, s26;
	[sflag:s21] =	ssyncadd.s32 $0xFFFFC000  }
0x9a: {  	[spmem:s2] =	stream.indirect.scatter.add.f32 [tilespmem:s19], [sflag:$0x3], $0x80, s30, s17, $0xb8;
	[tilespmem:$0x1E800] =	vst v63  }
0x9b: {  	_ =	swait.ge [sflag:s15], $0x4000  }
0x9c: {  	[sflag:s15] =	ssyncset.done $0x0  }
0x9d: {  	s26 =	simm.s32 $0x1;
	[sflag:s15] =	ssyncadd.s32 $0xFFFFC000  }
0x9e: {  	[tilespmem:s19], [sflag:$0x2] =	stream.indirect.gather [hbm4b:s4+s17], $0x80, s22, s17, $0xb8;
	[tilespmem:$0x1E800] =	vst v63  }
0x9f: {  	_ =	swait.ge [sflag:s26], $0x4000  }
0xa0: {  	[sflag:s26] =	ssyncset.done $0x0  }
0xa1: {  	[sflag:s26] =	ssyncadd.s32 $0xFFFFC000  }
0xa2: {  	[spmem:s2] =	stream.indirect.scatter.add.f32 [tilespmem:s18], [sflag:$0x3], $0x80, s23, s17, $0xb8;
	[tilespmem:$0x1E800] =	vst v63  }
0xa3: {  	_ =	swait.ge [sflag:s15], $0x4000  }
0xa4: {  	[sflag:s15] =	ssyncset.done $0x0  }
0xa5: {  	[sflag:s15] =	ssyncadd.s32 $0xFFFFC000  }
0xa6: {  	_ =	swait.ge [sflag:s21], $0x4000  }
0xa7: {  	[sflag:s21] =	ssyncset.done $0x0  }
0xa8: {  	s31 =	smul.u32 $0x2800, s25;
	[sflag:s21] =	ssyncadd.s32 $0xFFFFC000  }
0xa9: {  	[spmem:s2] =	stream.indirect.scatter.add.f32 [tilespmem:s19], [sflag:$0x3], $0x80, s24, s17, $0xb8;
	[tilespmem:$0x1E800] =	vst v63  }
0xaa: {  	_ =	swait.ge [sflag:s15], $0x4000  }
0xab: {  	s0 =	sadd.s32 s7, s31;
	[sflag:s15] =	ssyncset.done $0x0  }
0xac: {  	s0 =	sshll.u32 s0, $0x4;
	[sflag:s15] =	ssyncadd.s32 $0xFFFFC000  }
.Ltmp2:
0xad: {  	s0 =	sadd.s32 s6, s0;
	[bflag:$0x0] =	sbarrier.arrive $0xFFFF;
	(pc) =	sbr.rel @p0 .LBB2_2-.Ltmp2, $4  }
0xae: {  	[hbm:s0], [sflag:s10] =	dma.local [spmem:s14], $0x2800  }
0xaf: {  	_ =	swait.ge [sflag:s15], $0x2800  }
0xb0: {  	[sflag:s15] =	ssyncset.done $0x0  }
0xb1: {  	p1 =	por $0x0, $0x0;
	[sflag:s15] =	ssyncadd.s32 $0xFFFFD800  }
0xb2: {  	s3 =	sadd.s32 $0x1, s3  }
0xb3: {  	p0 =	sne.s32 s3, s11  }
.Ltmp3:
0xb4: {  	_ = 	snop;
	(pc) =	sbr.rel @p0 .LBB2_1-.Ltmp3, $1  }
0xb5: {  	_ =	sdelay $0x3  }
0xb6: {  	_ =	sfence.sel $0x180000  }
0xb7: {  	[bflag:$0x0] =	sbarrier.arrive $0xFFFF  }
0xb8: {  	_ =	strace $0x90000050  }
0xb9: {  	[bflag:$0x2] =	sbarrier.arrive $0xFFFF  }
0xba: {  	p0 =	sne.s32 s1, $0x0;
	s0 =	rddreg [dreg:$0x3]  }
0xbb: {  	s0 =	sadd.s32 @!p0 $0x100000, s0  }
0xbc: {  	[sflag:s0] =	ssyncadd.tile.s32 @!p0 $0x1;
	_ =	shalt  }
.Lfunc_end2:
_tile_overlayer_lowered:
.L_overlay_start_2:
0xbd: {  	(tag) =	ssettag $0x2  }
0xbe: {  	s0 =	rddreg [dreg:$0x0];
	s2 =	stileid.u32  }
0xbf: {  	s1 =	rddreg [dreg:$0x1];
	p0 =	sne.s32 s2, $0x0  }
0xc0: {  	s3 =	rddreg [dreg:$0x2];
	[bflag:$0x3] =	sbarrier.arrive $0xFFFF;
	s2 =	simm.s32 @!p0 $0x1C03  }
0xc1: {  	[timem:s3], [sflag:s2] =	dma.local @!p0 [hbm:s0], s1  }
0xc2: {  	s0 =	simm.s32 @!p0 $0x3  }
0xc3: {  	_ =	swait.ge @!p0 [sflag:s0], s1  }
0xc4: {  	s1 =	ssub.s32 @!p0 $0x0, s1;
	[sflag:s0] =	ssyncset.done @!p0 $0x0  }
0xc5: {  	[sflag:s0] =	ssyncadd.s32 @!p0 s1  }
0xc6: {  	[bflag:$0x3] =	sbarrier.arrive $0xFFFF  }
0xc7: {  	_ =	shalt  }

// kernel: kernel.25.cloned.1.call-start
scs
__scs_entry_jumppad:
0x0: {  	(pc) =	sbr.rel $0x88, $3  }
0x1: {  	(tag) =	ssettag $0x0;
	lr =	simm.s32 $0x1  }
0x2: {  	[smem:$0x3F96] =	sst lr;
	_ =	strace $0xD0000000  }
0x3: {  	_ = 	snop  }
0x4: {  	_ = 	snop  }
0x5: {  	_ = 	snop  }
0x6: {  	_ = 	snop  }
0x7: {  	_ = 	snop  }
__scs_overlays_trampoline_lowered:
0x8: {  	[smem:$0x3FA5] =	sst s0  }
0x9: {  	[smem:$0x3FA6] =	sst s1  }
0xa: {  	[smem:$0x3FA7] =	sst s2  }
0xb: {  	[smem:$0x3FA8] =	sst s3  }
0xc: {  	[smem:$0x3FA9] =	sst s4  }
0xd: {  	[smem:$0x3FAA] =	sst s5  }
0xe: {  	[smem:$0x3FAB] =	sst s6  }
0xf: {  	[smem:$0x3FAC] =	sst s7  }
0x10: {  	[smem:$0x3FAD] =	sst s8  }
0x11: {  	[smem:$0x3FAE] =	sst s9;
	s0 =	simm.s32 @!p0 $0x0  }
0x12: {  	s1 =	sld [smem:$0x3F94];
	s0 =	simm.s32 @p0 $0x1  }
0x13: {  	[smem:$0x3FAF] =	sst s0;
	s0 =	simm.s32 @!p1 $0x0  }
0x14: {  	s2 =	sld [smem:$0x3F93];
	s0 =	simm.s32 @p1 $0x1  }
0x15: {  	[smem:$0x3FB0] =	sst s0;
	s0 =	simm.s32 @!p2 $0x0  }
0x16: {  	s3 =	sld [smem:$0x3FDB];
	s0 =	simm.s32 @p2 $0x1  }
0x17: {  	s4 =	simm.s32 $0x1BF5;
	[smem:$0x3FB2] =	sst s0  }
0x18: {  	s0 =	sld [smem:$0x3F95];
	_ =	swait.ge [sflag:s4], $0x0  }
0x19: {  	s7 =	sld [smem:$0x3F96]  }
0x1a: {  	s8 =	sadd.s32 $0xFFFFE003, lr  }
0x1b: {  	s9 =	sadd.s32 $0xFFFFFEF7, lr;
	s5 =	simm.s32 $0xFFFFFFFF;
	p2 =	slt.u32 s8, $0xFFFFF086  }
0x1c: {  	p1 =	slt.u32 s9, $0xF7A;
	s5 =	simm.s32 @!p2 $0x0  }
0x1d: {  	s5 =	simm.s32 @p1 $0x1;
	p0 =	seq.s32 s7, s2  }
0x1e: {  	s7 =	smul.u32 @!p0 $0xF7A, s2;
	p2 =	seq.s32 @!p0 s5, $0x0  }
0x1f: {  	s9 =	smul.u32 $0xF7A, s1;
	s8 =	simm.s32 @!p0 $0x1BF5;
	p2 =	por !p2, p0  }
0x20: {  	[sflag:s8] =	ssyncset.s32 @!p0 $0xFFFFF086;
	s6 =	sadd.s32 @!p0 s3, s7;
	s7 =	simm.s32 @!p0 $0x108  }
0x21: {  	s3 =	sadd.s32 s3, s9;
	s6 =	sadd.s32 @!p0 $0x88, s6;
	s7 =	simm.s32 @p2 $0x1082  }
0x22: {  	[simem:s7], [sflag:s8] =	dma.local @!p0 [hbm:s6], $0xF7A  }
0x23: {  	s9 =	sor.u32 $0xD0000000, s2;
	s6 =	simm.s32 $0x108;
	_ =	swait.ge @!p0 [sflag:s8], $0x0  }
0x24: {  	s3 =	sadd.s32 $0x88, s3;
	s6 =	simm.s32 @!p1 $0x1082;
	[sflag:s4] =	ssyncset.s32 $0xFFFFF086  }
0x25: {  	[simem:s6], [sflag:s4] =	dma.local [hbm:s3], $0xF7A  }
0x26: {  	[smem:$0x3F96] =	sst s1;
	(tag) =	ssettag s2;
	_ =	strace s9  }
0x27: {  	s1 =	sld [smem:$0x3FA6]  }
0x28: {  	s2 =	sld [smem:$0x3FA7]  }
0x29: {  	s4 =	sld [smem:$0x3FA9]  }
0x2a: {  	p0 =	seq.s32 s5, $0x0;
	s5 =	sld [smem:$0x3FAA]  }
0x2b: {  	s6 =	sld [smem:$0x3FAB]  }
0x2c: {  	s7 =	sld [smem:$0x3FAC]  }
0x2d: {  	s3 =	simm.s32 $0x108;
	s8 =	sld [smem:$0x3FAD]  }
0x2e: {  	s3 =	simm.s32 @!p0 $0x1082;
	s9 =	sld [smem:$0x3FAE]  }
0x2f: {  	lr =	sadd.s32 s0, s3;
	s0 =	sld [smem:$0x3FA5]  }
0x30: {  	s3 =	sld [smem:$0x3FA8]  }
0x31: {  	[smem:$0x3FB1] =	sst s10  }
0x32: {  	s10 =	sld [smem:$0x3FAF];
	_ =	sdelay $0x3  }
0x33: {  	p0 =	seq.s32 s10, $0x1;
	s10 =	sld [smem:$0x3FB1];
	_ =	sdelay $0x3  }
0x34: {  	[smem:$0x3FB1] =	sst s10  }
0x35: {  	s10 =	sld [smem:$0x3FB0];
	_ =	sdelay $0x3  }
0x36: {  	p1 =	seq.s32 s10, $0x1;
	s10 =	sld [smem:$0x3FB1];
	_ =	sdelay $0x3  }
0x37: {  	[smem:$0x3FB1] =	sst s10  }
0x38: {  	s10 =	sld [smem:$0x3FB2]  }
0x39: {  	_ = 	snop;
	(pc) =	sbr.ind lr, $3  }
0x3a: {  	_ = 	snop  }
0x3b: {  	_ = 	snop  }
0x3c: {  	p2 =	seq.s32 s10, $0x1;
	s10 =	sld [smem:$0x3FB1]  }
0x3d: {  	_ =	shalt  }
0x3e: {  	_ =	shalt  }
0x3f: {  	_ =	shalt  }
0x40: {  	_ =	shalt  }
0x41: {  	_ =	shalt  }
0x42: {  	_ =	shalt  }
0x43: {  	_ =	shalt  }
0x44: {  	_ =	shalt  }
0x45: {  	_ =	shalt  }
0x46: {  	_ =	shalt  }
0x47: {  	_ =	shalt  }
0x48: {  	_ =	shalt  }
0x49: {  	_ =	shalt  }
0x4a: {  	_ =	shalt  }
0x4b: {  	_ =	shalt  }
0x4c: {  	_ =	shalt  }
0x4d: {  	_ =	shalt  }
0x4e: {  	_ =	shalt  }
0x4f: {  	_ =	shalt  }
0x50: {  	_ =	shalt  }
0x51: {  	_ =	shalt  }
0x52: {  	_ =	shalt  }
0x53: {  	_ =	shalt  }
0x54: {  	_ =	shalt  }
0x55: {  	_ =	shalt  }
0x56: {  	_ =	shalt  }
0x57: {  	_ =	shalt  }
0x58: {  	_ =	shalt  }
0x59: {  	_ =	shalt  }
0x5a: {  	_ =	shalt  }
0x5b: {  	_ =	shalt  }
0x5c: {  	_ =	shalt  }
0x5d: {  	_ =	shalt  }
0x5e: {  	_ =	shalt  }
0x5f: {  	_ =	shalt  }
0x60: {  	_ =	shalt  }
0x61: {  	_ =	shalt  }
0x62: {  	_ =	shalt  }
0x63: {  	_ =	shalt  }
0x64: {  	_ =	shalt  }
0x65: {  	_ =	shalt  }
0x66: {  	_ =	shalt  }
0x67: {  	_ =	shalt  }
0x68: {  	_ =	shalt  }
0x69: {  	_ =	shalt  }
0x6a: {  	_ =	shalt  }
0x6b: {  	_ =	shalt  }
0x6c: {  	_ =	shalt  }
0x6d: {  	_ =	shalt  }
0x6e: {  	_ =	shalt  }
0x6f: {  	_ =	shalt  }
0x70: {  	_ =	shalt  }
0x71: {  	_ =	shalt  }
0x72: {  	_ =	shalt  }
0x73: {  	_ =	shalt  }
0x74: {  	_ =	shalt  }
0x75: {  	_ =	shalt  }
0x76: {  	_ =	shalt  }
0x77: {  	_ =	shalt  }
0x78: {  	_ =	shalt  }
0x79: {  	_ =	shalt  }
0x7a: {  	_ =	shalt  }
0x7b: {  	_ =	shalt  }
0x7c: {  	_ =	shalt  }
0x7d: {  	_ =	shalt  }
0x7e: {  	_ =	shalt  }
0x7f: {  	_ =	shalt  }
0x80: {  	_ =	shalt  }
0x81: {  	_ =	shalt  }
0x82: {  	_ =	shalt  }
0x83: {  	_ =	shalt  }
0x84: {  	_ =	shalt  }
0x85: {  	_ =	shalt  }
0x86: {  	_ =	shalt  }
0x87: {  	_ =	shalt  }
.Lfunc_end0:
.L_simem_size_0:
called_computation.4_lowered:
.L_overlay_start_0:
0x88: {  	s2 =	sld [smem:$0x3FD9]  }
0x89: {  	s3 =	sld [smem:$0x3FFE];
	_ =	sdelay $0x1  }
0x8a: {  	s1 =	srdreg.scid  }
0x8b: {  	s0 =	sand.u32 $0x1, s1  }
0x8c: {  	s17 =	sshll.u32 s0, $0xA;
	s2 =	sadd.s32 s3, s2  }
0x8d: {  	s2 =	sadd.s32 s2, s17  }
0x8e: {  	[smem:$0x3FBD] =	sst s2  }
0x8f: {  	_ = 	snop  }
0x90: {  	s2 =	sld [smem:$0x3FD0];
	(tm) =	ssettm $0x1  }
0x91: {  	s18 =	sld [smem:$0x3FFB];
	_ =	sdelay $0x3  }
0x92: {  	_ =	strace s18  }
0x93: {  	s3 =	sld [smem:$0x3FFC];
	_ =	sdelay $0x3  }
0x94: {  	_ =	strace s3  }
0x95: {  	s3 =	sld [smem:$0x3FFD];
	_ =	sdelay $0x3  }
0x96: {  	_ =	strace s3  }
0x97: {  	_ =	strace $0x8FFFFFFF  }
0x98: {  	s19 =	sld [smem:$0x3FDB];
	_ =	sdelay $0x1  }
0x99: {  	s4 =	simm.s32 $_scs_section_size  }
0x9a: {  	s5 =	simm.s32 $_size__tile_overlayer_lowered;
	s6 =	simm.s32 $_tile_overlayer_lowered  }
0x9b: {  	s22 =	simm.s32 $0x1BFF;
	s21 =	sshll.u32 s6, $0x1;
	s3 =	sadd.s32 s4, s19  }
0x9c: {  	s7 =	simm.s32 $0x0;
	s20 =	sshll.u32 s5, $0x1;
	s5 =	sadd.s32 s21, s3  }
0x9d: {  	[timem:s7], [sflag:s22] =	dma.local [hbm:s5], s20  }
0x9e: {  	_ =	swait.ge [sflag:s22], s20  }
0x9f: {  	s4 =	ssub.s32 $0x0, s20;
	[sflag:s22] =	ssyncset.done $0x0  }
0xa0: {  	[sflag:s22] =	ssyncadd.s32 s4;
	_ =	sdelay $0x1  }
0xa1: {  	s23 =	simm.s32 $0x1B8B  }
0xa2: {  	_ =	swait.ge [sflag:s23], $0x1  }
0xa3: {  	[sflag:s23] =	ssyncset.done $0x0  }
0xa4: {  	s25 =	simm.s32 $0x1B8E;
	s24 =	sld [smem:$0x3FFE];
	[sflag:s23] =	ssyncadd.s32 $0xFFFFFFFF  }
0xa5: {  	s26 =	simm.s32 $execute0_lowered;
	[smem:$0x3FD2] =	sst s25  }
0xa6: {  	s5 =	sshll.u32 s26, $0x1;
	_ =	strace $0x80000052;
	[dreg:$0x1] =	wrdreg $0xFFFFFFFF  }
0xa7: {  	s28 =	simm.s32 $_size_execute0_lowered;
	s3 =	sadd.s32 s3, s5;
	[dreg:$0x0] =	wrdreg $0x0  }
0xa8: {  	s5 =	sshll.u32 s28, $0x1;
	[dreg:$0x2] =	wrdreg s3  }
0xa9: {  	[dreg:$0x3] =	wrdreg s5  }
0xaa: {  	[dreg:$0x4] =	wrdreg $0xC0  }
0xab: {  	_ =	task [dreg:s7], $0x5FFFF  }
0xac: {  	[dreg:$0x1] =	wrdreg $0xFFFFFFFF  }
0xad: {  	[dreg:$0x0] =	wrdreg $0x60  }
0xae: {  	[dreg:$0x2] =	wrdreg s24  }
0xaf: {  	[dreg:$0x3] =	wrdreg s2  }
0xb0: {  	[dreg:$0x4] =	wrdreg $0xA8000  }
0xb1: {  	[dreg:$0x5] =	wrdreg $0x9  }
0xb2: {  	_ =	task.clear_ibuf [dreg:s7], $0x6FFFF;
	_ =	strace $0x90000052  }
0xb3: {  	s29 =	simm.s32 $0x9;
	_ =	strace $0x80000054  }
0xb4: {  	_ =	swait.ge [sflag:s29], $0x1  }
0xb5: {  	[sflag:s29] =	ssyncadd.s32 $0xFFFFFFFF  }
0xb6: {  	_ =	strace $0x90000054  }
0xb7: {  	_ =	sfence  }
0xb8: {  	s30 =	sld [smem:$0x0];
	_ =	sdelay $0x2  }
0xb9: {  	s31 =	sshll.u32 s1, $0xD;
	s1 =	sshrl.u32 s1, $0x2  }
0xba: {  	s3 =	sand.u32 $0x4000, s31;
	s1 =	sadd.s32 s1, s30  }
0xbb: {  	s0 =	sor.u32 s3, s0;
	s1 =	sshll.u32 s1, $0x11  }
0xbc: {  	s0 =	sor.u32 s1, s0  }
0xbd: {  	s0 =	sadd.s32 $0x8F2B, s0  }
0xbe: {  	[sflag:s0] =	ssyncadd.remote.s32 $0x1  }
0xbf: {  	_ =	sfence.sel $0xFFFF  }
0xc0: {  	[dreg:$0x0] =	wrdreg $0xFFFFFFFF;
	(pc) =	sbr.abs _section_cstart, $3  }
0xc1: {  	[dreg:$0x1] =	wrdreg $0xFFFFFFFF  }
0xc2: {  	_ =	task.clear_ibuf [dreg:s7], $0x2FFFF;
	_ =	strace $0x9FFFFFFF  }
0xc3: {  	(tm) =	ssettm $0x7FFFFFFF  }
tec
execute0_lowered:
.L_overlay_start_1:
0x0: {  	(tag) =	ssettag $0x1  }
0x1: {  	s6 =	rddreg [dreg:$0x0]  }
0x2: {  	s9 =	rddreg [dreg:$0x1]  }
0x3: {  	s2 =	rddreg [dreg:$0x2];
	s3 =	simm.s32 $0x0  }
0x4: {  	s1 =	stileid.u32;
	s4 =	srdreg.scid;
	s16 =	simm.s32 $0x1400  }
0x5: {  	s17 =	simm.s32 $0x80;
	s18 =	simm.s32 $0x2800;
	s19 =	simm.s32 $0x6800  }
0x6: {  	s20 =	simm.s32 $0x1;
	s21 =	simm.s32 $0x2;
	s22 =	simm.s32 $0x1380  }
0x7: {  	s23 =	simm.s32 $0x2700;
	s24 =	simm.s32 $0x2780;
	[smem:$0x7FF] =	sst s3  }
0x8: {  	s10 =	smul.u32 $0x2800, s1;
	s8 =	sand.u32 $0x1, s4;
	s4 =	sadd.s32 $0xBD400, s6  }
0x9: {  	s5 =	sadd.s32 $0x9400, s6;
	s13 =	smul.u32 $0x50000, s1;
	s31 =	sshll.u32 s1, $0x6  }
0xa: {  	_ =	strace $0x80000053;
	s7 =	ssub.s32 $0x2, s8;
	s8 =	sshll.u32 s8, $0x1  }
0xb: {  	s11 =	sshrl.u32 s10, $0x3;
	s12 =	sshrl.u32 s7, $0x1;
	s30 =	sshrl.u32 s13, $0x2  }
0xc: {  	s9 =	sadd.s32 s9, s10;
	s10 =	sor.u32 $0x1C03, s31;
	s14 =	sadd.s32 s11, s6  }
0xd: {  	s6 =	sadd.s32 $0x1D400, s6;
	s29 =	ssub.s32 s7, s12;
	s7 =	smul.u32 $0x280, s1  }
0xe: {  	s15 =	sadd.s32 s30, s2;
	s11 =	smax.u32 s29, $0x1;
	s12 =	sadd.s32 $0x4400, s14  }
0xf: {  	s13 =	sadd.s32 $0x4680, s14;
	s14 =	sshrl.u32 s15, $0x3;
	s15 =	simm.s32 $0x3  }
.LBB2_1:
0x10: {  	p1 =	por $0x1, $0x1;
	s26 =	simm.s32 $0x0  }
.LBB2_2:
0x11: {  	s25 =	sor.u32 s8, s26  }
0x12: {  	[spmem:s14], [sflag:s10] =	dma.local [hbm:s9], $0x2800  }
0x13: {  	s26 =	sshll.u32 s25, $0x4  }
0x14: {  	s26 =	sor.u32 s1, s26  }
0x15: {  	_ =	swait.ge [sflag:s15], $0x2800;
	s26 =	smul.u32 $0x2800, s26  }
0x16: {  	[sflag:s15] =	ssyncset.done $0x0  }
0x17: {  	[sflag:s15] =	ssyncadd.s32 $0xFFFFD800;
	s26 =	sshrl.u32 s26, $0x3  }
0x18: {  	s28 =	simm.s32 $0x0;
	[bflag:$0x0] =	sbarrier.arrive $0xFFFF;
	s26 =	sadd.s32 s5, s26  }
0x19: {  	[tilespmem:s28], [sflag:$0x3] =	stream.linear.gather [hbm4b:s26+s28], $0x1400, $0x38;
	[tilespmem:$0x1E800] =	vst v63  }
0x1a: {  	_ =	swait.ge [sflag:s15], $0x1400  }
0x1b: {  	[sflag:s15] =	ssyncset.done $0x0  }
0x1c: {  	[sflag:s15] =	ssyncadd.s32 $0xFFFFEC00  }
0x1d: {  	[tilespmem:s16], [sflag:$0x3] =	stream.linear.gather [hbm4b:s12+s28], $0x1400, $0x38;
	[tilespmem:$0x1E800] =	vst v63  }
0x1e: {  	_ =	swait.ge [sflag:s15], $0x1400  }
0x1f: {  	[sflag:s15] =	ssyncset.done $0x0  }
0x20: {  	[sflag:s15] =	ssyncadd.s32 $0xFFFFEC00  }
0x21: {  	[tilespmem:s18], [sflag:$0x1] =	stream.indirect.gather [hbm4b:s4+s17], $0x80, s28, s17, $0xb8;
	[tilespmem:$0x1E800] =	vst v63  }
0x22: {  	s28 =	simm.s32 $0x80  }
0x23: {  	[tilespmem:s19], [sflag:$0x2] =	stream.indirect.gather [hbm4b:s4+s17], $0x80, s28, s17, $0xb8;
	[tilespmem:$0x1E800] =	vst v63  }
0x24: {  	_ =	swait.ge [sflag:s20], $0x4000  }
0x25: {  	[sflag:s20] =	ssyncset.done $0x0  }
0x26: {  	s28 =	simm.s32 $0x1400;
	[sflag:s20] =	ssyncadd.s32 $0xFFFFC000  }
0x27: {  	[spmem:s2] =	stream.indirect.scatter.add.f32 [tilespmem:s18], [sflag:$0x3], $0x80, s28, s17, $0xb8;
	[tilespmem:$0x1E800] =	vst v63  }
0x28: {  	_ =	swait.ge [sflag:s15], $0x4000  }
0x29: {  	[sflag:s15] =	ssyncset.done $0x0  }
0x2a: {  	s28 =	simm.s32 $0x100;
	[sflag:s15] =	ssyncadd.s32 $0xFFFFC000  }
0x2b: {  	[tilespmem:s18], [sflag:$0x1] =	stream.indirect.gather [hbm4b:s4+s17], $0x80, s28, s17, $0xb8;
	[tilespmem:$0x1E800] =	vst v63  }
0x2c: {  	_ =	swait.ge [sflag:s21], $0x4000  }
0x2d: {  	[sflag:s21] =	ssyncset.done $0x0  }
0x2e: {  	s28 =	simm.s32 $0x1480;
	[sflag:s21] =	ssyncadd.s32 $0xFFFFC000  }
0x2f: {  	[spmem:s2] =	stream.indirect.scatter.add.f32 [tilespmem:s19], [sflag:$0x3], $0x80, s28, s17, $0xb8;
	[tilespmem:$0x1E800] =	vst v63  }
0x30: {  	p0 =	por p1, p1;
	_ =	swait.ge [sflag:s15], $0x4000  }
0x31: {  	s29 =	simm.s32 $0x800;
	s28 =	simm.s32 $0x100;
	[sflag:s15] =	ssyncset.done $0x0  }
.LBB2_3:
0x32: {  	s30 =	sadd.s32 $0x80, s28  }
0x33: {  	[sflag:s15] =	ssyncadd.s32 $0xFFFFC000;
	s31 =	smov.u32 s29;
	s0 =	sadd.s32 $0x400, s29  }
0x34: {  	[tilespmem:s19], [sflag:$0x2] =	stream.indirect.gather [hbm4b:s4+s17], $0x80, s30, s17, $0xb8;
	[tilespmem:$0x1E800] =	vst v63  }
0x35: {  	p1 =	sne.s32 s29, $0x4800;
	_ =	swait.ge [sflag:s20], $0x4000  }
0x36: {  	[sflag:s20] =	ssyncset.done $0x0  }
0x37: {  	s29 =	sadd.s32 $0x1400, s28;
	[sflag:s20] =	ssyncadd.s32 $0xFFFFC000  }
0x38: {  	[spmem:s2] =	stream.indirect.scatter.add.f32 [tilespmem:s18], [sflag:$0x3], $0x80, s29, s17, $0xb8;
	[tilespmem:$0x1E800] =	vst v63  }
0x39: {  	_ =	swait.ge [sflag:s15], $0x4000  }
0x3a: {  	[sflag:s15] =	ssyncset.done $0x0  }
0x3b: {  	s29 =	sadd.s32 $0x100, s28;
	[sflag:s15] =	ssyncadd.s32 $0xFFFFC000  }
0x3c: {  	[tilespmem:s18], [sflag:$0x1] =	stream.indirect.gather [hbm4b:s4+s17], $0x80, s29, s17, $0xb8;
	[tilespmem:$0x1E800] =	vst v63  }
0x3d: {  	_ =	swait.ge [sflag:s21], $0x4000  }
.Ltmp0:
0x3e: {  	[sflag:s21] =	ssyncset.done $0x0;
	(pc) =	sbr.rel @p1 .LBB2_3-.Ltmp0, $4  }
0x3f: {  	s28 =	sadd.s32 $0x1480, s28;
	[sflag:s21] =	ssyncadd.s32 $0xFFFFC000  }
0x40: {  	[spmem:s2] =	stream.indirect.scatter.add.f32 [tilespmem:s19], [sflag:$0x3], $0x80, s28, s17, $0xb8;
	[tilespmem:$0x1E800] =	vst v63  }
0x41: {  	_ =	swait.ge [sflag:s15], $0x4000  }
0x42: {  	s29 =	smov.u32 s0;
	s28 =	sshra.s32 s31, $0x2;
	[sflag:s15] =	ssyncset.done $0x0  }
0x43: {  	s0 =	sadd.s32 $0x80, s28;
	[sflag:s15] =	ssyncadd.s32 $0xFFFFC000  }
0x44: {  	[tilespmem:s19], [sflag:$0x2] =	stream.indirect.gather [hbm4b:s4+s17], $0x80, s0, s17, $0xb8;
	[tilespmem:$0x1E800] =	vst v63  }
0x45: {  	_ =	swait.ge [sflag:s20], $0x4000  }
0x46: {  	[sflag:s20] =	ssyncset.done $0x0  }
0x47: {  	s30 =	sadd.s32 $0x1400, s28;
	[sflag:s20] =	ssyncadd.s32 $0xFFFFC000  }
0x48: {  	[spmem:s2] =	stream.indirect.scatter.add.f32 [tilespmem:s18], [sflag:$0x3], $0x80, s30, s17, $0xb8;
	[tilespmem:$0x1E800] =	vst v63  }
0x49: {  	_ =	swait.ge [sflag:s15], $0x4000  }
0x4a: {  	[sflag:s15] =	ssyncset.done $0x0  }
0x4b: {  	s31 =	sadd.s32 $0x100, s28;
	[sflag:s15] =	ssyncadd.s32 $0xFFFFC000  }
0x4c: {  	[tilespmem:s18], [sflag:$0x1] =	stream.indirect.gather [hbm4b:s4+s17], $0x80, s31, s17, $0xb8;
	[tilespmem:$0x1E800] =	vst v63  }
0x4d: {  	_ =	swait.ge [sflag:s21], $0x4000  }
0x4e: {  	[sflag:s21] =	ssyncset.done $0x0  }
0x4f: {  	s29 =	sadd.s32 $0x1480, s28;
	[sflag:s21] =	ssyncadd.s32 $0xFFFFC000  }
0x50: {  	[spmem:s2] =	stream.indirect.scatter.add.f32 [tilespmem:s19], [sflag:$0x3], $0x80, s29, s17, $0xb8;
	[tilespmem:$0x1E800] =	vst v63  }
0x51: {  	_ =	swait.ge [sflag:s15], $0x4000  }
0x52: {  	[sflag:s15] =	ssyncset.done $0x0  }
0x53: {  	[sflag:s15] =	ssyncadd.s32 $0xFFFFC000  }
0x54: {  	[tilespmem:s19], [sflag:$0x2] =	stream.indirect.gather [hbm4b:s4+s17], $0x80, s22, s17, $0xb8;
	[tilespmem:$0x1E800] =	vst v63  }
0x55: {  	_ =	swait.ge [sflag:s20], $0x4000  }
0x56: {  	[sflag:s20] =	ssyncset.done $0x0  }
0x57: {  	[sflag:s20] =	ssyncadd.s32 $0xFFFFC000  }
0x58: {  	[spmem:s2] =	stream.indirect.scatter.add.f32 [tilespmem:s18], [sflag:$0x3], $0x80, s23, s17, $0xb8;
	[tilespmem:$0x1E800] =	vst v63  }
0x59: {  	_ =	swait.ge [sflag:s15], $0x4000  }
0x5a: {  	[sflag:s15] =	ssyncset.done $0x0  }
0x5b: {  	[sflag:s15] =	ssyncadd.s32 $0xFFFFC000  }
0x5c: {  	_ =	swait.ge [sflag:s21], $0x4000  }
0x5d: {  	[sflag:s21] =	ssyncset.done $0x0  }
0x5e: {  	[sflag:s21] =	ssyncadd.s32 $0xFFFFC000  }
0x5f: {  	[spmem:s2] =	stream.indirect.scatter.add.f32 [tilespmem:s19], [sflag:$0x3], $0x80, s24, s17, $0xb8;
	[tilespmem:$0x1E800] =	vst v63  }
0x60: {  	_ =	swait.ge [sflag:s15], $0x4000  }
0x61: {  	[sflag:s15] =	ssyncset.done $0x0  }
0x62: {  	s30 =	sadd.s32 $0x280, s26;
	s31 =	simm.s32 $0x0;
	[sflag:s15] =	ssyncadd.s32 $0xFFFFC000  }
0x63: {  	[tilespmem:s31], [sflag:$0x3] =	stream.linear.gather [hbm4b:s30+s31], $0x1400, $0x38;
	[tilespmem:$0x1E800] =	vst v63  }
0x64: {  	_ =	swait.ge [sflag:s15], $0x1400  }
0x65: {  	[sflag:s15] =	ssyncset.done $0x0  }
0x66: {  	[sflag:s15] =	ssyncadd.s32 $0xFFFFEC00  }
0x67: {  	[tilespmem:s16], [sflag:$0x3] =	stream.linear.gather [hbm4b:s13+s31], $0x1400, $0x38;
	[tilespmem:$0x1E800] =	vst v63  }
0x68: {  	_ =	swait.ge [sflag:s15], $0x1400  }
0x69: {  	[sflag:s15] =	ssyncset.done $0x0  }
0x6a: {  	[sflag:s15] =	ssyncadd.s32 $0xFFFFEC00  }
0x6b: {  	[tilespmem:s18], [sflag:$0x1] =	stream.indirect.gather [hbm4b:s4+s17], $0x80, s31, s17, $0xb8;
	[tilespmem:$0x1E800] =	vst v63  }
0x6c: {  	s26 =	simm.s32 $0x80  }
0x6d: {  	[tilespmem:s19], [sflag:$0x2] =	stream.indirect.gather [hbm4b:s4+s17], $0x80, s26, s17, $0xb8;
	[tilespmem:$0x1E800] =	vst v63  }
0x6e: {  	_ =	swait.ge [sflag:s20], $0x4000  }
0x6f: {  	[sflag:s20] =	ssyncset.done $0x0  }
0x70: {  	s29 =	simm.s32 $0x1400;
	[sflag:s20] =	ssyncadd.s32 $0xFFFFC000  }
0x71: {  	[spmem:s2] =	stream.indirect.scatter.add.f32 [tilespmem:s18], [sflag:$0x3], $0x80, s29, s17, $0xb8;
	[tilespmem:$0x1E800] =	vst v63  }
0x72: {  	_ =	swait.ge [sflag:s15], $0x4000  }
0x73: {  	[sflag:s15] =	ssyncset.done $0x0  }
0x74: {  	s30 =	simm.s32 $0x100;
	[sflag:s15] =	ssyncadd.s32 $0xFFFFC000  }
0x75: {  	[tilespmem:s18], [sflag:$0x1] =	stream.indirect.gather [hbm4b:s4+s17], $0x80, s30, s17, $0xb8;
	[tilespmem:$0x1E800] =	vst v63  }
0x76: {  	_ =	swait.ge [sflag:s21], $0x4000  }
0x77: {  	[sflag:s21] =	ssyncset.done $0x0  }
0x78: {  	s31 =	simm.s32 $0x1480;
	[sflag:s21] =	ssyncadd.s32 $0xFFFFC000  }
0x79: {  	[spmem:s2] =	stream.indirect.scatter.add.f32 [tilespmem:s19], [sflag:$0x3], $0x80, s31, s17, $0xb8;
	[tilespmem:$0x1E800] =	vst v63  }
0x7a: {  	_ =	swait.ge [sflag:s15], $0x4000  }
0x7b: {  	s28 =	simm.s32 $0x800;
	s26 =	simm.s32 $0x100;
	[sflag:s15] =	ssyncset.done $0x0  }
.LBB2_5:
0x7c: {  	s0 =	sadd.s32 $0x80, s26  }
0x7d: {  	[sflag:s15] =	ssyncadd.s32 $0xFFFFC000;
	s29 =	smov.u32 s28;
	s30 =	sadd.s32 $0x400, s28  }
0x7e: {  	[tilespmem:s19], [sflag:$0x2] =	stream.indirect.gather [hbm4b:s4+s17], $0x80, s0, s17, $0xb8;
	[tilespmem:$0x1E800] =	vst v63  }
0x7f: {  	p1 =	sne.s32 s28, $0x4800;
	_ =	swait.ge [sflag:s20], $0x4000  }
0x80: {  	[sflag:s20] =	ssyncset.done $0x0  }
0x81: {  	s0 =	sadd.s32 $0x1400, s26;
	[sflag:s20] =	ssyncadd.s32 $0xFFFFC000  }
0x82: {  	[spmem:s2] =	stream.indirect.scatter.add.f32 [tilespmem:s18], [sflag:$0x3], $0x80, s0, s17, $0xb8;
	[tilespmem:$0x1E800] =	vst v63  }
0x83: {  	_ =	swait.ge [sflag:s15], $0x4000  }
0x84: {  	[sflag:s15] =	ssyncset.done $0x0  }
0x85: {  	s0 =	sadd.s32 $0x100, s26;
	[sflag:s15] =	ssyncadd.s32 $0xFFFFC000  }
0x86: {  	[tilespmem:s18], [sflag:$0x1] =	stream.indirect.gather [hbm4b:s4+s17], $0x80, s0, s17, $0xb8;
	[tilespmem:$0x1E800] =	vst v63  }
0x87: {  	_ =	swait.ge [sflag:s21], $0x4000  }
.Ltmp1:
0x88: {  	[sflag:s21] =	ssyncset.done $0x0;
	(pc) =	sbr.rel @p1 .LBB2_5-.Ltmp1, $4  }
0x89: {  	s0 =	sadd.s32 $0x1480, s26;
	[sflag:s21] =	ssyncadd.s32 $0xFFFFC000  }
0x8a: {  	[spmem:s2] =	stream.indirect.scatter.add.f32 [tilespmem:s19], [sflag:$0x3], $0x80, s0, s17, $0xb8;
	[tilespmem:$0x1E800] =	vst v63  }
0x8b: {  	_ =	swait.ge [sflag:s15], $0x4000  }
0x8c: {  	s28 =	smov.u32 s30;
	s26 =	sshra.s32 s29, $0x2;
	[sflag:s15] =	ssyncset.done $0x0  }
0x8d: {  	s0 =	sadd.s32 $0x80, s26;
	[sflag:s15] =	ssyncadd.s32 $0xFFFFC000  }
0x8e: {  	[tilespmem:s19], [sflag:$0x2] =	stream.indirect.gather [hbm4b:s4+s17], $0x80, s0, s17, $0xb8;
	[tilespmem:$0x1E800] =	vst v63  }
0x8f: {  	_ =	swait.ge [sflag:s20], $0x4000  }
0x90: {  	[sflag:s20] =	ssyncset.done $0x0  }
0x91: {  	s28 =	sadd.s32 $0x1400, s26;
	[sflag:s20] =	ssyncadd.s32 $0xFFFFC000  }
0x92: {  	[spmem:s2] =	stream.indirect.scatter.add.f32 [tilespmem:s18], [sflag:$0x3], $0x80, s28, s17, $0xb8;
	[tilespmem:$0x1E800] =	vst v63  }
0x93: {  	_ =	swait.ge [sflag:s15], $0x4000  }
0x94: {  	[sflag:s15] =	ssyncset.done $0x0  }
0x95: {  	s29 =	sadd.s32 $0x100, s26;
	[sflag:s15] =	ssyncadd.s32 $0xFFFFC000  }
0x96: {  	[tilespmem:s18], [sflag:$0x1] =	stream.indirect.gather [hbm4b:s4+s17], $0x80, s29, s17, $0xb8;
	[tilespmem:$0x1E800] =	vst v63  }
0x97: {  	_ =	swait.ge [sflag:s21], $0x4000  }
0x98: {  	[sflag:s21] =	ssyncset.done $0x0  }
0x99: {  	s30 =	sadd.s32 $0x1480, s26;
	[sflag:s21] =	ssyncadd.s32 $0xFFFFC000  }
0x9a: {  	[spmem:s2] =	stream.indirect.scatter.add.f32 [tilespmem:s19], [sflag:$0x3], $0x80, s30, s17, $0xb8;
	[tilespmem:$0x1E800] =	vst v63  }
0x9b: {  	_ =	swait.ge [sflag:s15], $0x4000  }
0x9c: {  	[sflag:s15] =	ssyncset.done $0x0  }
0x9d: {  	s26 =	simm.s32 $0x1;
	[sflag:s15] =	ssyncadd.s32 $0xFFFFC000  }
0x9e: {  	[tilespmem:s19], [sflag:$0x2] =	stream.indirect.gather [hbm4b:s4+s17], $0x80, s22, s17, $0xb8;
	[tilespmem:$0x1E800] =	vst v63  }
0x9f: {  	_ =	swait.ge [sflag:s26], $0x4000  }
0xa0: {  	[sflag:s26] =	ssyncset.done $0x0  }
0xa1: {  	[sflag:s26] =	ssyncadd.s32 $0xFFFFC000  }
0xa2: {  	[spmem:s2] =	stream.indirect.scatter.add.f32 [tilespmem:s18], [sflag:$0x3], $0x80, s23, s17, $0xb8;
	[tilespmem:$0x1E800] =	vst v63  }
0xa3: {  	_ =	swait.ge [sflag:s15], $0x4000  }
0xa4: {  	[sflag:s15] =	ssyncset.done $0x0  }
0xa5: {  	[sflag:s15] =	ssyncadd.s32 $0xFFFFC000  }
0xa6: {  	_ =	swait.ge [sflag:s21], $0x4000  }
0xa7: {  	[sflag:s21] =	ssyncset.done $0x0  }
0xa8: {  	s31 =	smul.u32 $0x2800, s25;
	[sflag:s21] =	ssyncadd.s32 $0xFFFFC000  }
0xa9: {  	[spmem:s2] =	stream.indirect.scatter.add.f32 [tilespmem:s19], [sflag:$0x3], $0x80, s24, s17, $0xb8;
	[tilespmem:$0x1E800] =	vst v63  }
0xaa: {  	_ =	swait.ge [sflag:s15], $0x4000  }
0xab: {  	s0 =	sadd.s32 s7, s31;
	[sflag:s15] =	ssyncset.done $0x0  }
0xac: {  	s0 =	sshll.u32 s0, $0x4;
	[sflag:s15] =	ssyncadd.s32 $0xFFFFC000  }
.Ltmp2:
0xad: {  	s0 =	sadd.s32 s6, s0;
	[bflag:$0x0] =	sbarrier.arrive $0xFFFF;
	(pc) =	sbr.rel @p0 .LBB2_2-.Ltmp2, $4  }
0xae: {  	[hbm:s0], [sflag:s10] =	dma.local [spmem:s14], $0x2800  }
0xaf: {  	_ =	swait.ge [sflag:s15], $0x2800  }
0xb0: {  	[sflag:s15] =	ssyncset.done $0x0  }
0xb1: {  	p1 =	por $0x0, $0x0;
	[sflag:s15] =	ssyncadd.s32 $0xFFFFD800  }
0xb2: {  	s3 =	sadd.s32 $0x1, s3  }
0xb3: {  	p0 =	sne.s32 s3, s11  }
.Ltmp3:
0xb4: {  	_ = 	snop;
	(pc) =	sbr.rel @p0 .LBB2_1-.Ltmp3, $1  }
0xb5: {  	_ =	sdelay $0x3  }
0xb6: {  	_ =	sfence.sel $0x180000  }
0xb7: {  	[bflag:$0x0] =	sbarrier.arrive $0xFFFF  }
0xb8: {  	_ =	strace $0x90000053  }
0xb9: {  	[bflag:$0x2] =	sbarrier.arrive $0xFFFF  }
0xba: {  	p0 =	sne.s32 s1, $0x0;
	s0 =	rddreg [dreg:$0x3]  }
0xbb: {  	s0 =	sadd.s32 @!p0 $0x100000, s0  }
0xbc: {  	[sflag:s0] =	ssyncadd.tile.s32 @!p0 $0x1;
	_ =	shalt  }
.Lfunc_end2:
_tile_overlayer_lowered:
.L_overlay_start_2:
0xbd: {  	(tag) =	ssettag $0x2  }
0xbe: {  	s0 =	rddreg [dreg:$0x0];
	s2 =	stileid.u32  }
0xbf: {  	s1 =	rddreg [dreg:$0x1];
	p0 =	sne.s32 s2, $0x0  }
0xc0: {  	s3 =	rddreg [dreg:$0x2];
	[bflag:$0x3] =	sbarrier.arrive $0xFFFF;
	s2 =	simm.s32 @!p0 $0x1C03  }
0xc1: {  	[timem:s3], [sflag:s2] =	dma.local @!p0 [hbm:s0], s1  }
0xc2: {  	s0 =	simm.s32 @!p0 $0x3  }
0xc3: {  	_ =	swait.ge @!p0 [sflag:s0], s1  }
0xc4: {  	s1 =	ssub.s32 @!p0 $0x0, s1;
	[sflag:s0] =	ssyncset.done @!p0 $0x0  }
0xc5: {  	[sflag:s0] =	ssyncadd.s32 @!p0 s1  }
0xc6: {  	[bflag:$0x3] =	sbarrier.arrive $0xFFFF  }
0xc7: {  	_ =	shalt  }

</sc_bundles>
